<compile_context>
chip_gen: v7x
topology: tpu7x:2x2x1
jax: 0.10.2.dev20260603
libtpu: 0.0.44.dev20260713+nightly
codegen_flags: <defaults>
</compile_context>

<pallas_src>
import functools

import numpy as np
import jax
import jax.numpy as jnp
from jax import lax
from jax.experimental import pallas as pl
from jax.experimental.pallas import tpu as pltpu
from jax.experimental.pallas import tpu_sc as plsc

_L = 16
_F = 2
_T = 2 ** 19
_N = 131072
_HID = 64
_MASK = _T - 1

_min_res = np.array([16.0, 16.0, 16.0, 16.0])
_max_res = np.array([256.0, 256.0, 256.0, 128.0])
_b = np.exp((np.log(_max_res) - np.log(_min_res)) / (_L - 1))
_RES = np.floor(_min_res[None, :] * (_b[None, :] ** np.arange(_L)[:, None])).astype(np.int64)
_RM1 = _RES.astype(np.float32) - 1.0
_PRIMES = [int(np.int32(np.uint32(p))) for p in (1, 2654435761, 805459861, 3674653429)]

_NTILES = 32
_PTS_PER_TILE = _N // _NTILES
_CHUNK = 256
_CHUNKS_PER_TILE = _PTS_PER_TILE // _CHUNK
_NG = _CHUNK // 16
_NROWS = _CHUNK * 16
_NSTREAM = _NROWS // 128
_NCHUNKS = _N // _CHUNK

_PERM = np.zeros((256, 256), dtype=np.float32)
for _j in range(256):
    _PERM[_j, 2 * (_j & 127) + (_j >> 7)] = 1.0

_IL_BLK = 1048576


def _il_body(x_ref, p_ref, o_ref):
    x = x_ref[...].reshape(_IL_BLK // 256, 256)
    o = jnp.dot(x, p_ref[...], preferred_element_type=jnp.float32,
                precision=lax.Precision.HIGHEST)
    o_ref[...] = o.reshape(_IL_BLK)


def _interleave(tblf):
    grid = (_L * _T * _F // _IL_BLK,)
    return pl.pallas_call(
        _il_body,
        grid=grid,
        in_specs=[
            pl.BlockSpec((_IL_BLK,), lambda i: (i,)),
            pl.BlockSpec((256, 256), lambda i: (0, 0)),
        ],
        out_specs=pl.BlockSpec((_IL_BLK,), lambda i: (i,)),
        out_shape=jax.ShapeDtypeStruct((_L * _T * _F,), jnp.float32),
    )(tblf, jnp.asarray(_PERM))


def _enc_body(x_hbm, tbl_hbm, rsp_hbm, out_hbm, xcr, xc, rs, ibuf, sbuf, wbuf, rows, fbuf, sem):
    cid = lax.axis_index("c")
    sid = lax.axis_index("s")
    wid = cid * 16 + sid
    pltpu.sync_copy(rsp_hbm, rs)
    iota = lax.iota(jnp.int32, 16)
    zi = jnp.zeros((16,), jnp.int32)
    iota_h = iota >> 1
    iota_o4 = (iota & 1) * 4

    def chunk_body(ch, carry):
        gchunk = wid * _CHUNKS_PER_TILE + ch
        pt0 = gchunk * _CHUNK
        pltpu.sync_copy(x_hbm.at[pl.ds(pt0 // 2, _CHUNK // 2)], xcr)

        def tr_body(g, ct):
            g16 = g * 16
            vrow = iota_h + g * 8
            for d in range(4):
                xc[d, pl.ds(g16, 16)] = plsc.load_gather(xcr, [vrow, iota_o4 + d])
            return ct

        lax.fori_loop(0, _NG, tr_body, 0)

        def compute_and_fire(lv, b):
            lbase = lv * _T
            rm = [rs[lv, d, :] for d in range(4)]

            def idx_body(g, c3):
                g16 = g * 16
                kk = g >> 3
                colb = (g & 7) * 16
                xs = [xc[d, pl.ds(g16, 16)] for d in range(4)]
                pos = [xs[d] * rm[d] for d in range(4)]
                p0i = [pos[d].astype(jnp.int32) for d in range(4)]
                frac = [pos[d] - p0i[d].astype(jnp.float32) for d in range(4)]
                h0 = [p0i[d] * _PRIMES[d] for d in range(4)]
                h1 = [h0[d] + _PRIMES[d] for d in range(4)]
                H = [h0, h1]
                w1 = frac
                w0 = [1.0 - frac[d] for d in range(4)]
                WD = [w0, w1]
                A = [[H[b0][0] ^ H[b1][1] for b1 in (0, 1)] for b0 in (0, 1)]
                B = [[H[b2][2] ^ H[b3][3] for b3 in (0, 1)] for b2 in (0, 1)]
                WA = [[WD[b0][0] * WD[b1][1] for b1 in (0, 1)] for b0 in (0, 1)]
                WB = [[WD[b2][2] * WD[b3][3] for b3 in (0, 1)] for b2 in (0, 1)]
                for c in range(16):
                    b0, b1, b2, b3 = c & 1, (c >> 1) & 1, (c >> 2) & 1, (c >> 3) & 1
                    s_c = ((A[b0][b1] ^ B[b2][b3]) & _MASK) + lbase
                    ibuf[b, 2 * c + kk, pl.ds(colb, 16)] = s_c >> 2
                    sbuf[b, c, pl.ds(g16, 16)] = (s_c & 3) * 2
                    wbuf[b, c, pl.ds(g16, 16)] = WA[b0][b1] * WB[b2][b3]
                return c3

            lax.fori_loop(0, _NG, idx_body, 0)

            def fire(k, c4):
                pltpu.async_copy(tbl_hbm.at[ibuf.at[b, k]], rows.at[b, k], sem.at[b])
                return c4

            lax.fori_loop(0, _NSTREAM, fire, 0)

        def drain_and_acc(l, b):
            def drain(k, c5):
                pltpu.make_async_copy(
                    tbl_hbm.at[ibuf.at[0, 0]], rows.at[0, 0], sem.at[b]).wait()
                return c5

            lax.fori_loop(0, _NSTREAM, drain, 0)
            vb = zi + b

            def acc_body(g, c6):
                g16 = g * 16
                kk = g >> 3
                colb = (g & 7) * 16
                vcol = iota + colb
                vrow0 = zi + kk
                acc0 = jnp.zeros((16,), jnp.float32)
                acc1 = jnp.zeros((16,), jnp.float32)
                for c in range(16):
                    vrow = vrow0 + 2 * c
                    vsub = sbuf[b, c, pl.ds(g16, 16)]
                    w = wbuf[b, c, pl.ds(g16, 16)]
                    f0 = plsc.load_gather(rows, [vb, vrow, vcol, vsub])
                    f1 = plsc.load_gather(rows, [vb, vrow, vcol, vsub + 1])
                    acc0 = acc0 + w * f0
                    acc1 = acc1 + w * f1
                fbuf[2 * l, pl.ds(g16, 16)] = acc0
                fbuf[2 * l + 1, pl.ds(g16, 16)] = acc1
                return c6

            lax.fori_loop(0, _NG, acc_body, 0)

        compute_and_fire(0, 0)

        def level_body(l, carry2):
            b = l & 1

            @pl.when(l + 1 < _L)
            def _():
                compute_and_fire(l + 1, 1 - b)

            drain_and_acc(l, b)
            return carry2

        lax.fori_loop(0, _L, level_body, 0)
        pltpu.sync_copy(fbuf, out_hbm.at[gchunk])
        return carry

    lax.fori_loop(0, _CHUNKS_PER_TILE, chunk_body, 0)


@functools.partial(jax.jit, static_argnames=())
def _encode(x, tbl2, rsp):
    mesh = plsc.VectorSubcoreMesh(core_axis_name="c", subcore_axis_name="s")
    f = pl.kernel(
        _enc_body,
        out_type=jax.ShapeDtypeStruct((_NCHUNKS, _L * _F, _CHUNK), jnp.float32),
        mesh=mesh,
        compiler_params=pltpu.CompilerParams(
            needs_layout_passes=False, use_tc_tiling_on_sc=False),
        scratch_types=[
            pltpu.VMEM((_CHUNK // 2, 8), jnp.float32),
            pltpu.VMEM((4, _CHUNK), jnp.float32),
            pltpu.VMEM((_L, 4, 16), jnp.float32),
            pltpu.VMEM((2, _NSTREAM, 128), jnp.int32),
            pltpu.VMEM((2, 16, _CHUNK), jnp.int32),
            pltpu.VMEM((2, 16, _CHUNK), jnp.float32),
            pltpu.VMEM((2, _NSTREAM, 128, 8), jnp.float32),
            pltpu.VMEM((_L * _F, _CHUNK), jnp.float32),
            pltpu.SemaphoreType.DMA((2,)),
        ],
    )
    return f(x, tbl2, rsp)


_MLP_CPB = 16


def _mlp_body(x_ref, w0_ref, w1_ref, w2_ref, wo_ref, bo_ref, o_ref):
    x = jnp.concatenate([x_ref[c] for c in range(_MLP_CPB)], axis=1)
    h = jnp.maximum(jnp.dot(w0_ref[...], x, preferred_element_type=jnp.float32), 0.0)
    h = jnp.maximum(jnp.dot(w1_ref[...], h, preferred_element_type=jnp.float32), 0.0)
    h = jnp.maximum(jnp.dot(w2_ref[...], h, preferred_element_type=jnp.float32), 0.0)
    for c in range(_MLP_CPB):
        v = lax.dot_general(
            h[:, c * _CHUNK:(c + 1) * _CHUNK], wo_ref[...],
            (((0,), (0,)), ((), ())), preferred_element_type=jnp.float32)
        o_ref[c] = v + bo_ref[...]


def _mlp(feats, W0T, W1T, W2T, Wout, bout2):
    grid = (_NCHUNKS // _MLP_CPB,)
    return pl.pallas_call(
        _mlp_body,
        grid=grid,
        in_specs=[
            pl.BlockSpec((_MLP_CPB, _L * _F, _CHUNK), lambda i: (i, 0, 0)),
            pl.BlockSpec((_HID, _L * _F), lambda i: (0, 0)),
            pl.BlockSpec((_HID, _HID), lambda i: (0, 0)),
            pl.BlockSpec((_HID, _HID), lambda i: (0, 0)),
            pl.BlockSpec((_HID, 3), lambda i: (0, 0)),
            pl.BlockSpec((1, 3), lambda i: (0, 0)),
        ],
        out_specs=pl.BlockSpec((_MLP_CPB, _CHUNK, 3), lambda i: (i, 0, 0)),
        out_shape=jax.ShapeDtypeStruct((_NCHUNKS, _CHUNK, 3), jnp.float32),
    )(feats, W0T, W1T, W2T, Wout, bout2)


def kernel(x, table, W0, W1, W2, Wout, bout):
    tblf = table.reshape(_L, _T // 128, 128, _F).transpose(0, 1, 3, 2).reshape(_L * _T * _F)
    tbli = _interleave(tblf)
    tbl8 = tbli.reshape(_L * _T * _F // 8, 8)
    rsp = jnp.asarray(np.broadcast_to(_RM1[:, :, None], (_L, 4, 16)).copy())
    feats = _encode(x.reshape(_N // 2, 8), tbl8, rsp)
    out = _mlp(feats, W0.T, W1.T, W2.T, Wout, bout.reshape(1, 3))
    return out.reshape(_N, 3)

# --- scband reference (transcript-rebuilt; emitter-appended) ---
"""Pipeline reference for scband-ingp-2362232013066 (READ-ONLY COPY).

The authoritative reference and input builder live on the scoring server;
editing this copy changes nothing except your own understanding.
"""

import jax, jax.numpy as jnp
import numpy as np

L = 16
F = 2
T = 2 ** 19
N = 131072
HIDDEN = 64
NUM_LAYERS = 3

_min_res = np.array([16.0, 16.0, 16.0, 16.0])
_max_res = np.array([256.0, 256.0, 256.0, 128.0])
_b = np.exp((np.log(_max_res) - np.log(_min_res)) / (L - 1))
RES_LEVELS = np.floor(_min_res[None, :] * (_b[None, :] ** np.arange(L)[:, None])).astype(np.int64)  # [L,4]
PRIMES = np.array([1, 2654435761, 805459861, 3674653429], dtype=np.uint32)


def hash4_encode(x, table):
    # x: [N,4] in [0,1); table: [L,T,F]
    primes = jnp.asarray(PRIMES)  # uint32 [4]
    feats = []
    for l in range(L):
        res = jnp.asarray(RES_LEVELS[l].astype(np.float32))  # [4]
        pos = x * (res - 1.0)
        pos0f = jnp.floor(pos)
        frac = pos - pos0f
        pos0 = pos0f.astype(jnp.uint32)  # [N,4]
        f_l = jnp.zeros((x.shape[0], F), dtype=jnp.float32)
        for corner in range(16):
            offs_np = np.array([(corner >> d) & 1 for d in range(4)], dtype=np.uint32)
            offs = jnp.asarray(offs_np)
            c = pos0 + offs[None, :]  # [N,4] uint32
            w = jnp.prod(jnp.where(offs[None, :] == 1, frac, 1.0 - frac), axis=1)  # [N]
            h = c * primes[None, :]  # uint32 modular mul
            idx = (h[:, 0] ^ h[:, 1] ^ h[:, 2] ^ h[:, 3]) % jnp.uint32(T)
            f_l = f_l + w[:, None] * jnp.take(table[l], idx.astype(jnp.int32), axis=0)
        feats.append(f_l)
    return jnp.concatenate(feats, axis=1)  # [N, L*F]


def setup_inputs(seed: int = 0):
    key = jax.random.key(seed)
    ks = jax.random.split(key, 8)
    x = jax.random.uniform(ks[0], (N, 4), dtype=jnp.float32)
    table = jax.random.uniform(ks[1], (L, T, F), dtype=jnp.float32, minval=-1e-4, maxval=1e-4)
    input_ch = L * F
    W0 = jax.random.normal(ks[2], (input_ch, HIDDEN), dtype=jnp.float32) * (1.0 / np.sqrt(input_ch))
    W1 = jax.random.normal(ks[3], (HIDDEN, HIDDEN), dtype=jnp.float32) * (1.0 / np.sqrt(HIDDEN))
    W2 = jax.random.normal(ks[4], (HIDDEN, HIDDEN), dtype=jnp.float32) * (1.0 / np.sqrt(HIDDEN))
    Wout = jax.random.normal(ks[5], (HIDDEN, 3), dtype=jnp.float32) * (1.0 / np.sqrt(HIDDEN))
    bout = jnp.zeros((3,), dtype=jnp.float32)
    return {"x": x, "table": table, "W0": W0, "W1": W1, "W2": W2, "Wout": Wout, "bout": bout}


def reference(x, table, W0, W1, W2, Wout, bout):
    h = hash4_encode(x, table)
    h = jax.nn.relu(h @ W0)
    h = jax.nn.relu(h @ W1)
    h = jax.nn.relu(h @ W2)
    v = h @ Wout + bout
    return v

if __name__ == "__main__":
    import jax
    _d = setup_inputs()
    print(jax.jit(kernel)(*tuple(_d.values())))

</pallas_src>

<mosaic_0001>
#map = affine_map<(d0, d1) -> (0, 0)>
#map1 = affine_map<(d0, d1) -> (0, 0, 0)>
module attributes {stable_mosaic.version = 14 : i64} {
  func.func @_enc_body(%arg0: i32, %arg1: i32, %arg2: memref<65536x8xf32, #tpu.memory_space<hbm>>, %arg3: memref<2097152x8xf32, #tpu.memory_space<hbm>>, %arg4: memref<16x4x16xf32, #tpu.memory_space<hbm>>, %arg5: memref<512x32x256xf32, #tpu.memory_space<hbm>>, %arg6: memref<128x8xf32, #tpu.memory_space<vmem>>, %arg7: memref<4x256xf32, #tpu.memory_space<vmem>>, %arg8: memref<16x4x16xf32, #tpu.memory_space<vmem>>, %arg9: memref<2x32x128xi32, #tpu.memory_space<vmem>>, %arg10: memref<2x16x256xi32, #tpu.memory_space<vmem>>, %arg11: memref<2x16x256xf32, #tpu.memory_space<vmem>>, %arg12: memref<2x32x128x8xf32, #tpu.memory_space<vmem>>, %arg13: memref<32x256xf32, #tpu.memory_space<vmem>>, %arg14: memref<2x!tpu.dma_semaphore, #tpu.memory_space<semaphore_mem>>) attributes {dimension_semantics = [#tpu.dimension_semantics<core_parallel>, #tpu.dimension_semantics<subcore_parallel>], iteration_bounds = array<i64: 2, 16>, scalar_prefetch = 0 : i64, scratch_operands = 9 : i64, tpu.core_type = #tpu.core_type<sc_vector_subcore>, window_params = [{transform_indices = #map}, {transform_indices = #map}, {transform_indices = #map1}, {transform_indices = #map1}]} {
    %mul3A = arith.constant 16 : i32
    %mul3A_0 = arith.muli %arg0, %mul3A : i32
    %add3A = arith.addi %mul3A_0, %arg1 : i32
    "tpu.region"() ({
      %run_scoped3A = tpu.sem_alloc : memref<!tpu.dma_semaphore, #tpu.memory_space<semaphore_mem>>
      tpu.enqueue_dma source(%arg4 : memref<16x4x16xf32, #tpu.memory_space<hbm>>) target(%arg8 : memref<16x4x16xf32, #tpu.memory_space<vmem>>) target_semaphore(%run_scoped3A : memref<!tpu.dma_semaphore, #tpu.memory_space<semaphore_mem>>)
      tpu.wait_dma2 semaphore(%run_scoped3A : memref<!tpu.dma_semaphore, #tpu.memory_space<semaphore_mem>>) src(%arg4 : memref<16x4x16xf32, #tpu.memory_space<hbm>>) dst(%arg8 : memref<16x4x16xf32, #tpu.memory_space<vmem>>)
      tpu.yield
    }) : () -> ()
    %iota3A = tpu.iota {dimensions = array<i32: 0>} : vector<16xi32>
    %broadcast_in_dim3A = arith.constant 0 : i32
    %broadcast_in_dim3A_1 = vector.broadcast %broadcast_in_dim3A : i32 to vector<16xi32>
    %shift_right_arithmetic3A = arith.constant 1 : i32
    %shift_right_arithmetic3A_2 = vector.broadcast %shift_right_arithmetic3A : i32 to vector<16xi32>
    %shift_right_arithmetic3A_3 = arith.shrsi %iota3A, %shift_right_arithmetic3A_2 : vector<16xi32>
    %and3A = arith.constant 1 : i32
    %and3A_4 = vector.broadcast %and3A : i32 to vector<16xi32>
    %and3A_5 = arith.andi %iota3A, %and3A_4 : vector<16xi32>
    %mul3A_6 = arith.constant 4 : i32
    %mul3A_7 = vector.broadcast %mul3A_6 : i32 to vector<16xi32>
    %mul3A_8 = arith.muli %and3A_5, %mul3A_7 : vector<16xi32>
    %scan3A = arith.constant 0 : i32
    %scan3A_9 = arith.constant 0 : i32
    %scan3A_10 = arith.constant 16 : i32
    %scan3A_11 = arith.addi %scan3A_9, %scan3A_10 : i32
    %scan3A_12 = arith.constant 1 : i32
    scf.for %scan3A_14 = %scan3A_9 to %scan3A_11 step %scan3A_12  : i32 {
      %mul3A_15 = arith.constant 16 : i32
      %mul3A_16 = arith.muli %add3A, %mul3A_15 : i32
      %add3A_17 = arith.addi %mul3A_16, %scan3A_14 : i32
      %mul3A_18 = arith.constant 256 : i32
      %mul3A_19 = arith.muli %add3A_17, %mul3A_18 : i32
      %jit3A = arith.constant 2 : i32
      %div3A = arith.divsi %mul3A_19, %jit3A : i32
      %sign3A = arith.constant 0 : i32
      %sign3A_20 = arith.cmpi sgt, %mul3A_19, %sign3A : i32
      %sign3A_21 = arith.extui %sign3A_20 : i1 to i32
      %sign3A_22 = arith.constant 0 : i32
      %sign3A_23 = arith.cmpi slt, %mul3A_19, %sign3A_22 : i32
      %sign3A_24 = arith.extui %sign3A_23 : i1 to i32
      %sign3A_25 = arith.subi %sign3A_21, %sign3A_24 : i32
      %sign3A_26 = arith.constant 0 : i32
      %sign3A_27 = arith.cmpi sgt, %jit3A, %sign3A_26 : i32
      %sign3A_28 = arith.extui %sign3A_27 : i1 to i32
      %sign3A_29 = arith.constant 0 : i32
      %sign3A_30 = arith.cmpi slt, %jit3A, %sign3A_29 : i32
      %sign3A_31 = arith.extui %sign3A_30 : i1 to i32
      %sign3A_32 = arith.subi %sign3A_28, %sign3A_31 : i32
      %ne3A = arith.cmpi ne, %sign3A_25, %sign3A_32 : i32
      %rem3A = arith.remsi %mul3A_19, %jit3A : i32
      %ne3A_33 = arith.constant 0 : i32
      %ne3A_34 = arith.cmpi ne, %rem3A, %ne3A_33 : i32
      %and3A_35 = arith.andi %ne3A, %ne3A_34 : i1
      %sub3A = arith.constant 1 : i32
      %sub3A_36 = arith.subi %div3A, %sub3A : i32
      %select_n3A = arith.select %and3A_35, %sub3A_36, %div3A : i32
      "tpu.region"() ({
        %run_scoped3A = tpu.sem_alloc : memref<!tpu.dma_semaphore, #tpu.memory_space<semaphore_mem>>
        %dma_start3A = arith.constant 0 : i32
        %dma_start3A_84 = tpu.memref_slice %arg2[%select_n3A, %dma_start3A] : memref<65536x8xf32, #tpu.memory_space<hbm>> -> memref<128x8xf32, #tpu.memory_space<hbm>>
        %dma_start3A_85 = arith.constant 0 : i32
        %dma_start3A_86 = tpu.memref_slice %arg2[%select_n3A, %dma_start3A_85] : memref<65536x8xf32, #tpu.memory_space<hbm>> -> memref<128x8xf32, #tpu.memory_space<hbm>>
        tpu.enqueue_dma source(%dma_start3A_86 : memref<128x8xf32, #tpu.memory_space<hbm>>) target(%arg6 : memref<128x8xf32, #tpu.memory_space<vmem>>) target_semaphore(%run_scoped3A : memref<!tpu.dma_semaphore, #tpu.memory_space<semaphore_mem>>)
        %dma_wait3A = arith.constant 0 : i32
        %dma_wait3A_87 = tpu.memref_slice %arg2[%select_n3A, %dma_wait3A] : memref<65536x8xf32, #tpu.memory_space<hbm>> -> memref<128x8xf32, #tpu.memory_space<hbm>>
        %dma_wait3A_88 = arith.constant 0 : i32
        %dma_wait3A_89 = tpu.memref_slice %arg2[%select_n3A, %dma_wait3A_88] : memref<65536x8xf32, #tpu.memory_space<hbm>> -> memref<128x8xf32, #tpu.memory_space<hbm>>
        tpu.wait_dma2 semaphore(%run_scoped3A : memref<!tpu.dma_semaphore, #tpu.memory_space<semaphore_mem>>) src(%dma_wait3A_89 : memref<128x8xf32, #tpu.memory_space<hbm>>) dst(%arg6 : memref<128x8xf32, #tpu.memory_space<vmem>>)
        tpu.yield
      }) : () -> ()
      %scan3A_37 = arith.constant 0 : i32
      %scan3A_38 = arith.constant 0 : i32
      %scan3A_39 = arith.constant 16 : i32
      %scan3A_40 = arith.addi %scan3A_38, %scan3A_39 : i32
      %scan3A_41 = arith.constant 1 : i32
      scf.for %scan3A_84 = %scan3A_38 to %scan3A_40 step %scan3A_41  : i32 {
        %mul3A_85 = arith.constant 16 : i32
        %mul3A_86 = arith.muli %scan3A_84, %mul3A_85 : i32
        %mul3A_87 = arith.constant 8 : i32
        %mul3A_88 = arith.muli %scan3A_84, %mul3A_87 : i32
        %add3A_89 = vector.broadcast %mul3A_88 : i32 to vector<16xi32>
        %add3A_90 = arith.addi %shift_right_arithmetic3A_3, %add3A_89 : vector<16xi32>
        %add3A_91 = arith.constant 0 : i32
        %add3A_92 = vector.broadcast %add3A_91 : i32 to vector<16xi32>
        %add3A_93 = arith.addi %mul3A_8, %add3A_92 : vector<16xi32>
        %gather3A = tpu.vector_load_idx %arg6[%add3A_90, %add3A_93] : memref<128x8xf32, #tpu.memory_space<vmem>>[vector<16xi32>, vector<16xi32>], vector<16xf32>,
        %swap3A = arith.constant 0 : i32
        %swap3A_94 = arith.index_cast %swap3A : i32 to index
        %swap3A_95 = arith.index_cast %mul3A_86 : i32 to index
        %swap3A_96 = tpu.vector_load %arg7[%swap3A_94, %swap3A_95] {strides = array<i32>} : memref<4x256xf32, #tpu.memory_space<vmem>>, vector<16xf32>,
        tpu.vector_store %arg7[%swap3A_94, %swap3A_95], %gather3A {strides = array<i32>} : memref<4x256xf32, #tpu.memory_space<vmem>>, vector<16xf32>,
        %add3A_97 = arith.constant 1 : i32
        %add3A_98 = vector.broadcast %add3A_97 : i32 to vector<16xi32>
        %add3A_99 = arith.addi %mul3A_8, %add3A_98 : vector<16xi32>
        %gather3A_100 = tpu.vector_load_idx %arg6[%add3A_90, %add3A_99] : memref<128x8xf32, #tpu.memory_space<vmem>>[vector<16xi32>, vector<16xi32>], vector<16xf32>,
        %swap3A_101 = arith.constant 1 : i32
        %swap3A_102 = arith.index_cast %swap3A_101 : i32 to index
        %swap3A_103 = arith.index_cast %mul3A_86 : i32 to index
        %swap3A_104 = tpu.vector_load %arg7[%swap3A_102, %swap3A_103] {strides = array<i32>} : memref<4x256xf32, #tpu.memory_space<vmem>>, vector<16xf32>,
        tpu.vector_store %arg7[%swap3A_102, %swap3A_103], %gather3A_100 {strides = array<i32>} : memref<4x256xf32, #tpu.memory_space<vmem>>, vector<16xf32>,
        %add3A_105 = arith.constant 2 : i32
        %add3A_106 = vector.broadcast %add3A_105 : i32 to vector<16xi32>
        %add3A_107 = arith.addi %mul3A_8, %add3A_106 : vector<16xi32>
        %gather3A_108 = tpu.vector_load_idx %arg6[%add3A_90, %add3A_107] : memref<128x8xf32, #tpu.memory_space<vmem>>[vector<16xi32>, vector<16xi32>], vector<16xf32>,
        %swap3A_109 = arith.constant 2 : i32
        %swap3A_110 = arith.index_cast %swap3A_109 : i32 to index
        %swap3A_111 = arith.index_cast %mul3A_86 : i32 to index
        %swap3A_112 = tpu.vector_load %arg7[%swap3A_110, %swap3A_111] {strides = array<i32>} : memref<4x256xf32, #tpu.memory_space<vmem>>, vector<16xf32>,
        tpu.vector_store %arg7[%swap3A_110, %swap3A_111], %gather3A_108 {strides = array<i32>} : memref<4x256xf32, #tpu.memory_space<vmem>>, vector<16xf32>,
        %add3A_113 = arith.constant 3 : i32
        %add3A_114 = vector.broadcast %add3A_113 : i32 to vector<16xi32>
        %add3A_115 = arith.addi %mul3A_8, %add3A_114 : vector<16xi32>
        %gather3A_116 = tpu.vector_load_idx %arg6[%add3A_90, %add3A_115] : memref<128x8xf32, #tpu.memory_space<vmem>>[vector<16xi32>, vector<16xi32>], vector<16xf32>,
        %swap3A_117 = arith.constant 3 : i32
        %swap3A_118 = arith.index_cast %swap3A_117 : i32 to index
        %swap3A_119 = arith.index_cast %mul3A_86 : i32 to index
        %swap3A_120 = tpu.vector_load %arg7[%swap3A_118, %swap3A_119] {strides = array<i32>} : memref<4x256xf32, #tpu.memory_space<vmem>>, vector<16xf32>,
        tpu.vector_store %arg7[%swap3A_118, %swap3A_119], %gather3A_116 {strides = array<i32>} : memref<4x256xf32, #tpu.memory_space<vmem>>, vector<16xf32>,
      }
      %scan3A_42 = arith.constant 16 : i32
      %get3A = arith.constant 0 : i32
      %get3A_43 = arith.constant 0 : i32
      %get3A_44 = arith.index_cast %get3A : i32 to index
      %get3A_45 = arith.index_cast %get3A_43 : i32 to index
      %get3A_46 = arith.constant 0 : index
      %get3A_47 = tpu.vector_load %arg8[%get3A_44, %get3A_45, %get3A_46] {strides = array<i32>} : memref<16x4x16xf32, #tpu.memory_space<vmem>>, vector<16xf32>,
      %get3A_48 = arith.constant 0 : i32
      %get3A_49 = arith.constant 1 : i32
      %get3A_50 = arith.index_cast %get3A_48 : i32 to index
      %get3A_51 = arith.index_cast %get3A_49 : i32 to index
      %get3A_52 = arith.constant 0 : index
      %get3A_53 = tpu.vector_load %arg8[%get3A_50, %get3A_51, %get3A_52] {strides = array<i32>} : memref<16x4x16xf32, #tpu.memory_space<vmem>>, vector<16xf32>,
      %get3A_54 = arith.constant 0 : i32
      %get3A_55 = arith.constant 2 : i32
      %get3A_56 = arith.index_cast %get3A_54 : i32 to index
      %get3A_57 = arith.index_cast %get3A_55 : i32 to index
      %get3A_58 = arith.constant 0 : index
      %get3A_59 = tpu.vector_load %arg8[%get3A_56, %get3A_57, %get3A_58] {strides = array<i32>} : memref<16x4x16xf32, #tpu.memory_space<vmem>>, vector<16xf32>,
      %get3A_60 = arith.constant 0 : i32
      %get3A_61 = arith.constant 3 : i32
      %get3A_62 = arith.index_cast %get3A_60 : i32 to index
      %get3A_63 = arith.index_cast %get3A_61 : i32 to index
      %get3A_64 = arith.constant 0 : index
      %get3A_65 = tpu.vector_load %arg8[%get3A_62, %get3A_63, %get3A_64] {strides = array<i32>} : memref<16x4x16xf32, #tpu.memory_space<vmem>>, vector<16xf32>,
      %scan3A_66 = arith.constant 0 : i32
      %scan3A_67 = arith.constant 0 : i32
      %scan3A_68 = arith.constant 16 : i32
      %scan3A_69 = arith.addi %scan3A_67, %scan3A_68 : i32
      %scan3A_70 = arith.constant 1 : i32
      scf.for %scan3A_84 = %scan3A_67 to %scan3A_69 step %scan3A_70  : i32 {
        %mul3A_85 = arith.constant 16 : i32
        %mul3A_86 = arith.muli %scan3A_84, %mul3A_85 : i32
        %shift_right_arithmetic3A_87 = arith.constant 3 : i32
        %shift_right_arithmetic3A_88 = arith.shrsi %scan3A_84, %shift_right_arithmetic3A_87 : i32
        %and3A_89 = arith.constant 7 : i32
        %and3A_90 = arith.andi %scan3A_84, %and3A_89 : i32
        %mul3A_91 = arith.constant 16 : i32
        %mul3A_92 = arith.muli %and3A_90, %mul3A_91 : i32
        %get3A_93 = arith.constant 0 : i32
        %get3A_94 = arith.index_cast %get3A_93 : i32 to index
        %get3A_95 = arith.index_cast %mul3A_86 : i32 to index
        %get3A_96 = tpu.vector_load %arg7[%get3A_94, %get3A_95] {strides = array<i32>} : memref<4x256xf32, #tpu.memory_space<vmem>>, vector<16xf32>,
        %get3A_97 = arith.constant 1 : i32
        %get3A_98 = arith.index_cast %get3A_97 : i32 to index
        %get3A_99 = arith.index_cast %mul3A_86 : i32 to index
        %get3A_100 = tpu.vector_load %arg7[%get3A_98, %get3A_99] {strides = array<i32>} : memref<4x256xf32, #tpu.memory_space<vmem>>, vector<16xf32>,
        %get3A_101 = arith.constant 2 : i32
        %get3A_102 = arith.index_cast %get3A_101 : i32 to index
        %get3A_103 = arith.index_cast %mul3A_86 : i32 to index
        %get3A_104 = tpu.vector_load %arg7[%get3A_102, %get3A_103] {strides = array<i32>} : memref<4x256xf32, #tpu.memory_space<vmem>>, vector<16xf32>,
        %get3A_105 = arith.constant 3 : i32
        %get3A_106 = arith.index_cast %get3A_105 : i32 to index
        %get3A_107 = arith.index_cast %mul3A_86 : i32 to index
        %get3A_108 = tpu.vector_load %arg7[%get3A_106, %get3A_107] {strides = array<i32>} : memref<4x256xf32, #tpu.memory_space<vmem>>, vector<16xf32>,
        %mul3A_109 = arith.mulf %get3A_96, %get3A_47 : vector<16xf32>
        %mul3A_110 = arith.mulf %get3A_100, %get3A_53 : vector<16xf32>
        %mul3A_111 = arith.mulf %get3A_104, %get3A_59 : vector<16xf32>
        %mul3A_112 = arith.mulf %get3A_108, %get3A_65 : vector<16xf32>
        %convert_element_type3A = arith.fptosi %mul3A_109 : vector<16xf32> to vector<16xi32>
        %convert_element_type3A_113 = arith.fptosi %mul3A_110 : vector<16xf32> to vector<16xi32>
        %convert_element_type3A_114 = arith.fptosi %mul3A_111 : vector<16xf32> to vector<16xi32>
        %convert_element_type3A_115 = arith.fptosi %mul3A_112 : vector<16xf32> to vector<16xi32>
        %convert_element_type3A_116 = arith.sitofp %convert_element_type3A : vector<16xi32> to vector<16xf32>
        %sub3A_117 = arith.subf %mul3A_109, %convert_element_type3A_116 : vector<16xf32>
        %convert_element_type3A_118 = arith.sitofp %convert_element_type3A_113 : vector<16xi32> to vector<16xf32>
        %sub3A_119 = arith.subf %mul3A_110, %convert_element_type3A_118 : vector<16xf32>
        %convert_element_type3A_120 = arith.sitofp %convert_element_type3A_114 : vector<16xi32> to vector<16xf32>
        %sub3A_121 = arith.subf %mul3A_111, %convert_element_type3A_120 : vector<16xf32>
        %convert_element_type3A_122 = arith.sitofp %convert_element_type3A_115 : vector<16xi32> to vector<16xf32>
        %sub3A_123 = arith.subf %mul3A_112, %convert_element_type3A_122 : vector<16xf32>
        %mul3A_124 = arith.constant 1 : i32
        %mul3A_125 = vector.broadcast %mul3A_124 : i32 to vector<16xi32>
        %mul3A_126 = arith.muli %convert_element_type3A, %mul3A_125 : vector<16xi32>
        %mul3A_127 = arith.constant -1640531535 : i32
        %mul3A_128 = vector.broadcast %mul3A_127 : i32 to vector<16xi32>
        %mul3A_129 = arith.muli %convert_element_type3A_113, %mul3A_128 : vector<16xi32>
        %mul3A_130 = arith.constant 805459861 : i32
        %mul3A_131 = vector.broadcast %mul3A_130 : i32 to vector<16xi32>
        %mul3A_132 = arith.muli %convert_element_type3A_114, %mul3A_131 : vector<16xi32>
        %mul3A_133 = arith.constant -620313867 : i32
        %mul3A_134 = vector.broadcast %mul3A_133 : i32 to vector<16xi32>
        %mul3A_135 = arith.muli %convert_element_type3A_115, %mul3A_134 : vector<16xi32>
        %add3A_136 = arith.constant 1 : i32
        %add3A_137 = vector.broadcast %add3A_136 : i32 to vector<16xi32>
        %add3A_138 = arith.addi %mul3A_126, %add3A_137 : vector<16xi32>
        %add3A_139 = arith.constant -1640531535 : i32
        %add3A_140 = vector.broadcast %add3A_139 : i32 to vector<16xi32>
        %add3A_141 = arith.addi %mul3A_129, %add3A_140 : vector<16xi32>
        %add3A_142 = arith.constant 805459861 : i32
        %add3A_143 = vector.broadcast %add3A_142 : i32 to vector<16xi32>
        %add3A_144 = arith.addi %mul3A_132, %add3A_143 : vector<16xi32>
        %add3A_145 = arith.constant -620313867 : i32
        %add3A_146 = vector.broadcast %add3A_145 : i32 to vector<16xi32>
        %add3A_147 = arith.addi %mul3A_135, %add3A_146 : vector<16xi32>
        %sub3A_148 = arith.constant 1.000000e+00 : f32
        %sub3A_149 = vector.broadcast %sub3A_148 : f32 to vector<16xf32>
        %sub3A_150 = arith.subf %sub3A_149, %sub3A_117 : vector<16xf32>
        %sub3A_151 = arith.constant 1.000000e+00 : f32
        %sub3A_152 = vector.broadcast %sub3A_151 : f32 to vector<16xf32>
        %sub3A_153 = arith.subf %sub3A_152, %sub3A_119 : vector<16xf32>
        %sub3A_154 = arith.constant 1.000000e+00 : f32
        %sub3A_155 = vector.broadcast %sub3A_154 : f32 to vector<16xf32>
        %sub3A_156 = arith.subf %sub3A_155, %sub3A_121 : vector<16xf32>
        %sub3A_157 = arith.constant 1.000000e+00 : f32
        %sub3A_158 = vector.broadcast %sub3A_157 : f32 to vector<16xf32>
        %sub3A_159 = arith.subf %sub3A_158, %sub3A_123 : vector<16xf32>
        %xor3A = arith.xori %mul3A_126, %mul3A_129 : vector<16xi32>
        %xor3A_160 = arith.xori %mul3A_126, %add3A_141 : vector<16xi32>
        %xor3A_161 = arith.xori %add3A_138, %mul3A_129 : vector<16xi32>
        %xor3A_162 = arith.xori %add3A_138, %add3A_141 : vector<16xi32>
        %xor3A_163 = arith.xori %mul3A_132, %mul3A_135 : vector<16xi32>
        %xor3A_164 = arith.xori %mul3A_132, %add3A_147 : vector<16xi32>
        %xor3A_165 = arith.xori %add3A_144, %mul3A_135 : vector<16xi32>
        %xor3A_166 = arith.xori %add3A_144, %add3A_147 : vector<16xi32>
        %mul3A_167 = arith.mulf %sub3A_150, %sub3A_153 : vector<16xf32>
        %mul3A_168 = arith.mulf %sub3A_150, %sub3A_119 : vector<16xf32>
        %mul3A_169 = arith.mulf %sub3A_117, %sub3A_153 : vector<16xf32>
        %mul3A_170 = arith.mulf %sub3A_117, %sub3A_119 : vector<16xf32>
        %mul3A_171 = arith.mulf %sub3A_156, %sub3A_159 : vector<16xf32>
        %mul3A_172 = arith.mulf %sub3A_156, %sub3A_123 : vector<16xf32>
        %mul3A_173 = arith.mulf %sub3A_121, %sub3A_159 : vector<16xf32>
        %mul3A_174 = arith.mulf %sub3A_121, %sub3A_123 : vector<16xf32>
        %xor3A_175 = arith.xori %xor3A, %xor3A_163 : vector<16xi32>
        %and3A_176 = arith.constant 524287 : i32
        %and3A_177 = vector.broadcast %and3A_176 : i32 to vector<16xi32>
        %and3A_178 = arith.andi %xor3A_175, %and3A_177 : vector<16xi32>
        %add3A_179 = arith.constant 0 : i32
        %add3A_180 = vector.broadcast %add3A_179 : i32 to vector<16xi32>
        %add3A_181 = arith.addi %and3A_178, %add3A_180 : vector<16xi32>
        %shift_right_arithmetic3A_182 = arith.constant 2 : i32
        %shift_right_arithmetic3A_183 = vector.broadcast %shift_right_arithmetic3A_182 : i32 to vector<16xi32>
        %shift_right_arithmetic3A_184 = arith.shrsi %add3A_181, %shift_right_arithmetic3A_183 : vector<16xi32>
        %add3A_185 = arith.constant 0 : i32
        %add3A_186 = arith.addi %add3A_185, %shift_right_arithmetic3A_88 : i32
        %swap3A = arith.constant 0 : i32
        %swap3A_187 = arith.index_cast %swap3A : i32 to index
        %swap3A_188 = arith.index_cast %add3A_186 : i32 to index
        %swap3A_189 = arith.index_cast %mul3A_92 : i32 to index
        %swap3A_190 = tpu.vector_load %arg9[%swap3A_187, %swap3A_188, %swap3A_189] {strides = array<i32>} : memref<2x32x128xi32, #tpu.memory_space<vmem>>, vector<16xi32>,
        tpu.vector_store %arg9[%swap3A_187, %swap3A_188, %swap3A_189], %shift_right_arithmetic3A_184 {strides = array<i32>} : memref<2x32x128xi32, #tpu.memory_space<vmem>>, vector<16xi32>,
        %and3A_191 = arith.constant 3 : i32
        %and3A_192 = vector.broadcast %and3A_191 : i32 to vector<16xi32>
        %and3A_193 = arith.andi %add3A_181, %and3A_192 : vector<16xi32>
        %mul3A_194 = arith.constant 2 : i32
        %mul3A_195 = vector.broadcast %mul3A_194 : i32 to vector<16xi32>
        %mul3A_196 = arith.muli %and3A_193, %mul3A_195 : vector<16xi32>
        %swap3A_197 = arith.constant 0 : i32
        %swap3A_198 = arith.constant 0 : i32
        %swap3A_199 = arith.index_cast %swap3A_197 : i32 to index
        %swap3A_200 = arith.index_cast %swap3A_198 : i32 to index
        %swap3A_201 = arith.index_cast %mul3A_86 : i32 to index
        %swap3A_202 = tpu.vector_load %arg10[%swap3A_199, %swap3A_200, %swap3A_201] {strides = array<i32>} : memref<2x16x256xi32, #tpu.memory_space<vmem>>, vector<16xi32>,
        tpu.vector_store %arg10[%swap3A_199, %swap3A_200, %swap3A_201], %mul3A_196 {strides = array<i32>} : memref<2x16x256xi32, #tpu.memory_space<vmem>>, vector<16xi32>,
        %mul3A_203 = arith.mulf %mul3A_167, %mul3A_171 : vector<16xf32>
        %swap3A_204 = arith.constant 0 : i32
        %swap3A_205 = arith.constant 0 : i32
        %swap3A_206 = arith.index_cast %swap3A_204 : i32 to index
        %swap3A_207 = arith.index_cast %swap3A_205 : i32 to index
        %swap3A_208 = arith.index_cast %mul3A_86 : i32 to index
        %swap3A_209 = tpu.vector_load %arg11[%swap3A_206, %swap3A_207, %swap3A_208] {strides = array<i32>} : memref<2x16x256xf32, #tpu.memory_space<vmem>>, vector<16xf32>,
        tpu.vector_store %arg11[%swap3A_206, %swap3A_207, %swap3A_208], %mul3A_203 {strides = array<i32>} : memref<2x16x256xf32, #tpu.memory_space<vmem>>, vector<16xf32>,
        %xor3A_210 = arith.xori %xor3A_161, %xor3A_163 : vector<16xi32>
        %and3A_211 = arith.constant 524287 : i32
        %and3A_212 = vector.broadcast %and3A_211 : i32 to vector<16xi32>
        %and3A_213 = arith.andi %xor3A_210, %and3A_212 : vector<16xi32>
        %add3A_214 = arith.constant 0 : i32
        %add3A_215 = vector.broadcast %add3A_214 : i32 to vector<16xi32>
        %add3A_216 = arith.addi %and3A_213, %add3A_215 : vector<16xi32>
        %shift_right_arithmetic3A_217 = arith.constant 2 : i32
        %shift_right_arithmetic3A_218 = vector.broadcast %shift_right_arithmetic3A_217 : i32 to vector<16xi32>
        %shift_right_arithmetic3A_219 = arith.shrsi %add3A_216, %shift_right_arithmetic3A_218 : vector<16xi32>
        %add3A_220 = arith.constant 2 : i32
        %add3A_221 = arith.addi %add3A_220, %shift_right_arithmetic3A_88 : i32
        %swap3A_222 = arith.constant 0 : i32
        %swap3A_223 = arith.index_cast %swap3A_222 : i32 to index
        %swap3A_224 = arith.index_cast %add3A_221 : i32 to index
        %swap3A_225 = arith.index_cast %mul3A_92 : i32 to index
        %swap3A_226 = tpu.vector_load %arg9[%swap3A_223, %swap3A_224, %swap3A_225] {strides = array<i32>} : memref<2x32x128xi32, #tpu.memory_space<vmem>>, vector<16xi32>,
        tpu.vector_store %arg9[%swap3A_223, %swap3A_224, %swap3A_225], %shift_right_arithmetic3A_219 {strides = array<i32>} : memref<2x32x128xi32, #tpu.memory_space<vmem>>, vector<16xi32>,
        %and3A_227 = arith.constant 3 : i32
        %and3A_228 = vector.broadcast %and3A_227 : i32 to vector<16xi32>
        %and3A_229 = arith.andi %add3A_216, %and3A_228 : vector<16xi32>
        %mul3A_230 = arith.constant 2 : i32
        %mul3A_231 = vector.broadcast %mul3A_230 : i32 to vector<16xi32>
        %mul3A_232 = arith.muli %and3A_229, %mul3A_231 : vector<16xi32>
        %swap3A_233 = arith.constant 0 : i32
        %swap3A_234 = arith.constant 1 : i32
        %swap3A_235 = arith.index_cast %swap3A_233 : i32 to index
        %swap3A_236 = arith.index_cast %swap3A_234 : i32 to index
        %swap3A_237 = arith.index_cast %mul3A_86 : i32 to index
        %swap3A_238 = tpu.vector_load %arg10[%swap3A_235, %swap3A_236, %swap3A_237] {strides = array<i32>} : memref<2x16x256xi32, #tpu.memory_space<vmem>>, vector<16xi32>,
        tpu.vector_store %arg10[%swap3A_235, %swap3A_236, %swap3A_237], %mul3A_232 {strides = array<i32>} : memref<2x16x256xi32, #tpu.memory_space<vmem>>, vector<16xi32>,
        %mul3A_239 = arith.mulf %mul3A_169, %mul3A_171 : vector<16xf32>
        %swap3A_240 = arith.constant 0 : i32
        %swap3A_241 = arith.constant 1 : i32
        %swap3A_242 = arith.index_cast %swap3A_240 : i32 to index
        %swap3A_243 = arith.index_cast %swap3A_241 : i32 to index
        %swap3A_244 = arith.index_cast %mul3A_86 : i32 to index
        %swap3A_245 = tpu.vector_load %arg11[%swap3A_242, %swap3A_243, %swap3A_244] {strides = array<i32>} : memref<2x16x256xf32, #tpu.memory_space<vmem>>, vector<16xf32>,
        tpu.vector_store %arg11[%swap3A_242, %swap3A_243, %swap3A_244], %mul3A_239 {strides = array<i32>} : memref<2x16x256xf32, #tpu.memory_space<vmem>>, vector<16xf32>,
        %xor3A_246 = arith.xori %xor3A_160, %xor3A_163 : vector<16xi32>
        %and3A_247 = arith.constant 524287 : i32
        %and3A_248 = vector.broadcast %and3A_247 : i32 to vector<16xi32>
        %and3A_249 = arith.andi %xor3A_246, %and3A_248 : vector<16xi32>
        %add3A_250 = arith.constant 0 : i32
        %add3A_251 = vector.broadcast %add3A_250 : i32 to vector<16xi32>
        %add3A_252 = arith.addi %and3A_249, %add3A_251 : vector<16xi32>
        %shift_right_arithmetic3A_253 = arith.constant 2 : i32
        %shift_right_arithmetic3A_254 = vector.broadcast %shift_right_arithmetic3A_253 : i32 to vector<16xi32>
        %shift_right_arithmetic3A_255 = arith.shrsi %add3A_252, %shift_right_arithmetic3A_254 : vector<16xi32>
        %add3A_256 = arith.constant 4 : i32
        %add3A_257 = arith.addi %add3A_256, %shift_right_arithmetic3A_88 : i32
        %swap3A_258 = arith.constant 0 : i32
        %swap3A_259 = arith.index_cast %swap3A_258 : i32 to index
        %swap3A_260 = arith.index_cast %add3A_257 : i32 to index
        %swap3A_261 = arith.index_cast %mul3A_92 : i32 to index
        %swap3A_262 = tpu.vector_load %arg9[%swap3A_259, %swap3A_260, %swap3A_261] {strides = array<i32>} : memref<2x32x128xi32, #tpu.memory_space<vmem>>, vector<16xi32>,
        tpu.vector_store %arg9[%swap3A_259, %swap3A_260, %swap3A_261], %shift_right_arithmetic3A_255 {strides = array<i32>} : memref<2x32x128xi32, #tpu.memory_space<vmem>>, vector<16xi32>,
        %and3A_263 = arith.constant 3 : i32
        %and3A_264 = vector.broadcast %and3A_263 : i32 to vector<16xi32>
        %and3A_265 = arith.andi %add3A_252, %and3A_264 : vector<16xi32>
        %mul3A_266 = arith.constant 2 : i32
        %mul3A_267 = vector.broadcast %mul3A_266 : i32 to vector<16xi32>
        %mul3A_268 = arith.muli %and3A_265, %mul3A_267 : vector<16xi32>
        %swap3A_269 = arith.constant 0 : i32
        %swap3A_270 = arith.constant 2 : i32
        %swap3A_271 = arith.index_cast %swap3A_269 : i32 to index
        %swap3A_272 = arith.index_cast %swap3A_270 : i32 to index
        %swap3A_273 = arith.index_cast %mul3A_86 : i32 to index
        %swap3A_274 = tpu.vector_load %arg10[%swap3A_271, %swap3A_272, %swap3A_273] {strides = array<i32>} : memref<2x16x256xi32, #tpu.memory_space<vmem>>, vector<16xi32>,
        tpu.vector_store %arg10[%swap3A_271, %swap3A_272, %swap3A_273], %mul3A_268 {strides = array<i32>} : memref<2x16x256xi32, #tpu.memory_space<vmem>>, vector<16xi32>,
        %mul3A_275 = arith.mulf %mul3A_168, %mul3A_171 : vector<16xf32>
        %swap3A_276 = arith.constant 0 : i32
        %swap3A_277 = arith.constant 2 : i32
        %swap3A_278 = arith.index_cast %swap3A_276 : i32 to index
        %swap3A_279 = arith.index_cast %swap3A_277 : i32 to index
        %swap3A_280 = arith.index_cast %mul3A_86 : i32 to index
        %swap3A_281 = tpu.vector_load %arg11[%swap3A_278, %swap3A_279, %swap3A_280] {strides = array<i32>} : memref<2x16x256xf32, #tpu.memory_space<vmem>>, vector<16xf32>,
        tpu.vector_store %arg11[%swap3A_278, %swap3A_279, %swap3A_280], %mul3A_275 {strides = array<i32>} : memref<2x16x256xf32, #tpu.memory_space<vmem>>, vector<16xf32>,
        %xor3A_282 = arith.xori %xor3A_162, %xor3A_163 : vector<16xi32>
        %and3A_283 = arith.constant 524287 : i32
        %and3A_284 = vector.broadcast %and3A_283 : i32 to vector<16xi32>
        %and3A_285 = arith.andi %xor3A_282, %and3A_284 : vector<16xi32>
        %add3A_286 = arith.constant 0 : i32
        %add3A_287 = vector.broadcast %add3A_286 : i32 to vector<16xi32>
        %add3A_288 = arith.addi %and3A_285, %add3A_287 : vector<16xi32>
        %shift_right_arithmetic3A_289 = arith.constant 2 : i32
        %shift_right_arithmetic3A_290 = vector.broadcast %shift_right_arithmetic3A_289 : i32 to vector<16xi32>
        %shift_right_arithmetic3A_291 = arith.shrsi %add3A_288, %shift_right_arithmetic3A_290 : vector<16xi32>
        %add3A_292 = arith.constant 6 : i32
        %add3A_293 = arith.addi %add3A_292, %shift_right_arithmetic3A_88 : i32
        %swap3A_294 = arith.constant 0 : i32
        %swap3A_295 = arith.index_cast %swap3A_294 : i32 to index
        %swap3A_296 = arith.index_cast %add3A_293 : i32 to index
        %swap3A_297 = arith.index_cast %mul3A_92 : i32 to index
        %swap3A_298 = tpu.vector_load %arg9[%swap3A_295, %swap3A_296, %swap3A_297] {strides = array<i32>} : memref<2x32x128xi32, #tpu.memory_space<vmem>>, vector<16xi32>,
        tpu.vector_store %arg9[%swap3A_295, %swap3A_296, %swap3A_297], %shift_right_arithmetic3A_291 {strides = array<i32>} : memref<2x32x128xi32, #tpu.memory_space<vmem>>, vector<16xi32>,
        %and3A_299 = arith.constant 3 : i32
        %and3A_300 = vector.broadcast %and3A_299 : i32 to vector<16xi32>
        %and3A_301 = arith.andi %add3A_288, %and3A_300 : vector<16xi32>
        %mul3A_302 = arith.constant 2 : i32
        %mul3A_303 = vector.broadcast %mul3A_302 : i32 to vector<16xi32>
        %mul3A_304 = arith.muli %and3A_301, %mul3A_303 : vector<16xi32>
        %swap3A_305 = arith.constant 0 : i32
        %swap3A_306 = arith.constant 3 : i32
        %swap3A_307 = arith.index_cast %swap3A_305 : i32 to index
        %swap3A_308 = arith.index_cast %swap3A_306 : i32 to index
        %swap3A_309 = arith.index_cast %mul3A_86 : i32 to index
        %swap3A_310 = tpu.vector_load %arg10[%swap3A_307, %swap3A_308, %swap3A_309] {strides = array<i32>} : memref<2x16x256xi32, #tpu.memory_space<vmem>>, vector<16xi32>,
        tpu.vector_store %arg10[%swap3A_307, %swap3A_308, %swap3A_309], %mul3A_304 {strides = array<i32>} : memref<2x16x256xi32, #tpu.memory_space<vmem>>, vector<16xi32>,
        %mul3A_311 = arith.mulf %mul3A_170, %mul3A_171 : vector<16xf32>
        %swap3A_312 = arith.constant 0 : i32
        %swap3A_313 = arith.constant 3 : i32
        %swap3A_314 = arith.index_cast %swap3A_312 : i32 to index
        %swap3A_315 = arith.index_cast %swap3A_313 : i32 to index
        %swap3A_316 = arith.index_cast %mul3A_86 : i32 to index
        %swap3A_317 = tpu.vector_load %arg11[%swap3A_314, %swap3A_315, %swap3A_316] {strides = array<i32>} : memref<2x16x256xf32, #tpu.memory_space<vmem>>, vector<16xf32>,
        tpu.vector_store %arg11[%swap3A_314, %swap3A_315, %swap3A_316], %mul3A_311 {strides = array<i32>} : memref<2x16x256xf32, #tpu.memory_space<vmem>>, vector<16xf32>,
        %xor3A_318 = arith.xori %xor3A, %xor3A_165 : vector<16xi32>
        %and3A_319 = arith.constant 524287 : i32
        %and3A_320 = vector.broadcast %and3A_319 : i32 to vector<16xi32>
        %and3A_321 = arith.andi %xor3A_318, %and3A_320 : vector<16xi32>
        %add3A_322 = arith.constant 0 : i32
        %add3A_323 = vector.broadcast %add3A_322 : i32 to vector<16xi32>
        %add3A_324 = arith.addi %and3A_321, %add3A_323 : vector<16xi32>
        %shift_right_arithmetic3A_325 = arith.constant 2 : i32
        %shift_right_arithmetic3A_326 = vector.broadcast %shift_right_arithmetic3A_325 : i32 to vector<16xi32>
        %shift_right_arithmetic3A_327 = arith.shrsi %add3A_324, %shift_right_arithmetic3A_326 : vector<16xi32>
        %add3A_328 = arith.constant 8 : i32
        %add3A_329 = arith.addi %add3A_328, %shift_right_arithmetic3A_88 : i32
        %swap3A_330 = arith.constant 0 : i32
        %swap3A_331 = arith.index_cast %swap3A_330 : i32 to index
        %swap3A_332 = arith.index_cast %add3A_329 : i32 to index
        %swap3A_333 = arith.index_cast %mul3A_92 : i32 to index
        %swap3A_334 = tpu.vector_load %arg9[%swap3A_331, %swap3A_332, %swap3A_333] {strides = array<i32>} : memref<2x32x128xi32, #tpu.memory_space<vmem>>, vector<16xi32>,
        tpu.vector_store %arg9[%swap3A_331, %swap3A_332, %swap3A_333], %shift_right_arithmetic3A_327 {strides = array<i32>} : memref<2x32x128xi32, #tpu.memory_space<vmem>>, vector<16xi32>,
        %and3A_335 = arith.constant 3 : i32
        %and3A_336 = vector.broadcast %and3A_335 : i32 to vector<16xi32>
        %and3A_337 = arith.andi %add3A_324, %and3A_336 : vector<16xi32>
        %mul3A_338 = arith.constant 2 : i32
        %mul3A_339 = vector.broadcast %mul3A_338 : i32 to vector<16xi32>
        %mul3A_340 = arith.muli %and3A_337, %mul3A_339 : vector<16xi32>
        %swap3A_341 = arith.constant 0 : i32
        %swap3A_342 = arith.constant 4 : i32
        %swap3A_343 = arith.index_cast %swap3A_341 : i32 to index
        %swap3A_344 = arith.index_cast %swap3A_342 : i32 to index
        %swap3A_345 = arith.index_cast %mul3A_86 : i32 to index
        %swap3A_346 = tpu.vector_load %arg10[%swap3A_343, %swap3A_344, %swap3A_345] {strides = array<i32>} : memref<2x16x256xi32, #tpu.memory_space<vmem>>, vector<16xi32>,
        tpu.vector_store %arg10[%swap3A_343, %swap3A_344, %swap3A_345], %mul3A_340 {strides = array<i32>} : memref<2x16x256xi32, #tpu.memory_space<vmem>>, vector<16xi32>,
        %mul3A_347 = arith.mulf %mul3A_167, %mul3A_173 : vector<16xf32>
        %swap3A_348 = arith.constant 0 : i32
        %swap3A_349 = arith.constant 4 : i32
        %swap3A_350 = arith.index_cast %swap3A_348 : i32 to index
        %swap3A_351 = arith.index_cast %swap3A_349 : i32 to index
        %swap3A_352 = arith.index_cast %mul3A_86 : i32 to index
        %swap3A_353 = tpu.vector_load %arg11[%swap3A_350, %swap3A_351, %swap3A_352] {strides = array<i32>} : memref<2x16x256xf32, #tpu.memory_space<vmem>>, vector<16xf32>,
        tpu.vector_store %arg11[%swap3A_350, %swap3A_351, %swap3A_352], %mul3A_347 {strides = array<i32>} : memref<2x16x256xf32, #tpu.memory_space<vmem>>, vector<16xf32>,
        %xor3A_354 = arith.xori %xor3A_161, %xor3A_165 : vector<16xi32>
        %and3A_355 = arith.constant 524287 : i32
        %and3A_356 = vector.broadcast %and3A_355 : i32 to vector<16xi32>
        %and3A_357 = arith.andi %xor3A_354, %and3A_356 : vector<16xi32>
        %add3A_358 = arith.constant 0 : i32
        %add3A_359 = vector.broadcast %add3A_358 : i32 to vector<16xi32>
        %add3A_360 = arith.addi %and3A_357, %add3A_359 : vector<16xi32>
        %shift_right_arithmetic3A_361 = arith.constant 2 : i32
        %shift_right_arithmetic3A_362 = vector.broadcast %shift_right_arithmetic3A_361 : i32 to vector<16xi32>
        %shift_right_arithmetic3A_363 = arith.shrsi %add3A_360, %shift_right_arithmetic3A_362 : vector<16xi32>
        %add3A_364 = arith.constant 10 : i32
        %add3A_365 = arith.addi %add3A_364, %shift_right_arithmetic3A_88 : i32
        %swap3A_366 = arith.constant 0 : i32
        %swap3A_367 = arith.index_cast %swap3A_366 : i32 to index
        %swap3A_368 = arith.index_cast %add3A_365 : i32 to index
        %swap3A_369 = arith.index_cast %mul3A_92 : i32 to index
        %swap3A_370 = tpu.vector_load %arg9[%swap3A_367, %swap3A_368, %swap3A_369] {strides = array<i32>} : memref<2x32x128xi32, #tpu.memory_space<vmem>>, vector<16xi32>,
        tpu.vector_store %arg9[%swap3A_367, %swap3A_368, %swap3A_369], %shift_right_arithmetic3A_363 {strides = array<i32>} : memref<2x32x128xi32, #tpu.memory_space<vmem>>, vector<16xi32>,
        %and3A_371 = arith.constant 3 : i32
        %and3A_372 = vector.broadcast %and3A_371 : i32 to vector<16xi32>
        %and3A_373 = arith.andi %add3A_360, %and3A_372 : vector<16xi32>
        %mul3A_374 = arith.constant 2 : i32
        %mul3A_375 = vector.broadcast %mul3A_374 : i32 to vector<16xi32>
        %mul3A_376 = arith.muli %and3A_373, %mul3A_375 : vector<16xi32>
        %swap3A_377 = arith.constant 0 : i32
        %swap3A_378 = arith.constant 5 : i32
        %swap3A_379 = arith.index_cast %swap3A_377 : i32 to index
        %swap3A_380 = arith.index_cast %swap3A_378 : i32 to index
        %swap3A_381 = arith.index_cast %mul3A_86 : i32 to index
        %swap3A_382 = tpu.vector_load %arg10[%swap3A_379, %swap3A_380, %swap3A_381] {strides = array<i32>} : memref<2x16x256xi32, #tpu.memory_space<vmem>>, vector<16xi32>,
        tpu.vector_store %arg10[%swap3A_379, %swap3A_380, %swap3A_381], %mul3A_376 {strides = array<i32>} : memref<2x16x256xi32, #tpu.memory_space<vmem>>, vector<16xi32>,
        %mul3A_383 = arith.mulf %mul3A_169, %mul3A_173 : vector<16xf32>
        %swap3A_384 = arith.constant 0 : i32
        %swap3A_385 = arith.constant 5 : i32
        %swap3A_386 = arith.index_cast %swap3A_384 : i32 to index
        %swap3A_387 = arith.index_cast %swap3A_385 : i32 to index
        %swap3A_388 = arith.index_cast %mul3A_86 : i32 to index
        %swap3A_389 = tpu.vector_load %arg11[%swap3A_386, %swap3A_387, %swap3A_388] {strides = array<i32>} : memref<2x16x256xf32, #tpu.memory_space<vmem>>, vector<16xf32>,
        tpu.vector_store %arg11[%swap3A_386, %swap3A_387, %swap3A_388], %mul3A_383 {strides = array<i32>} : memref<2x16x256xf32, #tpu.memory_space<vmem>>, vector<16xf32>,
        %xor3A_390 = arith.xori %xor3A_160, %xor3A_165 : vector<16xi32>
        %and3A_391 = arith.constant 524287 : i32
        %and3A_392 = vector.broadcast %and3A_391 : i32 to vector<16xi32>
        %and3A_393 = arith.andi %xor3A_390, %and3A_392 : vector<16xi32>
        %add3A_394 = arith.constant 0 : i32
        %add3A_395 = vector.broadcast %add3A_394 : i32 to vector<16xi32>
        %add3A_396 = arith.addi %and3A_393, %add3A_395 : vector<16xi32>
        %shift_right_arithmetic3A_397 = arith.constant 2 : i32
        %shift_right_arithmetic3A_398 = vector.broadcast %shift_right_arithmetic3A_397 : i32 to vector<16xi32>
        %shift_right_arithmetic3A_399 = arith.shrsi %add3A_396, %shift_right_arithmetic3A_398 : vector<16xi32>
        %add3A_400 = arith.constant 12 : i32
        %add3A_401 = arith.addi %add3A_400, %shift_right_arithmetic3A_88 : i32
        %swap3A_402 = arith.constant 0 : i32
        %swap3A_403 = arith.index_cast %swap3A_402 : i32 to index
        %swap3A_404 = arith.index_cast %add3A_401 : i32 to index
        %swap3A_405 = arith.index_cast %mul3A_92 : i32 to index
        %swap3A_406 = tpu.vector_load %arg9[%swap3A_403, %swap3A_404, %swap3A_405] {strides = array<i32>} : memref<2x32x128xi32, #tpu.memory_space<vmem>>, vector<16xi32>,
        tpu.vector_store %arg9[%swap3A_403, %swap3A_404, %swap3A_405], %shift_right_arithmetic3A_399 {strides = array<i32>} : memref<2x32x128xi32, #tpu.memory_space<vmem>>, vector<16xi32>,
        %and3A_407 = arith.constant 3 : i32
        %and3A_408 = vector.broadcast %and3A_407 : i32 to vector<16xi32>
        %and3A_409 = arith.andi %add3A_396, %and3A_408 : vector<16xi32>
        %mul3A_410 = arith.constant 2 : i32
        %mul3A_411 = vector.broadcast %mul3A_410 : i32 to vector<16xi32>
        %mul3A_412 = arith.muli %and3A_409, %mul3A_411 : vector<16xi32>
        %swap3A_413 = arith.constant 0 : i32
        %swap3A_414 = arith.constant 6 : i32
        %swap3A_415 = arith.index_cast %swap3A_413 : i32 to index
        %swap3A_416 = arith.index_cast %swap3A_414 : i32 to index
        %swap3A_417 = arith.index_cast %mul3A_86 : i32 to index
        %swap3A_418 = tpu.vector_load %arg10[%swap3A_415, %swap3A_416, %swap3A_417] {strides = array<i32>} : memref<2x16x256xi32, #tpu.memory_space<vmem>>, vector<16xi32>,
        tpu.vector_store %arg10[%swap3A_415, %swap3A_416, %swap3A_417], %mul3A_412 {strides = array<i32>} : memref<2x16x256xi32, #tpu.memory_space<vmem>>, vector<16xi32>,
        %mul3A_419 = arith.mulf %mul3A_168, %mul3A_173 : vector<16xf32>
        %swap3A_420 = arith.constant 0 : i32
        %swap3A_421 = arith.constant 6 : i32
        %swap3A_422 = arith.index_cast %swap3A_420 : i32 to index
        %swap3A_423 = arith.index_cast %swap3A_421 : i32 to index
        %swap3A_424 = arith.index_cast %mul3A_86 : i32 to index
        %swap3A_425 = tpu.vector_load %arg11[%swap3A_422, %swap3A_423, %swap3A_424] {strides = array<i32>} : memref<2x16x256xf32, #tpu.memory_space<vmem>>, vector<16xf32>,
        tpu.vector_store %arg11[%swap3A_422, %swap3A_423, %swap3A_424], %mul3A_419 {strides = array<i32>} : memref<2x16x256xf32, #tpu.memory_space<vmem>>, vector<16xf32>,
        %xor3A_426 = arith.xori %xor3A_162, %xor3A_165 : vector<16xi32>
        %and3A_427 = arith.constant 524287 : i32
        %and3A_428 = vector.broadcast %and3A_427 : i32 to vector<16xi32>
        %and3A_429 = arith.andi %xor3A_426, %and3A_428 : vector<16xi32>
        %add3A_430 = arith.constant 0 : i32
        %add3A_431 = vector.broadcast %add3A_430 : i32 to vector<16xi32>
        %add3A_432 = arith.addi %and3A_429, %add3A_431 : vector<16xi32>
        %shift_right_arithmetic3A_433 = arith.constant 2 : i32
        %shift_right_arithmetic3A_434 = vector.broadcast %shift_right_arithmetic3A_433 : i32 to vector<16xi32>
        %shift_right_arithmetic3A_435 = arith.shrsi %add3A_432, %shift_right_arithmetic3A_434 : vector<16xi32>
        %add3A_436 = arith.constant 14 : i32
        %add3A_437 = arith.addi %add3A_436, %shift_right_arithmetic3A_88 : i32
        %swap3A_438 = arith.constant 0 : i32
        %swap3A_439 = arith.index_cast %swap3A_438 : i32 to index
        %swap3A_440 = arith.index_cast %add3A_437 : i32 to index
        %swap3A_441 = arith.index_cast %mul3A_92 : i32 to index
        %swap3A_442 = tpu.vector_load %arg9[%swap3A_439, %swap3A_440, %swap3A_441] {strides = array<i32>} : memref<2x32x128xi32, #tpu.memory_space<vmem>>, vector<16xi32>,
        tpu.vector_store %arg9[%swap3A_439, %swap3A_440, %swap3A_441], %shift_right_arithmetic3A_435 {strides = array<i32>} : memref<2x32x128xi32, #tpu.memory_space<vmem>>, vector<16xi32>,
        %and3A_443 = arith.constant 3 : i32
        %and3A_444 = vector.broadcast %and3A_443 : i32 to vector<16xi32>
        %and3A_445 = arith.andi %add3A_432, %and3A_444 : vector<16xi32>
        %mul3A_446 = arith.constant 2 : i32
        %mul3A_447 = vector.broadcast %mul3A_446 : i32 to vector<16xi32>
        %mul3A_448 = arith.muli %and3A_445, %mul3A_447 : vector<16xi32>
        %swap3A_449 = arith.constant 0 : i32
        %swap3A_450 = arith.constant 7 : i32
        %swap3A_451 = arith.index_cast %swap3A_449 : i32 to index
        %swap3A_452 = arith.index_cast %swap3A_450 : i32 to index
        %swap3A_453 = arith.index_cast %mul3A_86 : i32 to index
        %swap3A_454 = tpu.vector_load %arg10[%swap3A_451, %swap3A_452, %swap3A_453] {strides = array<i32>} : memref<2x16x256xi32, #tpu.memory_space<vmem>>, vector<16xi32>,
        tpu.vector_store %arg10[%swap3A_451, %swap3A_452, %swap3A_453], %mul3A_448 {strides = array<i32>} : memref<2x16x256xi32, #tpu.memory_space<vmem>>, vector<16xi32>,
        %mul3A_455 = arith.mulf %mul3A_170, %mul3A_173 : vector<16xf32>
        %swap3A_456 = arith.constant 0 : i32
        %swap3A_457 = arith.constant 7 : i32
        %swap3A_458 = arith.index_cast %swap3A_456 : i32 to index
        %swap3A_459 = arith.index_cast %swap3A_457 : i32 to index
        %swap3A_460 = arith.index_cast %mul3A_86 : i32 to index
        %swap3A_461 = tpu.vector_load %arg11[%swap3A_458, %swap3A_459, %swap3A_460] {strides = array<i32>} : memref<2x16x256xf32, #tpu.memory_space<vmem>>, vector<16xf32>,
        tpu.vector_store %arg11[%swap3A_458, %swap3A_459, %swap3A_460], %mul3A_455 {strides = array<i32>} : memref<2x16x256xf32, #tpu.memory_space<vmem>>, vector<16xf32>,
        %xor3A_462 = arith.xori %xor3A, %xor3A_164 : vector<16xi32>
        %and3A_463 = arith.constant 524287 : i32
        %and3A_464 = vector.broadcast %and3A_463 : i32 to vector<16xi32>
        %and3A_465 = arith.andi %xor3A_462, %and3A_464 : vector<16xi32>
        %add3A_466 = arith.constant 0 : i32
        %add3A_467 = vector.broadcast %add3A_466 : i32 to vector<16xi32>
        %add3A_468 = arith.addi %and3A_465, %add3A_467 : vector<16xi32>
        %shift_right_arithmetic3A_469 = arith.constant 2 : i32
        %shift_right_arithmetic3A_470 = vector.broadcast %shift_right_arithmetic3A_469 : i32 to vector<16xi32>
        %shift_right_arithmetic3A_471 = arith.shrsi %add3A_468, %shift_right_arithmetic3A_470 : vector<16xi32>
        %add3A_472 = arith.constant 16 : i32
        %add3A_473 = arith.addi %add3A_472, %shift_right_arithmetic3A_88 : i32
        %swap3A_474 = arith.constant 0 : i32
        %swap3A_475 = arith.index_cast %swap3A_474 : i32 to index
        %swap3A_476 = arith.index_cast %add3A_473 : i32 to index
        %swap3A_477 = arith.index_cast %mul3A_92 : i32 to index
        %swap3A_478 = tpu.vector_load %arg9[%swap3A_475, %swap3A_476, %swap3A_477] {strides = array<i32>} : memref<2x32x128xi32, #tpu.memory_space<vmem>>, vector<16xi32>,
        tpu.vector_store %arg9[%swap3A_475, %swap3A_476, %swap3A_477], %shift_right_arithmetic3A_471 {strides = array<i32>} : memref<2x32x128xi32, #tpu.memory_space<vmem>>, vector<16xi32>,
        %and3A_479 = arith.constant 3 : i32
        %and3A_480 = vector.broadcast %and3A_479 : i32 to vector<16xi32>
        %and3A_481 = arith.andi %add3A_468, %and3A_480 : vector<16xi32>
        %mul3A_482 = arith.constant 2 : i32
        %mul3A_483 = vector.broadcast %mul3A_482 : i32 to vector<16xi32>
        %mul3A_484 = arith.muli %and3A_481, %mul3A_483 : vector<16xi32>
        %swap3A_485 = arith.constant 0 : i32
        %swap3A_486 = arith.constant 8 : i32
        %swap3A_487 = arith.index_cast %swap3A_485 : i32 to index
        %swap3A_488 = arith.index_cast %swap3A_486 : i32 to index
        %swap3A_489 = arith.index_cast %mul3A_86 : i32 to index
        %swap3A_490 = tpu.vector_load %arg10[%swap3A_487, %swap3A_488, %swap3A_489] {strides = array<i32>} : memref<2x16x256xi32, #tpu.memory_space<vmem>>, vector<16xi32>,
        tpu.vector_store %arg10[%swap3A_487, %swap3A_488, %swap3A_489], %mul3A_484 {strides = array<i32>} : memref<2x16x256xi32, #tpu.memory_space<vmem>>, vector<16xi32>,
        %mul3A_491 = arith.mulf %mul3A_167, %mul3A_172 : vector<16xf32>
        %swap3A_492 = arith.constant 0 : i32
        %swap3A_493 = arith.constant 8 : i32
        %swap3A_494 = arith.index_cast %swap3A_492 : i32 to index
        %swap3A_495 = arith.index_cast %swap3A_493 : i32 to index
        %swap3A_496 = arith.index_cast %mul3A_86 : i32 to index
        %swap3A_497 = tpu.vector_load %arg11[%swap3A_494, %swap3A_495, %swap3A_496] {strides = array<i32>} : memref<2x16x256xf32, #tpu.memory_space<vmem>>, vector<16xf32>,
        tpu.vector_store %arg11[%swap3A_494, %swap3A_495, %swap3A_496], %mul3A_491 {strides = array<i32>} : memref<2x16x256xf32, #tpu.memory_space<vmem>>, vector<16xf32>,
        %xor3A_498 = arith.xori %xor3A_161, %xor3A_164 : vector<16xi32>
        %and3A_499 = arith.constant 524287 : i32
        %and3A_500 = vector.broadcast %and3A_499 : i32 to vector<16xi32>
        %and3A_501 = arith.andi %xor3A_498, %and3A_500 : vector<16xi32>
        %add3A_502 = arith.constant 0 : i32
        %add3A_503 = vector.broadcast %add3A_502 : i32 to vector<16xi32>
        %add3A_504 = arith.addi %and3A_501, %add3A_503 : vector<16xi32>
        %shift_right_arithmetic3A_505 = arith.constant 2 : i32
        %shift_right_arithmetic3A_506 = vector.broadcast %shift_right_arithmetic3A_505 : i32 to vector<16xi32>
        %shift_right_arithmetic3A_507 = arith.shrsi %add3A_504, %shift_right_arithmetic3A_506 : vector<16xi32>
        %add3A_508 = arith.constant 18 : i32
        %add3A_509 = arith.addi %add3A_508, %shift_right_arithmetic3A_88 : i32
        %swap3A_510 = arith.constant 0 : i32
        %swap3A_511 = arith.index_cast %swap3A_510 : i32 to index
        %swap3A_512 = arith.index_cast %add3A_509 : i32 to index
        %swap3A_513 = arith.index_cast %mul3A_92 : i32 to index
        %swap3A_514 = tpu.vector_load %arg9[%swap3A_511, %swap3A_512, %swap3A_513] {strides = array<i32>} : memref<2x32x128xi32, #tpu.memory_space<vmem>>, vector<16xi32>,
        tpu.vector_store %arg9[%swap3A_511, %swap3A_512, %swap3A_513], %shift_right_arithmetic3A_507 {strides = array<i32>} : memref<2x32x128xi32, #tpu.memory_space<vmem>>, vector<16xi32>,
        %and3A_515 = arith.constant 3 : i32
        %and3A_516 = vector.broadcast %and3A_515 : i32 to vector<16xi32>
        %and3A_517 = arith.andi %add3A_504, %and3A_516 : vector<16xi32>
        %mul3A_518 = arith.constant 2 : i32
        %mul3A_519 = vector.broadcast %mul3A_518 : i32 to vector<16xi32>
        %mul3A_520 = arith.muli %and3A_517, %mul3A_519 : vector<16xi32>
        %swap3A_521 = arith.constant 0 : i32
        %swap3A_522 = arith.constant 9 : i32
        %swap3A_523 = arith.index_cast %swap3A_521 : i32 to index
        %swap3A_524 = arith.index_cast %swap3A_522 : i32 to index
        %swap3A_525 = arith.index_cast %mul3A_86 : i32 to index
        %swap3A_526 = tpu.vector_load %arg10[%swap3A_523, %swap3A_524, %swap3A_525] {strides = array<i32>} : memref<2x16x256xi32, #tpu.memory_space<vmem>>, vector<16xi32>,
        tpu.vector_store %arg10[%swap3A_523, %swap3A_524, %swap3A_525], %mul3A_520 {strides = array<i32>} : memref<2x16x256xi32, #tpu.memory_space<vmem>>, vector<16xi32>,
        %mul3A_527 = arith.mulf %mul3A_169, %mul3A_172 : vector<16xf32>
        %swap3A_528 = arith.constant 0 : i32
        %swap3A_529 = arith.constant 9 : i32
        %swap3A_530 = arith.index_cast %swap3A_528 : i32 to index
        %swap3A_531 = arith.index_cast %swap3A_529 : i32 to index
        %swap3A_532 = arith.index_cast %mul3A_86 : i32 to index
        %swap3A_533 = tpu.vector_load %arg11[%swap3A_530, %swap3A_531, %swap3A_532] {strides = array<i32>} : memref<2x16x256xf32, #tpu.memory_space<vmem>>, vector<16xf32>,
        tpu.vector_store %arg11[%swap3A_530, %swap3A_531, %swap3A_532], %mul3A_527 {strides = array<i32>} : memref<2x16x256xf32, #tpu.memory_space<vmem>>, vector<16xf32>,
        %xor3A_534 = arith.xori %xor3A_160, %xor3A_164 : vector<16xi32>
        %and3A_535 = arith.constant 524287 : i32
        %and3A_536 = vector.broadcast %and3A_535 : i32 to vector<16xi32>
        %and3A_537 = arith.andi %xor3A_534, %and3A_536 : vector<16xi32>
        %add3A_538 = arith.constant 0 : i32
        %add3A_539 = vector.broadcast %add3A_538 : i32 to vector<16xi32>
        %add3A_540 = arith.addi %and3A_537, %add3A_539 : vector<16xi32>
        %shift_right_arithmetic3A_541 = arith.constant 2 : i32
        %shift_right_arithmetic3A_542 = vector.broadcast %shift_right_arithmetic3A_541 : i32 to vector<16xi32>
        %shift_right_arithmetic3A_543 = arith.shrsi %add3A_540, %shift_right_arithmetic3A_542 : vector<16xi32>
        %add3A_544 = arith.constant 20 : i32
        %add3A_545 = arith.addi %add3A_544, %shift_right_arithmetic3A_88 : i32
        %swap3A_546 = arith.constant 0 : i32
        %swap3A_547 = arith.index_cast %swap3A_546 : i32 to index
        %swap3A_548 = arith.index_cast %add3A_545 : i32 to index
        %swap3A_549 = arith.index_cast %mul3A_92 : i32 to index
        %swap3A_550 = tpu.vector_load %arg9[%swap3A_547, %swap3A_548, %swap3A_549] {strides = array<i32>} : memref<2x32x128xi32, #tpu.memory_space<vmem>>, vector<16xi32>,
        tpu.vector_store %arg9[%swap3A_547, %swap3A_548, %swap3A_549], %shift_right_arithmetic3A_543 {strides = array<i32>} : memref<2x32x128xi32, #tpu.memory_space<vmem>>, vector<16xi32>,
        %and3A_551 = arith.constant 3 : i32
        %and3A_552 = vector.broadcast %and3A_551 : i32 to vector<16xi32>
        %and3A_553 = arith.andi %add3A_540, %and3A_552 : vector<16xi32>
        %mul3A_554 = arith.constant 2 : i32
        %mul3A_555 = vector.broadcast %mul3A_554 : i32 to vector<16xi32>
        %mul3A_556 = arith.muli %and3A_553, %mul3A_555 : vector<16xi32>
        %swap3A_557 = arith.constant 0 : i32
        %swap3A_558 = arith.constant 10 : i32
        %swap3A_559 = arith.index_cast %swap3A_557 : i32 to index
        %swap3A_560 = arith.index_cast %swap3A_558 : i32 to index
        %swap3A_561 = arith.index_cast %mul3A_86 : i32 to index
        %swap3A_562 = tpu.vector_load %arg10[%swap3A_559, %swap3A_560, %swap3A_561] {strides = array<i32>} : memref<2x16x256xi32, #tpu.memory_space<vmem>>, vector<16xi32>,
        tpu.vector_store %arg10[%swap3A_559, %swap3A_560, %swap3A_561], %mul3A_556 {strides = array<i32>} : memref<2x16x256xi32, #tpu.memory_space<vmem>>, vector<16xi32>,
        %mul3A_563 = arith.mulf %mul3A_168, %mul3A_172 : vector<16xf32>
        %swap3A_564 = arith.constant 0 : i32
        %swap3A_565 = arith.constant 10 : i32
        %swap3A_566 = arith.index_cast %swap3A_564 : i32 to index
        %swap3A_567 = arith.index_cast %swap3A_565 : i32 to index
        %swap3A_568 = arith.index_cast %mul3A_86 : i32 to index
        %swap3A_569 = tpu.vector_load %arg11[%swap3A_566, %swap3A_567, %swap3A_568] {strides = array<i32>} : memref<2x16x256xf32, #tpu.memory_space<vmem>>, vector<16xf32>,
        tpu.vector_store %arg11[%swap3A_566, %swap3A_567, %swap3A_568], %mul3A_563 {strides = array<i32>} : memref<2x16x256xf32, #tpu.memory_space<vmem>>, vector<16xf32>,
        %xor3A_570 = arith.xori %xor3A_162, %xor3A_164 : vector<16xi32>
        %and3A_571 = arith.constant 524287 : i32
        %and3A_572 = vector.broadcast %and3A_571 : i32 to vector<16xi32>
        %and3A_573 = arith.andi %xor3A_570, %and3A_572 : vector<16xi32>
        %add3A_574 = arith.constant 0 : i32
        %add3A_575 = vector.broadcast %add3A_574 : i32 to vector<16xi32>
        %add3A_576 = arith.addi %and3A_573, %add3A_575 : vector<16xi32>
        %shift_right_arithmetic3A_577 = arith.constant 2 : i32
        %shift_right_arithmetic3A_578 = vector.broadcast %shift_right_arithmetic3A_577 : i32 to vector<16xi32>
        %shift_right_arithmetic3A_579 = arith.shrsi %add3A_576, %shift_right_arithmetic3A_578 : vector<16xi32>
        %add3A_580 = arith.constant 22 : i32
        %add3A_581 = arith.addi %add3A_580, %shift_right_arithmetic3A_88 : i32
        %swap3A_582 = arith.constant 0 : i32
        %swap3A_583 = arith.index_cast %swap3A_582 : i32 to index
        %swap3A_584 = arith.index_cast %add3A_581 : i32 to index
        %swap3A_585 = arith.index_cast %mul3A_92 : i32 to index
        %swap3A_586 = tpu.vector_load %arg9[%swap3A_583, %swap3A_584, %swap3A_585] {strides = array<i32>} : memref<2x32x128xi32, #tpu.memory_space<vmem>>, vector<16xi32>,
        tpu.vector_store %arg9[%swap3A_583, %swap3A_584, %swap3A_585], %shift_right_arithmetic3A_579 {strides = array<i32>} : memref<2x32x128xi32, #tpu.memory_space<vmem>>, vector<16xi32>,
        %and3A_587 = arith.constant 3 : i32
        %and3A_588 = vector.broadcast %and3A_587 : i32 to vector<16xi32>
        %and3A_589 = arith.andi %add3A_576, %and3A_588 : vector<16xi32>
        %mul3A_590 = arith.constant 2 : i32
        %mul3A_591 = vector.broadcast %mul3A_590 : i32 to vector<16xi32>
        %mul3A_592 = arith.muli %and3A_589, %mul3A_591 : vector<16xi32>
        %swap3A_593 = arith.constant 0 : i32
        %swap3A_594 = arith.constant 11 : i32
        %swap3A_595 = arith.index_cast %swap3A_593 : i32 to index
        %swap3A_596 = arith.index_cast %swap3A_594 : i32 to index
        %swap3A_597 = arith.index_cast %mul3A_86 : i32 to index
        %swap3A_598 = tpu.vector_load %arg10[%swap3A_595, %swap3A_596, %swap3A_597] {strides = array<i32>} : memref<2x16x256xi32, #tpu.memory_space<vmem>>, vector<16xi32>,
        tpu.vector_store %arg10[%swap3A_595, %swap3A_596, %swap3A_597], %mul3A_592 {strides = array<i32>} : memref<2x16x256xi32, #tpu.memory_space<vmem>>, vector<16xi32>,
        %mul3A_599 = arith.mulf %mul3A_170, %mul3A_172 : vector<16xf32>
        %swap3A_600 = arith.constant 0 : i32
        %swap3A_601 = arith.constant 11 : i32
        %swap3A_602 = arith.index_cast %swap3A_600 : i32 to index
        %swap3A_603 = arith.index_cast %swap3A_601 : i32 to index
        %swap3A_604 = arith.index_cast %mul3A_86 : i32 to index
        %swap3A_605 = tpu.vector_load %arg11[%swap3A_602, %swap3A_603, %swap3A_604] {strides = array<i32>} : memref<2x16x256xf32, #tpu.memory_space<vmem>>, vector<16xf32>,
        tpu.vector_store %arg11[%swap3A_602, %swap3A_603, %swap3A_604], %mul3A_599 {strides = array<i32>} : memref<2x16x256xf32, #tpu.memory_space<vmem>>, vector<16xf32>,
        %xor3A_606 = arith.xori %xor3A, %xor3A_166 : vector<16xi32>
        %and3A_607 = arith.constant 524287 : i32
        %and3A_608 = vector.broadcast %and3A_607 : i32 to vector<16xi32>
        %and3A_609 = arith.andi %xor3A_606, %and3A_608 : vector<16xi32>
        %add3A_610 = arith.constant 0 : i32
        %add3A_611 = vector.broadcast %add3A_610 : i32 to vector<16xi32>
        %add3A_612 = arith.addi %and3A_609, %add3A_611 : vector<16xi32>
        %shift_right_arithmetic3A_613 = arith.constant 2 : i32
        %shift_right_arithmetic3A_614 = vector.broadcast %shift_right_arithmetic3A_613 : i32 to vector<16xi32>
        %shift_right_arithmetic3A_615 = arith.shrsi %add3A_612, %shift_right_arithmetic3A_614 : vector<16xi32>
        %add3A_616 = arith.constant 24 : i32
        %add3A_617 = arith.addi %add3A_616, %shift_right_arithmetic3A_88 : i32
        %swap3A_618 = arith.constant 0 : i32
        %swap3A_619 = arith.index_cast %swap3A_618 : i32 to index
        %swap3A_620 = arith.index_cast %add3A_617 : i32 to index
        %swap3A_621 = arith.index_cast %mul3A_92 : i32 to index
        %swap3A_622 = tpu.vector_load %arg9[%swap3A_619, %swap3A_620, %swap3A_621] {strides = array<i32>} : memref<2x32x128xi32, #tpu.memory_space<vmem>>, vector<16xi32>,
        tpu.vector_store %arg9[%swap3A_619, %swap3A_620, %swap3A_621], %shift_right_arithmetic3A_615 {strides = array<i32>} : memref<2x32x128xi32, #tpu.memory_space<vmem>>, vector<16xi32>,
        %and3A_623 = arith.constant 3 : i32
        %and3A_624 = vector.broadcast %and3A_623 : i32 to vector<16xi32>
        %and3A_625 = arith.andi %add3A_612, %and3A_624 : vector<16xi32>
        %mul3A_626 = arith.constant 2 : i32
        %mul3A_627 = vector.broadcast %mul3A_626 : i32 to vector<16xi32>
        %mul3A_628 = arith.muli %and3A_625, %mul3A_627 : vector<16xi32>
        %swap3A_629 = arith.constant 0 : i32
        %swap3A_630 = arith.constant 12 : i32
        %swap3A_631 = arith.index_cast %swap3A_629 : i32 to index
        %swap3A_632 = arith.index_cast %swap3A_630 : i32 to index
        %swap3A_633 = arith.index_cast %mul3A_86 : i32 to index
        %swap3A_634 = tpu.vector_load %arg10[%swap3A_631, %swap3A_632, %swap3A_633] {strides = array<i32>} : memref<2x16x256xi32, #tpu.memory_space<vmem>>, vector<16xi32>,
        tpu.vector_store %arg10[%swap3A_631, %swap3A_632, %swap3A_633], %mul3A_628 {strides = array<i32>} : memref<2x16x256xi32, #tpu.memory_space<vmem>>, vector<16xi32>,
        %mul3A_635 = arith.mulf %mul3A_167, %mul3A_174 : vector<16xf32>
        %swap3A_636 = arith.constant 0 : i32
        %swap3A_637 = arith.constant 12 : i32
        %swap3A_638 = arith.index_cast %swap3A_636 : i32 to index
        %swap3A_639 = arith.index_cast %swap3A_637 : i32 to index
        %swap3A_640 = arith.index_cast %mul3A_86 : i32 to index
        %swap3A_641 = tpu.vector_load %arg11[%swap3A_638, %swap3A_639, %swap3A_640] {strides = array<i32>} : memref<2x16x256xf32, #tpu.memory_space<vmem>>, vector<16xf32>,
        tpu.vector_store %arg11[%swap3A_638, %swap3A_639, %swap3A_640], %mul3A_635 {strides = array<i32>} : memref<2x16x256xf32, #tpu.memory_space<vmem>>, vector<16xf32>,
        %xor3A_642 = arith.xori %xor3A_161, %xor3A_166 : vector<16xi32>
        %and3A_643 = arith.constant 524287 : i32
        %and3A_644 = vector.broadcast %and3A_643 : i32 to vector<16xi32>
        %and3A_645 = arith.andi %xor3A_642, %and3A_644 : vector<16xi32>
        %add3A_646 = arith.constant 0 : i32
        %add3A_647 = vector.broadcast %add3A_646 : i32 to vector<16xi32>
        %add3A_648 = arith.addi %and3A_645, %add3A_647 : vector<16xi32>
        %shift_right_arithmetic3A_649 = arith.constant 2 : i32
        %shift_right_arithmetic3A_650 = vector.broadcast %shift_right_arithmetic3A_649 : i32 to vector<16xi32>
        %shift_right_arithmetic3A_651 = arith.shrsi %add3A_648, %shift_right_arithmetic3A_650 : vector<16xi32>
        %add3A_652 = arith.constant 26 : i32
        %add3A_653 = arith.addi %add3A_652, %shift_right_arithmetic3A_88 : i32
        %swap3A_654 = arith.constant 0 : i32
        %swap3A_655 = arith.index_cast %swap3A_654 : i32 to index
        %swap3A_656 = arith.index_cast %add3A_653 : i32 to index
        %swap3A_657 = arith.index_cast %mul3A_92 : i32 to index
        %swap3A_658 = tpu.vector_load %arg9[%swap3A_655, %swap3A_656, %swap3A_657] {strides = array<i32>} : memref<2x32x128xi32, #tpu.memory_space<vmem>>, vector<16xi32>,
        tpu.vector_store %arg9[%swap3A_655, %swap3A_656, %swap3A_657], %shift_right_arithmetic3A_651 {strides = array<i32>} : memref<2x32x128xi32, #tpu.memory_space<vmem>>, vector<16xi32>,
        %and3A_659 = arith.constant 3 : i32
        %and3A_660 = vector.broadcast %and3A_659 : i32 to vector<16xi32>
        %and3A_661 = arith.andi %add3A_648, %and3A_660 : vector<16xi32>
        %mul3A_662 = arith.constant 2 : i32
        %mul3A_663 = vector.broadcast %mul3A_662 : i32 to vector<16xi32>
        %mul3A_664 = arith.muli %and3A_661, %mul3A_663 : vector<16xi32>
        %swap3A_665 = arith.constant 0 : i32
        %swap3A_666 = arith.constant 13 : i32
        %swap3A_667 = arith.index_cast %swap3A_665 : i32 to index
        %swap3A_668 = arith.index_cast %swap3A_666 : i32 to index
        %swap3A_669 = arith.index_cast %mul3A_86 : i32 to index
        %swap3A_670 = tpu.vector_load %arg10[%swap3A_667, %swap3A_668, %swap3A_669] {strides = array<i32>} : memref<2x16x256xi32, #tpu.memory_space<vmem>>, vector<16xi32>,
        tpu.vector_store %arg10[%swap3A_667, %swap3A_668, %swap3A_669], %mul3A_664 {strides = array<i32>} : memref<2x16x256xi32, #tpu.memory_space<vmem>>, vector<16xi32>,
        %mul3A_671 = arith.mulf %mul3A_169, %mul3A_174 : vector<16xf32>
        %swap3A_672 = arith.constant 0 : i32
        %swap3A_673 = arith.constant 13 : i32
        %swap3A_674 = arith.index_cast %swap3A_672 : i32 to index
        %swap3A_675 = arith.index_cast %swap3A_673 : i32 to index
        %swap3A_676 = arith.index_cast %mul3A_86 : i32 to index
        %swap3A_677 = tpu.vector_load %arg11[%swap3A_674, %swap3A_675, %swap3A_676] {strides = array<i32>} : memref<2x16x256xf32, #tpu.memory_space<vmem>>, vector<16xf32>,
        tpu.vector_store %arg11[%swap3A_674, %swap3A_675, %swap3A_676], %mul3A_671 {strides = array<i32>} : memref<2x16x256xf32, #tpu.memory_space<vmem>>, vector<16xf32>,
        %xor3A_678 = arith.xori %xor3A_160, %xor3A_166 : vector<16xi32>
        %and3A_679 = arith.constant 524287 : i32
        %and3A_680 = vector.broadcast %and3A_679 : i32 to vector<16xi32>
        %and3A_681 = arith.andi %xor3A_678, %and3A_680 : vector<16xi32>
        %add3A_682 = arith.constant 0 : i32
        %add3A_683 = vector.broadcast %add3A_682 : i32 to vector<16xi32>
        %add3A_684 = arith.addi %and3A_681, %add3A_683 : vector<16xi32>
        %shift_right_arithmetic3A_685 = arith.constant 2 : i32
        %shift_right_arithmetic3A_686 = vector.broadcast %shift_right_arithmetic3A_685 : i32 to vector<16xi32>
        %shift_right_arithmetic3A_687 = arith.shrsi %add3A_684, %shift_right_arithmetic3A_686 : vector<16xi32>
        %add3A_688 = arith.constant 28 : i32
        %add3A_689 = arith.addi %add3A_688, %shift_right_arithmetic3A_88 : i32
        %swap3A_690 = arith.constant 0 : i32
        %swap3A_691 = arith.index_cast %swap3A_690 : i32 to index
        %swap3A_692 = arith.index_cast %add3A_689 : i32 to index
        %swap3A_693 = arith.index_cast %mul3A_92 : i32 to index
        %swap3A_694 = tpu.vector_load %arg9[%swap3A_691, %swap3A_692, %swap3A_693] {strides = array<i32>} : memref<2x32x128xi32, #tpu.memory_space<vmem>>, vector<16xi32>,
        tpu.vector_store %arg9[%swap3A_691, %swap3A_692, %swap3A_693], %shift_right_arithmetic3A_687 {strides = array<i32>} : memref<2x32x128xi32, #tpu.memory_space<vmem>>, vector<16xi32>,
        %and3A_695 = arith.constant 3 : i32
        %and3A_696 = vector.broadcast %and3A_695 : i32 to vector<16xi32>
        %and3A_697 = arith.andi %add3A_684, %and3A_696 : vector<16xi32>
        %mul3A_698 = arith.constant 2 : i32
        %mul3A_699 = vector.broadcast %mul3A_698 : i32 to vector<16xi32>
        %mul3A_700 = arith.muli %and3A_697, %mul3A_699 : vector<16xi32>
        %swap3A_701 = arith.constant 0 : i32
        %swap3A_702 = arith.constant 14 : i32
        %swap3A_703 = arith.index_cast %swap3A_701 : i32 to index
        %swap3A_704 = arith.index_cast %swap3A_702 : i32 to index
        %swap3A_705 = arith.index_cast %mul3A_86 : i32 to index
        %swap3A_706 = tpu.vector_load %arg10[%swap3A_703, %swap3A_704, %swap3A_705] {strides = array<i32>} : memref<2x16x256xi32, #tpu.memory_space<vmem>>, vector<16xi32>,
        tpu.vector_store %arg10[%swap3A_703, %swap3A_704, %swap3A_705], %mul3A_700 {strides = array<i32>} : memref<2x16x256xi32, #tpu.memory_space<vmem>>, vector<16xi32>,
        %mul3A_707 = arith.mulf %mul3A_168, %mul3A_174 : vector<16xf32>
        %swap3A_708 = arith.constant 0 : i32
        %swap3A_709 = arith.constant 14 : i32
        %swap3A_710 = arith.index_cast %swap3A_708 : i32 to index
        %swap3A_711 = arith.index_cast %swap3A_709 : i32 to index
        %swap3A_712 = arith.index_cast %mul3A_86 : i32 to index
        %swap3A_713 = tpu.vector_load %arg11[%swap3A_710, %swap3A_711, %swap3A_712] {strides = array<i32>} : memref<2x16x256xf32, #tpu.memory_space<vmem>>, vector<16xf32>,
        tpu.vector_store %arg11[%swap3A_710, %swap3A_711, %swap3A_712], %mul3A_707 {strides = array<i32>} : memref<2x16x256xf32, #tpu.memory_space<vmem>>, vector<16xf32>,
        %xor3A_714 = arith.xori %xor3A_162, %xor3A_166 : vector<16xi32>
        %and3A_715 = arith.constant 524287 : i32
        %and3A_716 = vector.broadcast %and3A_715 : i32 to vector<16xi32>
        %and3A_717 = arith.andi %xor3A_714, %and3A_716 : vector<16xi32>
        %add3A_718 = arith.constant 0 : i32
        %add3A_719 = vector.broadcast %add3A_718 : i32 to vector<16xi32>
        %add3A_720 = arith.addi %and3A_717, %add3A_719 : vector<16xi32>
        %shift_right_arithmetic3A_721 = arith.constant 2 : i32
        %shift_right_arithmetic3A_722 = vector.broadcast %shift_right_arithmetic3A_721 : i32 to vector<16xi32>
        %shift_right_arithmetic3A_723 = arith.shrsi %add3A_720, %shift_right_arithmetic3A_722 : vector<16xi32>
        %add3A_724 = arith.constant 30 : i32
        %add3A_725 = arith.addi %add3A_724, %shift_right_arithmetic3A_88 : i32
        %swap3A_726 = arith.constant 0 : i32
        %swap3A_727 = arith.index_cast %swap3A_726 : i32 to index
        %swap3A_728 = arith.index_cast %add3A_725 : i32 to index
        %swap3A_729 = arith.index_cast %mul3A_92 : i32 to index
        %swap3A_730 = tpu.vector_load %arg9[%swap3A_727, %swap3A_728, %swap3A_729] {strides = array<i32>} : memref<2x32x128xi32, #tpu.memory_space<vmem>>, vector<16xi32>,
        tpu.vector_store %arg9[%swap3A_727, %swap3A_728, %swap3A_729], %shift_right_arithmetic3A_723 {strides = array<i32>} : memref<2x32x128xi32, #tpu.memory_space<vmem>>, vector<16xi32>,
        %and3A_731 = arith.constant 3 : i32
        %and3A_732 = vector.broadcast %and3A_731 : i32 to vector<16xi32>
        %and3A_733 = arith.andi %add3A_720, %and3A_732 : vector<16xi32>
        %mul3A_734 = arith.constant 2 : i32
        %mul3A_735 = vector.broadcast %mul3A_734 : i32 to vector<16xi32>
        %mul3A_736 = arith.muli %and3A_733, %mul3A_735 : vector<16xi32>
        %swap3A_737 = arith.constant 0 : i32
        %swap3A_738 = arith.constant 15 : i32
        %swap3A_739 = arith.index_cast %swap3A_737 : i32 to index
        %swap3A_740 = arith.index_cast %swap3A_738 : i32 to index
        %swap3A_741 = arith.index_cast %mul3A_86 : i32 to index
        %swap3A_742 = tpu.vector_load %arg10[%swap3A_739, %swap3A_740, %swap3A_741] {strides = array<i32>} : memref<2x16x256xi32, #tpu.memory_space<vmem>>, vector<16xi32>,
        tpu.vector_store %arg10[%swap3A_739, %swap3A_740, %swap3A_741], %mul3A_736 {strides = array<i32>} : memref<2x16x256xi32, #tpu.memory_space<vmem>>, vector<16xi32>,
        %mul3A_743 = arith.mulf %mul3A_170, %mul3A_174 : vector<16xf32>
        %swap3A_744 = arith.constant 0 : i32
        %swap3A_745 = arith.constant 15 : i32
        %swap3A_746 = arith.index_cast %swap3A_744 : i32 to index
        %swap3A_747 = arith.index_cast %swap3A_745 : i32 to index
        %swap3A_748 = arith.index_cast %mul3A_86 : i32 to index
        %swap3A_749 = tpu.vector_load %arg11[%swap3A_746, %swap3A_747, %swap3A_748] {strides = array<i32>} : memref<2x16x256xf32, #tpu.memory_space<vmem>>, vector<16xf32>,
        tpu.vector_store %arg11[%swap3A_746, %swap3A_747, %swap3A_748], %mul3A_743 {strides = array<i32>} : memref<2x16x256xf32, #tpu.memory_space<vmem>>, vector<16xf32>,
      }
      %scan3A_71 = arith.constant 16 : i32
      %scan3A_72 = arith.constant 0 : i32
      %scan3A_73 = arith.constant 0 : i32
      %scan3A_74 = arith.constant 32 : i32
      %scan3A_75 = arith.addi %scan3A_73, %scan3A_74 : i32
      %scan3A_76 = arith.constant 1 : i32
      scf.for %scan3A_84 = %scan3A_73 to %scan3A_75 step %scan3A_76  : i32 {
        %dma_start3A = arith.constant 0 : i32
        %dma_start3A_85 = arith.constant 0 : i32
        %dma_start3A_86 = arith.constant 0 : i32
        %dma_start3A_87 = arith.constant 0 : i32
        %dma_start3A_88 = arith.constant 0 : i32
        %dma_start3A_89 = tpu.memref_slice %arg12[%dma_start3A_85, %scan3A_84, %dma_start3A_87, %dma_start3A_88] : memref<2x32x128x8xf32, #tpu.memory_space<vmem>> -> memref<1x1x128x8xf32, #tpu.memory_space<vmem>>
        %dma_start3A_90 = tpu.memref_squeeze %dma_start3A_89 : memref<1x1x128x8xf32, #tpu.memory_space<vmem>> -> memref<128x8xf32, #tpu.memory_space<vmem>>
        %dma_start3A_91 = arith.constant 0 : i32
        %dma_start3A_92 = tpu.memref_slice %arg9[%dma_start3A, %scan3A_84, %dma_start3A_91] : memref<2x32x128xi32, #tpu.memory_space<vmem>> -> memref<1x1x128xi32, #tpu.memory_space<vmem>>
        %dma_start3A_93 = tpu.memref_squeeze %dma_start3A_92 : memref<1x1x128xi32, #tpu.memory_space<vmem>> -> memref<128xi32, #tpu.memory_space<vmem>>
        %dma_start3A_94 = arith.constant 0 : i32
        %dma_start3A_95 = arith.constant 0 : i32
        %dma_start3A_96 = tpu.memref_slice %arg3[%dma_start3A_94, %dma_start3A_95] : memref<2097152x8xf32, #tpu.memory_space<hbm>> -> memref<2097152x8xf32, #tpu.memory_space<hbm>>
        %dma_start3A_97 = tpu.memref_slice %arg14[%dma_start3A_86] : memref<2x!tpu.dma_semaphore, #tpu.memory_space<semaphore_mem>> -> memref<1x!tpu.dma_semaphore, #tpu.memory_space<semaphore_mem>>
        %dma_start3A_98 = tpu.memref_squeeze %dma_start3A_97 : memref<1x!tpu.dma_semaphore, #tpu.memory_space<semaphore_mem>> -> memref<!tpu.dma_semaphore, #tpu.memory_space<semaphore_mem>>
        tpu.enqueue_indirect_dma source(%dma_start3A_96 : memref<2097152x8xf32, #tpu.memory_space<hbm>>) target(%dma_start3A_90 : memref<128x8xf32, #tpu.memory_space<vmem>>) offsets(%dma_start3A_93 : memref<128xi32, #tpu.memory_space<vmem>>) semaphore(%dma_start3A_98 : memref<!tpu.dma_semaphore, #tpu.memory_space<semaphore_mem>>)
      }
      %scan3A_77 = arith.constant 32 : i32
      %scan3A_78 = arith.constant 0 : i32
      %scan3A_79 = arith.constant 0 : i32
      %scan3A_80 = arith.constant 16 : i32
      %scan3A_81 = arith.addi %scan3A_79, %scan3A_80 : i32
      %scan3A_82 = arith.constant 1 : i32
      scf.for %scan3A_84 = %scan3A_79 to %scan3A_81 step %scan3A_82  : i32 {
        %and3A_85 = arith.constant 1 : i32
        %and3A_86 = arith.andi %scan3A_84, %and3A_85 : i32
        %add3A_87 = arith.constant 1 : i32
        %add3A_88 = arith.addi %scan3A_84, %add3A_87 : i32
        %lt3A = arith.constant 16 : i32
        %lt3A_89 = arith.cmpi slt, %add3A_88, %lt3A : i32
        %convert_element_type3A = arith.extui %lt3A_89 : i1 to i32
        %cond3A = arith.constant 0 : i32
        %cond3A_90 = arith.cmpi ne, %convert_element_type3A, %cond3A : i32
        scf.if %cond3A_90 {
          %add3A_105 = arith.constant 1 : i32
          %add3A_106 = arith.addi %scan3A_84, %add3A_105 : i32
          %sub3A_107 = arith.constant 1 : i32
          %sub3A_108 = arith.subi %sub3A_107, %and3A_86 : i32
          %mul3A_109 = arith.constant 524288 : i32
          %mul3A_110 = arith.muli %add3A_106, %mul3A_109 : i32
          %get3A_111 = arith.constant 0 : i32
          %get3A_112 = arith.index_cast %add3A_106 : i32 to index
          %get3A_113 = arith.index_cast %get3A_111 : i32 to index
          %get3A_114 = arith.constant 0 : index
          %get3A_115 = tpu.vector_load %arg8[%get3A_112, %get3A_113, %get3A_114] {strides = array<i32>} : memref<16x4x16xf32, #tpu.memory_space<vmem>>, vector<16xf32>,
          %get3A_116 = arith.constant 1 : i32
          %get3A_117 = arith.index_cast %add3A_106 : i32 to index
          %get3A_118 = arith.index_cast %get3A_116 : i32 to index
          %get3A_119 = arith.constant 0 : index
          %get3A_120 = tpu.vector_load %arg8[%get3A_117, %get3A_118, %get3A_119] {strides = array<i32>} : memref<16x4x16xf32, #tpu.memory_space<vmem>>, vector<16xf32>,
          %get3A_121 = arith.constant 2 : i32
          %get3A_122 = arith.index_cast %add3A_106 : i32 to index
          %get3A_123 = arith.index_cast %get3A_121 : i32 to index
          %get3A_124 = arith.constant 0 : index
          %get3A_125 = tpu.vector_load %arg8[%get3A_122, %get3A_123, %get3A_124] {strides = array<i32>} : memref<16x4x16xf32, #tpu.memory_space<vmem>>, vector<16xf32>,
          %get3A_126 = arith.constant 3 : i32
          %get3A_127 = arith.index_cast %add3A_106 : i32 to index
          %get3A_128 = arith.index_cast %get3A_126 : i32 to index
          %get3A_129 = arith.constant 0 : index
          %get3A_130 = tpu.vector_load %arg8[%get3A_127, %get3A_128, %get3A_129] {strides = array<i32>} : memref<16x4x16xf32, #tpu.memory_space<vmem>>, vector<16xf32>,
          %scan3A_131 = arith.constant 0 : i32
          %scan3A_132 = arith.constant 0 : i32
          %scan3A_133 = arith.constant 16 : i32
          %scan3A_134 = arith.addi %scan3A_132, %scan3A_133 : i32
          %scan3A_135 = arith.constant 1 : i32
          scf.for %scan3A_143 = %scan3A_132 to %scan3A_134 step %scan3A_135  : i32 {
            %mul3A_144 = arith.constant 16 : i32
            %mul3A_145 = arith.muli %scan3A_143, %mul3A_144 : i32
            %shift_right_arithmetic3A_146 = arith.constant 3 : i32
            %shift_right_arithmetic3A_147 = arith.shrsi %scan3A_143, %shift_right_arithmetic3A_146 : i32
            %and3A_148 = arith.constant 7 : i32
            %and3A_149 = arith.andi %scan3A_143, %and3A_148 : i32
            %mul3A_150 = arith.constant 16 : i32
            %mul3A_151 = arith.muli %and3A_149, %mul3A_150 : i32
            %get3A_152 = arith.constant 0 : i32
            %get3A_153 = arith.index_cast %get3A_152 : i32 to index
            %get3A_154 = arith.index_cast %mul3A_145 : i32 to index
            %get3A_155 = tpu.vector_load %arg7[%get3A_153, %get3A_154] {strides = array<i32>} : memref<4x256xf32, #tpu.memory_space<vmem>>, vector<16xf32>,
            %get3A_156 = arith.constant 1 : i32
            %get3A_157 = arith.index_cast %get3A_156 : i32 to index
            %get3A_158 = arith.index_cast %mul3A_145 : i32 to index
            %get3A_159 = tpu.vector_load %arg7[%get3A_157, %get3A_158] {strides = array<i32>} : memref<4x256xf32, #tpu.memory_space<vmem>>, vector<16xf32>,
            %get3A_160 = arith.constant 2 : i32
            %get3A_161 = arith.index_cast %get3A_160 : i32 to index
            %get3A_162 = arith.index_cast %mul3A_145 : i32 to index
            %get3A_163 = tpu.vector_load %arg7[%get3A_161, %get3A_162] {strides = array<i32>} : memref<4x256xf32, #tpu.memory_space<vmem>>, vector<16xf32>,
            %get3A_164 = arith.constant 3 : i32
            %get3A_165 = arith.index_cast %get3A_164 : i32 to index
            %get3A_166 = arith.index_cast %mul3A_145 : i32 to index
            %get3A_167 = tpu.vector_load %arg7[%get3A_165, %get3A_166] {strides = array<i32>} : memref<4x256xf32, #tpu.memory_space<vmem>>, vector<16xf32>,
            %mul3A_168 = arith.mulf %get3A_155, %get3A_115 : vector<16xf32>
            %mul3A_169 = arith.mulf %get3A_159, %get3A_120 : vector<16xf32>
            %mul3A_170 = arith.mulf %get3A_163, %get3A_125 : vector<16xf32>
            %mul3A_171 = arith.mulf %get3A_167, %get3A_130 : vector<16xf32>
            %convert_element_type3A_172 = arith.fptosi %mul3A_168 : vector<16xf32> to vector<16xi32>
            %convert_element_type3A_173 = arith.fptosi %mul3A_169 : vector<16xf32> to vector<16xi32>
            %convert_element_type3A_174 = arith.fptosi %mul3A_170 : vector<16xf32> to vector<16xi32>
            %convert_element_type3A_175 = arith.fptosi %mul3A_171 : vector<16xf32> to vector<16xi32>
            %convert_element_type3A_176 = arith.sitofp %convert_element_type3A_172 : vector<16xi32> to vector<16xf32>
            %sub3A_177 = arith.subf %mul3A_168, %convert_element_type3A_176 : vector<16xf32>
            %convert_element_type3A_178 = arith.sitofp %convert_element_type3A_173 : vector<16xi32> to vector<16xf32>
            %sub3A_179 = arith.subf %mul3A_169, %convert_element_type3A_178 : vector<16xf32>
            %convert_element_type3A_180 = arith.sitofp %convert_element_type3A_174 : vector<16xi32> to vector<16xf32>
            %sub3A_181 = arith.subf %mul3A_170, %convert_element_type3A_180 : vector<16xf32>
            %convert_element_type3A_182 = arith.sitofp %convert_element_type3A_175 : vector<16xi32> to vector<16xf32>
            %sub3A_183 = arith.subf %mul3A_171, %convert_element_type3A_182 : vector<16xf32>
            %mul3A_184 = arith.constant 1 : i32
            %mul3A_185 = vector.broadcast %mul3A_184 : i32 to vector<16xi32>
            %mul3A_186 = arith.muli %convert_element_type3A_172, %mul3A_185 : vector<16xi32>
            %mul3A_187 = arith.constant -1640531535 : i32
            %mul3A_188 = vector.broadcast %mul3A_187 : i32 to vector<16xi32>
            %mul3A_189 = arith.muli %convert_element_type3A_173, %mul3A_188 : vector<16xi32>
            %mul3A_190 = arith.constant 805459861 : i32
            %mul3A_191 = vector.broadcast %mul3A_190 : i32 to vector<16xi32>
            %mul3A_192 = arith.muli %convert_element_type3A_174, %mul3A_191 : vector<16xi32>
            %mul3A_193 = arith.constant -620313867 : i32
            %mul3A_194 = vector.broadcast %mul3A_193 : i32 to vector<16xi32>
            %mul3A_195 = arith.muli %convert_element_type3A_175, %mul3A_194 : vector<16xi32>
            %add3A_196 = arith.constant 1 : i32
            %add3A_197 = vector.broadcast %add3A_196 : i32 to vector<16xi32>
            %add3A_198 = arith.addi %mul3A_186, %add3A_197 : vector<16xi32>
            %add3A_199 = arith.constant -1640531535 : i32
            %add3A_200 = vector.broadcast %add3A_199 : i32 to vector<16xi32>
            %add3A_201 = arith.addi %mul3A_189, %add3A_200 : vector<16xi32>
            %add3A_202 = arith.constant 805459861 : i32
            %add3A_203 = vector.broadcast %add3A_202 : i32 to vector<16xi32>
            %add3A_204 = arith.addi %mul3A_192, %add3A_203 : vector<16xi32>
            %add3A_205 = arith.constant -620313867 : i32
            %add3A_206 = vector.broadcast %add3A_205 : i32 to vector<16xi32>
            %add3A_207 = arith.addi %mul3A_195, %add3A_206 : vector<16xi32>
            %sub3A_208 = arith.constant 1.000000e+00 : f32
            %sub3A_209 = vector.broadcast %sub3A_208 : f32 to vector<16xf32>
            %sub3A_210 = arith.subf %sub3A_209, %sub3A_177 : vector<16xf32>
            %sub3A_211 = arith.constant 1.000000e+00 : f32
            %sub3A_212 = vector.broadcast %sub3A_211 : f32 to vector<16xf32>
            %sub3A_213 = arith.subf %sub3A_212, %sub3A_179 : vector<16xf32>
            %sub3A_214 = arith.constant 1.000000e+00 : f32
            %sub3A_215 = vector.broadcast %sub3A_214 : f32 to vector<16xf32>
            %sub3A_216 = arith.subf %sub3A_215, %sub3A_181 : vector<16xf32>
            %sub3A_217 = arith.constant 1.000000e+00 : f32
            %sub3A_218 = vector.broadcast %sub3A_217 : f32 to vector<16xf32>
            %sub3A_219 = arith.subf %sub3A_218, %sub3A_183 : vector<16xf32>
            %xor3A = arith.xori %mul3A_186, %mul3A_189 : vector<16xi32>
            %xor3A_220 = arith.xori %mul3A_186, %add3A_201 : vector<16xi32>
            %xor3A_221 = arith.xori %add3A_198, %mul3A_189 : vector<16xi32>
            %xor3A_222 = arith.xori %add3A_198, %add3A_201 : vector<16xi32>
            %xor3A_223 = arith.xori %mul3A_192, %mul3A_195 : vector<16xi32>
            %xor3A_224 = arith.xori %mul3A_192, %add3A_207 : vector<16xi32>
            %xor3A_225 = arith.xori %add3A_204, %mul3A_195 : vector<16xi32>
            %xor3A_226 = arith.xori %add3A_204, %add3A_207 : vector<16xi32>
            %mul3A_227 = arith.mulf %sub3A_210, %sub3A_213 : vector<16xf32>
            %mul3A_228 = arith.mulf %sub3A_210, %sub3A_179 : vector<16xf32>
            %mul3A_229 = arith.mulf %sub3A_177, %sub3A_213 : vector<16xf32>
            %mul3A_230 = arith.mulf %sub3A_177, %sub3A_179 : vector<16xf32>
            %mul3A_231 = arith.mulf %sub3A_216, %sub3A_219 : vector<16xf32>
            %mul3A_232 = arith.mulf %sub3A_216, %sub3A_183 : vector<16xf32>
            %mul3A_233 = arith.mulf %sub3A_181, %sub3A_219 : vector<16xf32>
            %mul3A_234 = arith.mulf %sub3A_181, %sub3A_183 : vector<16xf32>
            %xor3A_235 = arith.xori %xor3A, %xor3A_223 : vector<16xi32>
            %and3A_236 = arith.constant 524287 : i32
            %and3A_237 = vector.broadcast %and3A_236 : i32 to vector<16xi32>
            %and3A_238 = arith.andi %xor3A_235, %and3A_237 : vector<16xi32>
            %add3A_239 = vector.broadcast %mul3A_110 : i32 to vector<16xi32>
            %add3A_240 = arith.addi %and3A_238, %add3A_239 : vector<16xi32>
            %shift_right_arithmetic3A_241 = arith.constant 2 : i32
            %shift_right_arithmetic3A_242 = vector.broadcast %shift_right_arithmetic3A_241 : i32 to vector<16xi32>
            %shift_right_arithmetic3A_243 = arith.shrsi %add3A_240, %shift_right_arithmetic3A_242 : vector<16xi32>
            %add3A_244 = arith.constant 0 : i32
            %add3A_245 = arith.addi %add3A_244, %shift_right_arithmetic3A_147 : i32
            %swap3A = arith.index_cast %sub3A_108 : i32 to index
            %swap3A_246 = arith.index_cast %add3A_245 : i32 to index
            %swap3A_247 = arith.index_cast %mul3A_151 : i32 to index
            %swap3A_248 = tpu.vector_load %arg9[%swap3A, %swap3A_246, %swap3A_247] {strides = array<i32>} : memref<2x32x128xi32, #tpu.memory_space<vmem>>, vector<16xi32>,
            tpu.vector_store %arg9[%swap3A, %swap3A_246, %swap3A_247], %shift_right_arithmetic3A_243 {strides = array<i32>} : memref<2x32x128xi32, #tpu.memory_space<vmem>>, vector<16xi32>,
            %and3A_249 = arith.constant 3 : i32
            %and3A_250 = vector.broadcast %and3A_249 : i32 to vector<16xi32>
            %and3A_251 = arith.andi %add3A_240, %and3A_250 : vector<16xi32>
            %mul3A_252 = arith.constant 2 : i32
            %mul3A_253 = vector.broadcast %mul3A_252 : i32 to vector<16xi32>
            %mul3A_254 = arith.muli %and3A_251, %mul3A_253 : vector<16xi32>
            %swap3A_255 = arith.constant 0 : i32
            %swap3A_256 = arith.index_cast %sub3A_108 : i32 to index
            %swap3A_257 = arith.index_cast %swap3A_255 : i32 to index
            %swap3A_258 = arith.index_cast %mul3A_145 : i32 to index
            %swap3A_259 = tpu.vector_load %arg10[%swap3A_256, %swap3A_257, %swap3A_258] {strides = array<i32>} : memref<2x16x256xi32, #tpu.memory_space<vmem>>, vector<16xi32>,
            tpu.vector_store %arg10[%swap3A_256, %swap3A_257, %swap3A_258], %mul3A_254 {strides = array<i32>} : memref<2x16x256xi32, #tpu.memory_space<vmem>>, vector<16xi32>,
            %mul3A_260 = arith.mulf %mul3A_227, %mul3A_231 : vector<16xf32>
            %swap3A_261 = arith.constant 0 : i32
            %swap3A_262 = arith.index_cast %sub3A_108 : i32 to index
            %swap3A_263 = arith.index_cast %swap3A_261 : i32 to index
            %swap3A_264 = arith.index_cast %mul3A_145 : i32 to index
            %swap3A_265 = tpu.vector_load %arg11[%swap3A_262, %swap3A_263, %swap3A_264] {strides = array<i32>} : memref<2x16x256xf32, #tpu.memory_space<vmem>>, vector<16xf32>,
            tpu.vector_store %arg11[%swap3A_262, %swap3A_263, %swap3A_264], %mul3A_260 {strides = array<i32>} : memref<2x16x256xf32, #tpu.memory_space<vmem>>, vector<16xf32>,
            %xor3A_266 = arith.xori %xor3A_221, %xor3A_223 : vector<16xi32>
            %and3A_267 = arith.constant 524287 : i32
            %and3A_268 = vector.broadcast %and3A_267 : i32 to vector<16xi32>
            %and3A_269 = arith.andi %xor3A_266, %and3A_268 : vector<16xi32>
            %add3A_270 = vector.broadcast %mul3A_110 : i32 to vector<16xi32>
            %add3A_271 = arith.addi %and3A_269, %add3A_270 : vector<16xi32>
            %shift_right_arithmetic3A_272 = arith.constant 2 : i32
            %shift_right_arithmetic3A_273 = vector.broadcast %shift_right_arithmetic3A_272 : i32 to vector<16xi32>
            %shift_right_arithmetic3A_274 = arith.shrsi %add3A_271, %shift_right_arithmetic3A_273 : vector<16xi32>
            %add3A_275 = arith.constant 2 : i32
            %add3A_276 = arith.addi %add3A_275, %shift_right_arithmetic3A_147 : i32
            %swap3A_277 = arith.index_cast %sub3A_108 : i32 to index
            %swap3A_278 = arith.index_cast %add3A_276 : i32 to index
            %swap3A_279 = arith.index_cast %mul3A_151 : i32 to index
            %swap3A_280 = tpu.vector_load %arg9[%swap3A_277, %swap3A_278, %swap3A_279] {strides = array<i32>} : memref<2x32x128xi32, #tpu.memory_space<vmem>>, vector<16xi32>,
            tpu.vector_store %arg9[%swap3A_277, %swap3A_278, %swap3A_279], %shift_right_arithmetic3A_274 {strides = array<i32>} : memref<2x32x128xi32, #tpu.memory_space<vmem>>, vector<16xi32>,
            %and3A_281 = arith.constant 3 : i32
            %and3A_282 = vector.broadcast %and3A_281 : i32 to vector<16xi32>
            %and3A_283 = arith.andi %add3A_271, %and3A_282 : vector<16xi32>
            %mul3A_284 = arith.constant 2 : i32
            %mul3A_285 = vector.broadcast %mul3A_284 : i32 to vector<16xi32>
            %mul3A_286 = arith.muli %and3A_283, %mul3A_285 : vector<16xi32>
            %swap3A_287 = arith.constant 1 : i32
            %swap3A_288 = arith.index_cast %sub3A_108 : i32 to index
            %swap3A_289 = arith.index_cast %swap3A_287 : i32 to index
            %swap3A_290 = arith.index_cast %mul3A_145 : i32 to index
            %swap3A_291 = tpu.vector_load %arg10[%swap3A_288, %swap3A_289, %swap3A_290] {strides = array<i32>} : memref<2x16x256xi32, #tpu.memory_space<vmem>>, vector<16xi32>,
            tpu.vector_store %arg10[%swap3A_288, %swap3A_289, %swap3A_290], %mul3A_286 {strides = array<i32>} : memref<2x16x256xi32, #tpu.memory_space<vmem>>, vector<16xi32>,
            %mul3A_292 = arith.mulf %mul3A_229, %mul3A_231 : vector<16xf32>
            %swap3A_293 = arith.constant 1 : i32
            %swap3A_294 = arith.index_cast %sub3A_108 : i32 to index
            %swap3A_295 = arith.index_cast %swap3A_293 : i32 to index
            %swap3A_296 = arith.index_cast %mul3A_145 : i32 to index
            %swap3A_297 = tpu.vector_load %arg11[%swap3A_294, %swap3A_295, %swap3A_296] {strides = array<i32>} : memref<2x16x256xf32, #tpu.memory_space<vmem>>, vector<16xf32>,
            tpu.vector_store %arg11[%swap3A_294, %swap3A_295, %swap3A_296], %mul3A_292 {strides = array<i32>} : memref<2x16x256xf32, #tpu.memory_space<vmem>>, vector<16xf32>,
            %xor3A_298 = arith.xori %xor3A_220, %xor3A_223 : vector<16xi32>
            %and3A_299 = arith.constant 524287 : i32
            %and3A_300 = vector.broadcast %and3A_299 : i32 to vector<16xi32>
            %and3A_301 = arith.andi %xor3A_298, %and3A_300 : vector<16xi32>
            %add3A_302 = vector.broadcast %mul3A_110 : i32 to vector<16xi32>
            %add3A_303 = arith.addi %and3A_301, %add3A_302 : vector<16xi32>
            %shift_right_arithmetic3A_304 = arith.constant 2 : i32
            %shift_right_arithmetic3A_305 = vector.broadcast %shift_right_arithmetic3A_304 : i32 to vector<16xi32>
            %shift_right_arithmetic3A_306 = arith.shrsi %add3A_303, %shift_right_arithmetic3A_305 : vector<16xi32>
            %add3A_307 = arith.constant 4 : i32
            %add3A_308 = arith.addi %add3A_307, %shift_right_arithmetic3A_147 : i32
            %swap3A_309 = arith.index_cast %sub3A_108 : i32 to index
            %swap3A_310 = arith.index_cast %add3A_308 : i32 to index
            %swap3A_311 = arith.index_cast %mul3A_151 : i32 to index
            %swap3A_312 = tpu.vector_load %arg9[%swap3A_309, %swap3A_310, %swap3A_311] {strides = array<i32>} : memref<2x32x128xi32, #tpu.memory_space<vmem>>, vector<16xi32>,
            tpu.vector_store %arg9[%swap3A_309, %swap3A_310, %swap3A_311], %shift_right_arithmetic3A_306 {strides = array<i32>} : memref<2x32x128xi32, #tpu.memory_space<vmem>>, vector<16xi32>,
            %and3A_313 = arith.constant 3 : i32
            %and3A_314 = vector.broadcast %and3A_313 : i32 to vector<16xi32>
            %and3A_315 = arith.andi %add3A_303, %and3A_314 : vector<16xi32>
            %mul3A_316 = arith.constant 2 : i32
            %mul3A_317 = vector.broadcast %mul3A_316 : i32 to vector<16xi32>
            %mul3A_318 = arith.muli %and3A_315, %mul3A_317 : vector<16xi32>
            %swap3A_319 = arith.constant 2 : i32
            %swap3A_320 = arith.index_cast %sub3A_108 : i32 to index
            %swap3A_321 = arith.index_cast %swap3A_319 : i32 to index
            %swap3A_322 = arith.index_cast %mul3A_145 : i32 to index
            %swap3A_323 = tpu.vector_load %arg10[%swap3A_320, %swap3A_321, %swap3A_322] {strides = array<i32>} : memref<2x16x256xi32, #tpu.memory_space<vmem>>, vector<16xi32>,
            tpu.vector_store %arg10[%swap3A_320, %swap3A_321, %swap3A_322], %mul3A_318 {strides = array<i32>} : memref<2x16x256xi32, #tpu.memory_space<vmem>>, vector<16xi32>,
            %mul3A_324 = arith.mulf %mul3A_228, %mul3A_231 : vector<16xf32>
            %swap3A_325 = arith.constant 2 : i32
            %swap3A_326 = arith.index_cast %sub3A_108 : i32 to index
            %swap3A_327 = arith.index_cast %swap3A_325 : i32 to index
            %swap3A_328 = arith.index_cast %mul3A_145 : i32 to index
            %swap3A_329 = tpu.vector_load %arg11[%swap3A_326, %swap3A_327, %swap3A_328] {strides = array<i32>} : memref<2x16x256xf32, #tpu.memory_space<vmem>>, vector<16xf32>,
            tpu.vector_store %arg11[%swap3A_326, %swap3A_327, %swap3A_328], %mul3A_324 {strides = array<i32>} : memref<2x16x256xf32, #tpu.memory_space<vmem>>, vector<16xf32>,
            %xor3A_330 = arith.xori %xor3A_222, %xor3A_223 : vector<16xi32>
            %and3A_331 = arith.constant 524287 : i32
            %and3A_332 = vector.broadcast %and3A_331 : i32 to vector<16xi32>
            %and3A_333 = arith.andi %xor3A_330, %and3A_332 : vector<16xi32>
            %add3A_334 = vector.broadcast %mul3A_110 : i32 to vector<16xi32>
            %add3A_335 = arith.addi %and3A_333, %add3A_334 : vector<16xi32>
            %shift_right_arithmetic3A_336 = arith.constant 2 : i32
            %shift_right_arithmetic3A_337 = vector.broadcast %shift_right_arithmetic3A_336 : i32 to vector<16xi32>
            %shift_right_arithmetic3A_338 = arith.shrsi %add3A_335, %shift_right_arithmetic3A_337 : vector<16xi32>
            %add3A_339 = arith.constant 6 : i32
            %add3A_340 = arith.addi %add3A_339, %shift_right_arithmetic3A_147 : i32
            %swap3A_341 = arith.index_cast %sub3A_108 : i32 to index
            %swap3A_342 = arith.index_cast %add3A_340 : i32 to index
            %swap3A_343 = arith.index_cast %mul3A_151 : i32 to index
            %swap3A_344 = tpu.vector_load %arg9[%swap3A_341, %swap3A_342, %swap3A_343] {strides = array<i32>} : memref<2x32x128xi32, #tpu.memory_space<vmem>>, vector<16xi32>,
            tpu.vector_store %arg9[%swap3A_341, %swap3A_342, %swap3A_343], %shift_right_arithmetic3A_338 {strides = array<i32>} : memref<2x32x128xi32, #tpu.memory_space<vmem>>, vector<16xi32>,
            %and3A_345 = arith.constant 3 : i32
            %and3A_346 = vector.broadcast %and3A_345 : i32 to vector<16xi32>
            %and3A_347 = arith.andi %add3A_335, %and3A_346 : vector<16xi32>
            %mul3A_348 = arith.constant 2 : i32
            %mul3A_349 = vector.broadcast %mul3A_348 : i32 to vector<16xi32>
            %mul3A_350 = arith.muli %and3A_347, %mul3A_349 : vector<16xi32>
            %swap3A_351 = arith.constant 3 : i32
            %swap3A_352 = arith.index_cast %sub3A_108 : i32 to index
            %swap3A_353 = arith.index_cast %swap3A_351 : i32 to index
            %swap3A_354 = arith.index_cast %mul3A_145 : i32 to index
            %swap3A_355 = tpu.vector_load %arg10[%swap3A_352, %swap3A_353, %swap3A_354] {strides = array<i32>} : memref<2x16x256xi32, #tpu.memory_space<vmem>>, vector<16xi32>,
            tpu.vector_store %arg10[%swap3A_352, %swap3A_353, %swap3A_354], %mul3A_350 {strides = array<i32>} : memref<2x16x256xi32, #tpu.memory_space<vmem>>, vector<16xi32>,
            %mul3A_356 = arith.mulf %mul3A_230, %mul3A_231 : vector<16xf32>
            %swap3A_357 = arith.constant 3 : i32
            %swap3A_358 = arith.index_cast %sub3A_108 : i32 to index
            %swap3A_359 = arith.index_cast %swap3A_357 : i32 to index
            %swap3A_360 = arith.index_cast %mul3A_145 : i32 to index
            %swap3A_361 = tpu.vector_load %arg11[%swap3A_358, %swap3A_359, %swap3A_360] {strides = array<i32>} : memref<2x16x256xf32, #tpu.memory_space<vmem>>, vector<16xf32>,
            tpu.vector_store %arg11[%swap3A_358, %swap3A_359, %swap3A_360], %mul3A_356 {strides = array<i32>} : memref<2x16x256xf32, #tpu.memory_space<vmem>>, vector<16xf32>,
            %xor3A_362 = arith.xori %xor3A, %xor3A_225 : vector<16xi32>
            %and3A_363 = arith.constant 524287 : i32
            %and3A_364 = vector.broadcast %and3A_363 : i32 to vector<16xi32>
            %and3A_365 = arith.andi %xor3A_362, %and3A_364 : vector<16xi32>
            %add3A_366 = vector.broadcast %mul3A_110 : i32 to vector<16xi32>
            %add3A_367 = arith.addi %and3A_365, %add3A_366 : vector<16xi32>
            %shift_right_arithmetic3A_368 = arith.constant 2 : i32
            %shift_right_arithmetic3A_369 = vector.broadcast %shift_right_arithmetic3A_368 : i32 to vector<16xi32>
            %shift_right_arithmetic3A_370 = arith.shrsi %add3A_367, %shift_right_arithmetic3A_369 : vector<16xi32>
            %add3A_371 = arith.constant 8 : i32
            %add3A_372 = arith.addi %add3A_371, %shift_right_arithmetic3A_147 : i32
            %swap3A_373 = arith.index_cast %sub3A_108 : i32 to index
            %swap3A_374 = arith.index_cast %add3A_372 : i32 to index
            %swap3A_375 = arith.index_cast %mul3A_151 : i32 to index
            %swap3A_376 = tpu.vector_load %arg9[%swap3A_373, %swap3A_374, %swap3A_375] {strides = array<i32>} : memref<2x32x128xi32, #tpu.memory_space<vmem>>, vector<16xi32>,
            tpu.vector_store %arg9[%swap3A_373, %swap3A_374, %swap3A_375], %shift_right_arithmetic3A_370 {strides = array<i32>} : memref<2x32x128xi32, #tpu.memory_space<vmem>>, vector<16xi32>,
            %and3A_377 = arith.constant 3 : i32
            %and3A_378 = vector.broadcast %and3A_377 : i32 to vector<16xi32>
            %and3A_379 = arith.andi %add3A_367, %and3A_378 : vector<16xi32>
            %mul3A_380 = arith.constant 2 : i32
            %mul3A_381 = vector.broadcast %mul3A_380 : i32 to vector<16xi32>
            %mul3A_382 = arith.muli %and3A_379, %mul3A_381 : vector<16xi32>
            %swap3A_383 = arith.constant 4 : i32
            %swap3A_384 = arith.index_cast %sub3A_108 : i32 to index
            %swap3A_385 = arith.index_cast %swap3A_383 : i32 to index
            %swap3A_386 = arith.index_cast %mul3A_145 : i32 to index
            %swap3A_387 = tpu.vector_load %arg10[%swap3A_384, %swap3A_385, %swap3A_386] {strides = array<i32>} : memref<2x16x256xi32, #tpu.memory_space<vmem>>, vector<16xi32>,
            tpu.vector_store %arg10[%swap3A_384, %swap3A_385, %swap3A_386], %mul3A_382 {strides = array<i32>} : memref<2x16x256xi32, #tpu.memory_space<vmem>>, vector<16xi32>,
            %mul3A_388 = arith.mulf %mul3A_227, %mul3A_233 : vector<16xf32>
            %swap3A_389 = arith.constant 4 : i32
            %swap3A_390 = arith.index_cast %sub3A_108 : i32 to index
            %swap3A_391 = arith.index_cast %swap3A_389 : i32 to index
            %swap3A_392 = arith.index_cast %mul3A_145 : i32 to index
            %swap3A_393 = tpu.vector_load %arg11[%swap3A_390, %swap3A_391, %swap3A_392] {strides = array<i32>} : memref<2x16x256xf32, #tpu.memory_space<vmem>>, vector<16xf32>,
            tpu.vector_store %arg11[%swap3A_390, %swap3A_391, %swap3A_392], %mul3A_388 {strides = array<i32>} : memref<2x16x256xf32, #tpu.memory_space<vmem>>, vector<16xf32>,
            %xor3A_394 = arith.xori %xor3A_221, %xor3A_225 : vector<16xi32>
            %and3A_395 = arith.constant 524287 : i32
            %and3A_396 = vector.broadcast %and3A_395 : i32 to vector<16xi32>
            %and3A_397 = arith.andi %xor3A_394, %and3A_396 : vector<16xi32>
            %add3A_398 = vector.broadcast %mul3A_110 : i32 to vector<16xi32>
            %add3A_399 = arith.addi %and3A_397, %add3A_398 : vector<16xi32>
            %shift_right_arithmetic3A_400 = arith.constant 2 : i32
            %shift_right_arithmetic3A_401 = vector.broadcast %shift_right_arithmetic3A_400 : i32 to vector<16xi32>
            %shift_right_arithmetic3A_402 = arith.shrsi %add3A_399, %shift_right_arithmetic3A_401 : vector<16xi32>
            %add3A_403 = arith.constant 10 : i32
            %add3A_404 = arith.addi %add3A_403, %shift_right_arithmetic3A_147 : i32
            %swap3A_405 = arith.index_cast %sub3A_108 : i32 to index
            %swap3A_406 = arith.index_cast %add3A_404 : i32 to index
            %swap3A_407 = arith.index_cast %mul3A_151 : i32 to index
            %swap3A_408 = tpu.vector_load %arg9[%swap3A_405, %swap3A_406, %swap3A_407] {strides = array<i32>} : memref<2x32x128xi32, #tpu.memory_space<vmem>>, vector<16xi32>,
            tpu.vector_store %arg9[%swap3A_405, %swap3A_406, %swap3A_407], %shift_right_arithmetic3A_402 {strides = array<i32>} : memref<2x32x128xi32, #tpu.memory_space<vmem>>, vector<16xi32>,
            %and3A_409 = arith.constant 3 : i32
            %and3A_410 = vector.broadcast %and3A_409 : i32 to vector<16xi32>
            %and3A_411 = arith.andi %add3A_399, %and3A_410 : vector<16xi32>
            %mul3A_412 = arith.constant 2 : i32
            %mul3A_413 = vector.broadcast %mul3A_412 : i32 to vector<16xi32>
            %mul3A_414 = arith.muli %and3A_411, %mul3A_413 : vector<16xi32>
            %swap3A_415 = arith.constant 5 : i32
            %swap3A_416 = arith.index_cast %sub3A_108 : i32 to index
            %swap3A_417 = arith.index_cast %swap3A_415 : i32 to index
            %swap3A_418 = arith.index_cast %mul3A_145 : i32 to index
            %swap3A_419 = tpu.vector_load %arg10[%swap3A_416, %swap3A_417, %swap3A_418] {strides = array<i32>} : memref<2x16x256xi32, #tpu.memory_space<vmem>>, vector<16xi32>,
            tpu.vector_store %arg10[%swap3A_416, %swap3A_417, %swap3A_418], %mul3A_414 {strides = array<i32>} : memref<2x16x256xi32, #tpu.memory_space<vmem>>, vector<16xi32>,
            %mul3A_420 = arith.mulf %mul3A_229, %mul3A_233 : vector<16xf32>
            %swap3A_421 = arith.constant 5 : i32
            %swap3A_422 = arith.index_cast %sub3A_108 : i32 to index
            %swap3A_423 = arith.index_cast %swap3A_421 : i32 to index
            %swap3A_424 = arith.index_cast %mul3A_145 : i32 to index
            %swap3A_425 = tpu.vector_load %arg11[%swap3A_422, %swap3A_423, %swap3A_424] {strides = array<i32>} : memref<2x16x256xf32, #tpu.memory_space<vmem>>, vector<16xf32>,
            tpu.vector_store %arg11[%swap3A_422, %swap3A_423, %swap3A_424], %mul3A_420 {strides = array<i32>} : memref<2x16x256xf32, #tpu.memory_space<vmem>>, vector<16xf32>,
            %xor3A_426 = arith.xori %xor3A_220, %xor3A_225 : vector<16xi32>
            %and3A_427 = arith.constant 524287 : i32
            %and3A_428 = vector.broadcast %and3A_427 : i32 to vector<16xi32>
            %and3A_429 = arith.andi %xor3A_426, %and3A_428 : vector<16xi32>
            %add3A_430 = vector.broadcast %mul3A_110 : i32 to vector<16xi32>
            %add3A_431 = arith.addi %and3A_429, %add3A_430 : vector<16xi32>
            %shift_right_arithmetic3A_432 = arith.constant 2 : i32
            %shift_right_arithmetic3A_433 = vector.broadcast %shift_right_arithmetic3A_432 : i32 to vector<16xi32>
            %shift_right_arithmetic3A_434 = arith.shrsi %add3A_431, %shift_right_arithmetic3A_433 : vector<16xi32>
            %add3A_435 = arith.constant 12 : i32
            %add3A_436 = arith.addi %add3A_435, %shift_right_arithmetic3A_147 : i32
            %swap3A_437 = arith.index_cast %sub3A_108 : i32 to index
            %swap3A_438 = arith.index_cast %add3A_436 : i32 to index
            %swap3A_439 = arith.index_cast %mul3A_151 : i32 to index
            %swap3A_440 = tpu.vector_load %arg9[%swap3A_437, %swap3A_438, %swap3A_439] {strides = array<i32>} : memref<2x32x128xi32, #tpu.memory_space<vmem>>, vector<16xi32>,
            tpu.vector_store %arg9[%swap3A_437, %swap3A_438, %swap3A_439], %shift_right_arithmetic3A_434 {strides = array<i32>} : memref<2x32x128xi32, #tpu.memory_space<vmem>>, vector<16xi32>,
            %and3A_441 = arith.constant 3 : i32
            %and3A_442 = vector.broadcast %and3A_441 : i32 to vector<16xi32>
            %and3A_443 = arith.andi %add3A_431, %and3A_442 : vector<16xi32>
            %mul3A_444 = arith.constant 2 : i32
            %mul3A_445 = vector.broadcast %mul3A_444 : i32 to vector<16xi32>
            %mul3A_446 = arith.muli %and3A_443, %mul3A_445 : vector<16xi32>
            %swap3A_447 = arith.constant 6 : i32
            %swap3A_448 = arith.index_cast %sub3A_108 : i32 to index
            %swap3A_449 = arith.index_cast %swap3A_447 : i32 to index
            %swap3A_450 = arith.index_cast %mul3A_145 : i32 to index
            %swap3A_451 = tpu.vector_load %arg10[%swap3A_448, %swap3A_449, %swap3A_450] {strides = array<i32>} : memref<2x16x256xi32, #tpu.memory_space<vmem>>, vector<16xi32>,
            tpu.vector_store %arg10[%swap3A_448, %swap3A_449, %swap3A_450], %mul3A_446 {strides = array<i32>} : memref<2x16x256xi32, #tpu.memory_space<vmem>>, vector<16xi32>,
            %mul3A_452 = arith.mulf %mul3A_228, %mul3A_233 : vector<16xf32>
            %swap3A_453 = arith.constant 6 : i32
            %swap3A_454 = arith.index_cast %sub3A_108 : i32 to index
            %swap3A_455 = arith.index_cast %swap3A_453 : i32 to index
            %swap3A_456 = arith.index_cast %mul3A_145 : i32 to index
            %swap3A_457 = tpu.vector_load %arg11[%swap3A_454, %swap3A_455, %swap3A_456] {strides = array<i32>} : memref<2x16x256xf32, #tpu.memory_space<vmem>>, vector<16xf32>,
            tpu.vector_store %arg11[%swap3A_454, %swap3A_455, %swap3A_456], %mul3A_452 {strides = array<i32>} : memref<2x16x256xf32, #tpu.memory_space<vmem>>, vector<16xf32>,
            %xor3A_458 = arith.xori %xor3A_222, %xor3A_225 : vector<16xi32>
            %and3A_459 = arith.constant 524287 : i32
            %and3A_460 = vector.broadcast %and3A_459 : i32 to vector<16xi32>
            %and3A_461 = arith.andi %xor3A_458, %and3A_460 : vector<16xi32>
            %add3A_462 = vector.broadcast %mul3A_110 : i32 to vector<16xi32>
            %add3A_463 = arith.addi %and3A_461, %add3A_462 : vector<16xi32>
            %shift_right_arithmetic3A_464 = arith.constant 2 : i32
            %shift_right_arithmetic3A_465 = vector.broadcast %shift_right_arithmetic3A_464 : i32 to vector<16xi32>
            %shift_right_arithmetic3A_466 = arith.shrsi %add3A_463, %shift_right_arithmetic3A_465 : vector<16xi32>
            %add3A_467 = arith.constant 14 : i32
            %add3A_468 = arith.addi %add3A_467, %shift_right_arithmetic3A_147 : i32
            %swap3A_469 = arith.index_cast %sub3A_108 : i32 to index
            %swap3A_470 = arith.index_cast %add3A_468 : i32 to index
            %swap3A_471 = arith.index_cast %mul3A_151 : i32 to index
            %swap3A_472 = tpu.vector_load %arg9[%swap3A_469, %swap3A_470, %swap3A_471] {strides = array<i32>} : memref<2x32x128xi32, #tpu.memory_space<vmem>>, vector<16xi32>,
            tpu.vector_store %arg9[%swap3A_469, %swap3A_470, %swap3A_471], %shift_right_arithmetic3A_466 {strides = array<i32>} : memref<2x32x128xi32, #tpu.memory_space<vmem>>, vector<16xi32>,
            %and3A_473 = arith.constant 3 : i32
            %and3A_474 = vector.broadcast %and3A_473 : i32 to vector<16xi32>
            %and3A_475 = arith.andi %add3A_463, %and3A_474 : vector<16xi32>
            %mul3A_476 = arith.constant 2 : i32
            %mul3A_477 = vector.broadcast %mul3A_476 : i32 to vector<16xi32>
            %mul3A_478 = arith.muli %and3A_475, %mul3A_477 : vector<16xi32>
            %swap3A_479 = arith.constant 7 : i32
            %swap3A_480 = arith.index_cast %sub3A_108 : i32 to index
            %swap3A_481 = arith.index_cast %swap3A_479 : i32 to index
            %swap3A_482 = arith.index_cast %mul3A_145 : i32 to index
            %swap3A_483 = tpu.vector_load %arg10[%swap3A_480, %swap3A_481, %swap3A_482] {strides = array<i32>} : memref<2x16x256xi32, #tpu.memory_space<vmem>>, vector<16xi32>,
            tpu.vector_store %arg10[%swap3A_480, %swap3A_481, %swap3A_482], %mul3A_478 {strides = array<i32>} : memref<2x16x256xi32, #tpu.memory_space<vmem>>, vector<16xi32>,
            %mul3A_484 = arith.mulf %mul3A_230, %mul3A_233 : vector<16xf32>
            %swap3A_485 = arith.constant 7 : i32
            %swap3A_486 = arith.index_cast %sub3A_108 : i32 to index
            %swap3A_487 = arith.index_cast %swap3A_485 : i32 to index
            %swap3A_488 = arith.index_cast %mul3A_145 : i32 to index
            %swap3A_489 = tpu.vector_load %arg11[%swap3A_486, %swap3A_487, %swap3A_488] {strides = array<i32>} : memref<2x16x256xf32, #tpu.memory_space<vmem>>, vector<16xf32>,
            tpu.vector_store %arg11[%swap3A_486, %swap3A_487, %swap3A_488], %mul3A_484 {strides = array<i32>} : memref<2x16x256xf32, #tpu.memory_space<vmem>>, vector<16xf32>,
            %xor3A_490 = arith.xori %xor3A, %xor3A_224 : vector<16xi32>
            %and3A_491 = arith.constant 524287 : i32
            %and3A_492 = vector.broadcast %and3A_491 : i32 to vector<16xi32>
            %and3A_493 = arith.andi %xor3A_490, %and3A_492 : vector<16xi32>
            %add3A_494 = vector.broadcast %mul3A_110 : i32 to vector<16xi32>
            %add3A_495 = arith.addi %and3A_493, %add3A_494 : vector<16xi32>
            %shift_right_arithmetic3A_496 = arith.constant 2 : i32
            %shift_right_arithmetic3A_497 = vector.broadcast %shift_right_arithmetic3A_496 : i32 to vector<16xi32>
            %shift_right_arithmetic3A_498 = arith.shrsi %add3A_495, %shift_right_arithmetic3A_497 : vector<16xi32>
            %add3A_499 = arith.constant 16 : i32
            %add3A_500 = arith.addi %add3A_499, %shift_right_arithmetic3A_147 : i32
            %swap3A_501 = arith.index_cast %sub3A_108 : i32 to index
            %swap3A_502 = arith.index_cast %add3A_500 : i32 to index
            %swap3A_503 = arith.index_cast %mul3A_151 : i32 to index
            %swap3A_504 = tpu.vector_load %arg9[%swap3A_501, %swap3A_502, %swap3A_503] {strides = array<i32>} : memref<2x32x128xi32, #tpu.memory_space<vmem>>, vector<16xi32>,
            tpu.vector_store %arg9[%swap3A_501, %swap3A_502, %swap3A_503], %shift_right_arithmetic3A_498 {strides = array<i32>} : memref<2x32x128xi32, #tpu.memory_space<vmem>>, vector<16xi32>,
            %and3A_505 = arith.constant 3 : i32
            %and3A_506 = vector.broadcast %and3A_505 : i32 to vector<16xi32>
            %and3A_507 = arith.andi %add3A_495, %and3A_506 : vector<16xi32>
            %mul3A_508 = arith.constant 2 : i32
            %mul3A_509 = vector.broadcast %mul3A_508 : i32 to vector<16xi32>
            %mul3A_510 = arith.muli %and3A_507, %mul3A_509 : vector<16xi32>
            %swap3A_511 = arith.constant 8 : i32
            %swap3A_512 = arith.index_cast %sub3A_108 : i32 to index
            %swap3A_513 = arith.index_cast %swap3A_511 : i32 to index
            %swap3A_514 = arith.index_cast %mul3A_145 : i32 to index
            %swap3A_515 = tpu.vector_load %arg10[%swap3A_512, %swap3A_513, %swap3A_514] {strides = array<i32>} : memref<2x16x256xi32, #tpu.memory_space<vmem>>, vector<16xi32>,
            tpu.vector_store %arg10[%swap3A_512, %swap3A_513, %swap3A_514], %mul3A_510 {strides = array<i32>} : memref<2x16x256xi32, #tpu.memory_space<vmem>>, vector<16xi32>,
            %mul3A_516 = arith.mulf %mul3A_227, %mul3A_232 : vector<16xf32>
            %swap3A_517 = arith.constant 8 : i32
            %swap3A_518 = arith.index_cast %sub3A_108 : i32 to index
            %swap3A_519 = arith.index_cast %swap3A_517 : i32 to index
            %swap3A_520 = arith.index_cast %mul3A_145 : i32 to index
            %swap3A_521 = tpu.vector_load %arg11[%swap3A_518, %swap3A_519, %swap3A_520] {strides = array<i32>} : memref<2x16x256xf32, #tpu.memory_space<vmem>>, vector<16xf32>,
            tpu.vector_store %arg11[%swap3A_518, %swap3A_519, %swap3A_520], %mul3A_516 {strides = array<i32>} : memref<2x16x256xf32, #tpu.memory_space<vmem>>, vector<16xf32>,
            %xor3A_522 = arith.xori %xor3A_221, %xor3A_224 : vector<16xi32>
            %and3A_523 = arith.constant 524287 : i32
            %and3A_524 = vector.broadcast %and3A_523 : i32 to vector<16xi32>
            %and3A_525 = arith.andi %xor3A_522, %and3A_524 : vector<16xi32>
            %add3A_526 = vector.broadcast %mul3A_110 : i32 to vector<16xi32>
            %add3A_527 = arith.addi %and3A_525, %add3A_526 : vector<16xi32>
            %shift_right_arithmetic3A_528 = arith.constant 2 : i32
            %shift_right_arithmetic3A_529 = vector.broadcast %shift_right_arithmetic3A_528 : i32 to vector<16xi32>
            %shift_right_arithmetic3A_530 = arith.shrsi %add3A_527, %shift_right_arithmetic3A_529 : vector<16xi32>
            %add3A_531 = arith.constant 18 : i32
            %add3A_532 = arith.addi %add3A_531, %shift_right_arithmetic3A_147 : i32
            %swap3A_533 = arith.index_cast %sub3A_108 : i32 to index
            %swap3A_534 = arith.index_cast %add3A_532 : i32 to index
            %swap3A_535 = arith.index_cast %mul3A_151 : i32 to index
            %swap3A_536 = tpu.vector_load %arg9[%swap3A_533, %swap3A_534, %swap3A_535] {strides = array<i32>} : memref<2x32x128xi32, #tpu.memory_space<vmem>>, vector<16xi32>,
            tpu.vector_store %arg9[%swap3A_533, %swap3A_534, %swap3A_535], %shift_right_arithmetic3A_530 {strides = array<i32>} : memref<2x32x128xi32, #tpu.memory_space<vmem>>, vector<16xi32>,
            %and3A_537 = arith.constant 3 : i32
            %and3A_538 = vector.broadcast %and3A_537 : i32 to vector<16xi32>
            %and3A_539 = arith.andi %add3A_527, %and3A_538 : vector<16xi32>
            %mul3A_540 = arith.constant 2 : i32
            %mul3A_541 = vector.broadcast %mul3A_540 : i32 to vector<16xi32>
            %mul3A_542 = arith.muli %and3A_539, %mul3A_541 : vector<16xi32>
            %swap3A_543 = arith.constant 9 : i32
            %swap3A_544 = arith.index_cast %sub3A_108 : i32 to index
            %swap3A_545 = arith.index_cast %swap3A_543 : i32 to index
            %swap3A_546 = arith.index_cast %mul3A_145 : i32 to index
            %swap3A_547 = tpu.vector_load %arg10[%swap3A_544, %swap3A_545, %swap3A_546] {strides = array<i32>} : memref<2x16x256xi32, #tpu.memory_space<vmem>>, vector<16xi32>,
            tpu.vector_store %arg10[%swap3A_544, %swap3A_545, %swap3A_546], %mul3A_542 {strides = array<i32>} : memref<2x16x256xi32, #tpu.memory_space<vmem>>, vector<16xi32>,
            %mul3A_548 = arith.mulf %mul3A_229, %mul3A_232 : vector<16xf32>
            %swap3A_549 = arith.constant 9 : i32
            %swap3A_550 = arith.index_cast %sub3A_108 : i32 to index
            %swap3A_551 = arith.index_cast %swap3A_549 : i32 to index
            %swap3A_552 = arith.index_cast %mul3A_145 : i32 to index
            %swap3A_553 = tpu.vector_load %arg11[%swap3A_550, %swap3A_551, %swap3A_552] {strides = array<i32>} : memref<2x16x256xf32, #tpu.memory_space<vmem>>, vector<16xf32>,
            tpu.vector_store %arg11[%swap3A_550, %swap3A_551, %swap3A_552], %mul3A_548 {strides = array<i32>} : memref<2x16x256xf32, #tpu.memory_space<vmem>>, vector<16xf32>,
            %xor3A_554 = arith.xori %xor3A_220, %xor3A_224 : vector<16xi32>
            %and3A_555 = arith.constant 524287 : i32
            %and3A_556 = vector.broadcast %and3A_555 : i32 to vector<16xi32>
            %and3A_557 = arith.andi %xor3A_554, %and3A_556 : vector<16xi32>
            %add3A_558 = vector.broadcast %mul3A_110 : i32 to vector<16xi32>
            %add3A_559 = arith.addi %and3A_557, %add3A_558 : vector<16xi32>
            %shift_right_arithmetic3A_560 = arith.constant 2 : i32
            %shift_right_arithmetic3A_561 = vector.broadcast %shift_right_arithmetic3A_560 : i32 to vector<16xi32>
            %shift_right_arithmetic3A_562 = arith.shrsi %add3A_559, %shift_right_arithmetic3A_561 : vector<16xi32>
            %add3A_563 = arith.constant 20 : i32
            %add3A_564 = arith.addi %add3A_563, %shift_right_arithmetic3A_147 : i32
            %swap3A_565 = arith.index_cast %sub3A_108 : i32 to index
            %swap3A_566 = arith.index_cast %add3A_564 : i32 to index
            %swap3A_567 = arith.index_cast %mul3A_151 : i32 to index
            %swap3A_568 = tpu.vector_load %arg9[%swap3A_565, %swap3A_566, %swap3A_567] {strides = array<i32>} : memref<2x32x128xi32, #tpu.memory_space<vmem>>, vector<16xi32>,
            tpu.vector_store %arg9[%swap3A_565, %swap3A_566, %swap3A_567], %shift_right_arithmetic3A_562 {strides = array<i32>} : memref<2x32x128xi32, #tpu.memory_space<vmem>>, vector<16xi32>,
            %and3A_569 = arith.constant 3 : i32
            %and3A_570 = vector.broadcast %and3A_569 : i32 to vector<16xi32>
            %and3A_571 = arith.andi %add3A_559, %and3A_570 : vector<16xi32>
            %mul3A_572 = arith.constant 2 : i32
            %mul3A_573 = vector.broadcast %mul3A_572 : i32 to vector<16xi32>
            %mul3A_574 = arith.muli %and3A_571, %mul3A_573 : vector<16xi32>
            %swap3A_575 = arith.constant 10 : i32
            %swap3A_576 = arith.index_cast %sub3A_108 : i32 to index
            %swap3A_577 = arith.index_cast %swap3A_575 : i32 to index
            %swap3A_578 = arith.index_cast %mul3A_145 : i32 to index
            %swap3A_579 = tpu.vector_load %arg10[%swap3A_576, %swap3A_577, %swap3A_578] {strides = array<i32>} : memref<2x16x256xi32, #tpu.memory_space<vmem>>, vector<16xi32>,
            tpu.vector_store %arg10[%swap3A_576, %swap3A_577, %swap3A_578], %mul3A_574 {strides = array<i32>} : memref<2x16x256xi32, #tpu.memory_space<vmem>>, vector<16xi32>,
            %mul3A_580 = arith.mulf %mul3A_228, %mul3A_232 : vector<16xf32>
            %swap3A_581 = arith.constant 10 : i32
            %swap3A_582 = arith.index_cast %sub3A_108 : i32 to index
            %swap3A_583 = arith.index_cast %swap3A_581 : i32 to index
            %swap3A_584 = arith.index_cast %mul3A_145 : i32 to index
            %swap3A_585 = tpu.vector_load %arg11[%swap3A_582, %swap3A_583, %swap3A_584] {strides = array<i32>} : memref<2x16x256xf32, #tpu.memory_space<vmem>>, vector<16xf32>,
            tpu.vector_store %arg11[%swap3A_582, %swap3A_583, %swap3A_584], %mul3A_580 {strides = array<i32>} : memref<2x16x256xf32, #tpu.memory_space<vmem>>, vector<16xf32>,
            %xor3A_586 = arith.xori %xor3A_222, %xor3A_224 : vector<16xi32>
            %and3A_587 = arith.constant 524287 : i32
            %and3A_588 = vector.broadcast %and3A_587 : i32 to vector<16xi32>
            %and3A_589 = arith.andi %xor3A_586, %and3A_588 : vector<16xi32>
            %add3A_590 = vector.broadcast %mul3A_110 : i32 to vector<16xi32>
            %add3A_591 = arith.addi %and3A_589, %add3A_590 : vector<16xi32>
            %shift_right_arithmetic3A_592 = arith.constant 2 : i32
            %shift_right_arithmetic3A_593 = vector.broadcast %shift_right_arithmetic3A_592 : i32 to vector<16xi32>
            %shift_right_arithmetic3A_594 = arith.shrsi %add3A_591, %shift_right_arithmetic3A_593 : vector<16xi32>
            %add3A_595 = arith.constant 22 : i32
            %add3A_596 = arith.addi %add3A_595, %shift_right_arithmetic3A_147 : i32
            %swap3A_597 = arith.index_cast %sub3A_108 : i32 to index
            %swap3A_598 = arith.index_cast %add3A_596 : i32 to index
            %swap3A_599 = arith.index_cast %mul3A_151 : i32 to index
            %swap3A_600 = tpu.vector_load %arg9[%swap3A_597, %swap3A_598, %swap3A_599] {strides = array<i32>} : memref<2x32x128xi32, #tpu.memory_space<vmem>>, vector<16xi32>,
            tpu.vector_store %arg9[%swap3A_597, %swap3A_598, %swap3A_599], %shift_right_arithmetic3A_594 {strides = array<i32>} : memref<2x32x128xi32, #tpu.memory_space<vmem>>, vector<16xi32>,
            %and3A_601 = arith.constant 3 : i32
            %and3A_602 = vector.broadcast %and3A_601 : i32 to vector<16xi32>
            %and3A_603 = arith.andi %add3A_591, %and3A_602 : vector<16xi32>
            %mul3A_604 = arith.constant 2 : i32
            %mul3A_605 = vector.broadcast %mul3A_604 : i32 to vector<16xi32>
            %mul3A_606 = arith.muli %and3A_603, %mul3A_605 : vector<16xi32>
            %swap3A_607 = arith.constant 11 : i32
            %swap3A_608 = arith.index_cast %sub3A_108 : i32 to index
            %swap3A_609 = arith.index_cast %swap3A_607 : i32 to index
            %swap3A_610 = arith.index_cast %mul3A_145 : i32 to index
            %swap3A_611 = tpu.vector_load %arg10[%swap3A_608, %swap3A_609, %swap3A_610] {strides = array<i32>} : memref<2x16x256xi32, #tpu.memory_space<vmem>>, vector<16xi32>,
            tpu.vector_store %arg10[%swap3A_608, %swap3A_609, %swap3A_610], %mul3A_606 {strides = array<i32>} : memref<2x16x256xi32, #tpu.memory_space<vmem>>, vector<16xi32>,
            %mul3A_612 = arith.mulf %mul3A_230, %mul3A_232 : vector<16xf32>
            %swap3A_613 = arith.constant 11 : i32
            %swap3A_614 = arith.index_cast %sub3A_108 : i32 to index
            %swap3A_615 = arith.index_cast %swap3A_613 : i32 to index
            %swap3A_616 = arith.index_cast %mul3A_145 : i32 to index
            %swap3A_617 = tpu.vector_load %arg11[%swap3A_614, %swap3A_615, %swap3A_616] {strides = array<i32>} : memref<2x16x256xf32, #tpu.memory_space<vmem>>, vector<16xf32>,
            tpu.vector_store %arg11[%swap3A_614, %swap3A_615, %swap3A_616], %mul3A_612 {strides = array<i32>} : memref<2x16x256xf32, #tpu.memory_space<vmem>>, vector<16xf32>,
            %xor3A_618 = arith.xori %xor3A, %xor3A_226 : vector<16xi32>
            %and3A_619 = arith.constant 524287 : i32
            %and3A_620 = vector.broadcast %and3A_619 : i32 to vector<16xi32>
            %and3A_621 = arith.andi %xor3A_618, %and3A_620 : vector<16xi32>
            %add3A_622 = vector.broadcast %mul3A_110 : i32 to vector<16xi32>
            %add3A_623 = arith.addi %and3A_621, %add3A_622 : vector<16xi32>
            %shift_right_arithmetic3A_624 = arith.constant 2 : i32
            %shift_right_arithmetic3A_625 = vector.broadcast %shift_right_arithmetic3A_624 : i32 to vector<16xi32>
            %shift_right_arithmetic3A_626 = arith.shrsi %add3A_623, %shift_right_arithmetic3A_625 : vector<16xi32>
            %add3A_627 = arith.constant 24 : i32
            %add3A_628 = arith.addi %add3A_627, %shift_right_arithmetic3A_147 : i32
            %swap3A_629 = arith.index_cast %sub3A_108 : i32 to index
            %swap3A_630 = arith.index_cast %add3A_628 : i32 to index
            %swap3A_631 = arith.index_cast %mul3A_151 : i32 to index
            %swap3A_632 = tpu.vector_load %arg9[%swap3A_629, %swap3A_630, %swap3A_631] {strides = array<i32>} : memref<2x32x128xi32, #tpu.memory_space<vmem>>, vector<16xi32>,
            tpu.vector_store %arg9[%swap3A_629, %swap3A_630, %swap3A_631], %shift_right_arithmetic3A_626 {strides = array<i32>} : memref<2x32x128xi32, #tpu.memory_space<vmem>>, vector<16xi32>,
            %and3A_633 = arith.constant 3 : i32
            %and3A_634 = vector.broadcast %and3A_633 : i32 to vector<16xi32>
            %and3A_635 = arith.andi %add3A_623, %and3A_634 : vector<16xi32>
            %mul3A_636 = arith.constant 2 : i32
            %mul3A_637 = vector.broadcast %mul3A_636 : i32 to vector<16xi32>
            %mul3A_638 = arith.muli %and3A_635, %mul3A_637 : vector<16xi32>
            %swap3A_639 = arith.constant 12 : i32
            %swap3A_640 = arith.index_cast %sub3A_108 : i32 to index
            %swap3A_641 = arith.index_cast %swap3A_639 : i32 to index
            %swap3A_642 = arith.index_cast %mul3A_145 : i32 to index
            %swap3A_643 = tpu.vector_load %arg10[%swap3A_640, %swap3A_641, %swap3A_642] {strides = array<i32>} : memref<2x16x256xi32, #tpu.memory_space<vmem>>, vector<16xi32>,
            tpu.vector_store %arg10[%swap3A_640, %swap3A_641, %swap3A_642], %mul3A_638 {strides = array<i32>} : memref<2x16x256xi32, #tpu.memory_space<vmem>>, vector<16xi32>,
            %mul3A_644 = arith.mulf %mul3A_227, %mul3A_234 : vector<16xf32>
            %swap3A_645 = arith.constant 12 : i32
            %swap3A_646 = arith.index_cast %sub3A_108 : i32 to index
            %swap3A_647 = arith.index_cast %swap3A_645 : i32 to index
            %swap3A_648 = arith.index_cast %mul3A_145 : i32 to index
            %swap3A_649 = tpu.vector_load %arg11[%swap3A_646, %swap3A_647, %swap3A_648] {strides = array<i32>} : memref<2x16x256xf32, #tpu.memory_space<vmem>>, vector<16xf32>,
            tpu.vector_store %arg11[%swap3A_646, %swap3A_647, %swap3A_648], %mul3A_644 {strides = array<i32>} : memref<2x16x256xf32, #tpu.memory_space<vmem>>, vector<16xf32>,
            %xor3A_650 = arith.xori %xor3A_221, %xor3A_226 : vector<16xi32>
            %and3A_651 = arith.constant 524287 : i32
            %and3A_652 = vector.broadcast %and3A_651 : i32 to vector<16xi32>
            %and3A_653 = arith.andi %xor3A_650, %and3A_652 : vector<16xi32>
            %add3A_654 = vector.broadcast %mul3A_110 : i32 to vector<16xi32>
            %add3A_655 = arith.addi %and3A_653, %add3A_654 : vector<16xi32>
            %shift_right_arithmetic3A_656 = arith.constant 2 : i32
            %shift_right_arithmetic3A_657 = vector.broadcast %shift_right_arithmetic3A_656 : i32 to vector<16xi32>
            %shift_right_arithmetic3A_658 = arith.shrsi %add3A_655, %shift_right_arithmetic3A_657 : vector<16xi32>
            %add3A_659 = arith.constant 26 : i32
            %add3A_660 = arith.addi %add3A_659, %shift_right_arithmetic3A_147 : i32
            %swap3A_661 = arith.index_cast %sub3A_108 : i32 to index
            %swap3A_662 = arith.index_cast %add3A_660 : i32 to index
            %swap3A_663 = arith.index_cast %mul3A_151 : i32 to index
            %swap3A_664 = tpu.vector_load %arg9[%swap3A_661, %swap3A_662, %swap3A_663] {strides = array<i32>} : memref<2x32x128xi32, #tpu.memory_space<vmem>>, vector<16xi32>,
            tpu.vector_store %arg9[%swap3A_661, %swap3A_662, %swap3A_663], %shift_right_arithmetic3A_658 {strides = array<i32>} : memref<2x32x128xi32, #tpu.memory_space<vmem>>, vector<16xi32>,
            %and3A_665 = arith.constant 3 : i32
            %and3A_666 = vector.broadcast %and3A_665 : i32 to vector<16xi32>
            %and3A_667 = arith.andi %add3A_655, %and3A_666 : vector<16xi32>
            %mul3A_668 = arith.constant 2 : i32
            %mul3A_669 = vector.broadcast %mul3A_668 : i32 to vector<16xi32>
            %mul3A_670 = arith.muli %and3A_667, %mul3A_669 : vector<16xi32>
            %swap3A_671 = arith.constant 13 : i32
            %swap3A_672 = arith.index_cast %sub3A_108 : i32 to index
            %swap3A_673 = arith.index_cast %swap3A_671 : i32 to index
            %swap3A_674 = arith.index_cast %mul3A_145 : i32 to index
            %swap3A_675 = tpu.vector_load %arg10[%swap3A_672, %swap3A_673, %swap3A_674] {strides = array<i32>} : memref<2x16x256xi32, #tpu.memory_space<vmem>>, vector<16xi32>,
            tpu.vector_store %arg10[%swap3A_672, %swap3A_673, %swap3A_674], %mul3A_670 {strides = array<i32>} : memref<2x16x256xi32, #tpu.memory_space<vmem>>, vector<16xi32>,
            %mul3A_676 = arith.mulf %mul3A_229, %mul3A_234 : vector<16xf32>
            %swap3A_677 = arith.constant 13 : i32
            %swap3A_678 = arith.index_cast %sub3A_108 : i32 to index
            %swap3A_679 = arith.index_cast %swap3A_677 : i32 to index
            %swap3A_680 = arith.index_cast %mul3A_145 : i32 to index
            %swap3A_681 = tpu.vector_load %arg11[%swap3A_678, %swap3A_679, %swap3A_680] {strides = array<i32>} : memref<2x16x256xf32, #tpu.memory_space<vmem>>, vector<16xf32>,
            tpu.vector_store %arg11[%swap3A_678, %swap3A_679, %swap3A_680], %mul3A_676 {strides = array<i32>} : memref<2x16x256xf32, #tpu.memory_space<vmem>>, vector<16xf32>,
            %xor3A_682 = arith.xori %xor3A_220, %xor3A_226 : vector<16xi32>
            %and3A_683 = arith.constant 524287 : i32
            %and3A_684 = vector.broadcast %and3A_683 : i32 to vector<16xi32>
            %and3A_685 = arith.andi %xor3A_682, %and3A_684 : vector<16xi32>
            %add3A_686 = vector.broadcast %mul3A_110 : i32 to vector<16xi32>
            %add3A_687 = arith.addi %and3A_685, %add3A_686 : vector<16xi32>
            %shift_right_arithmetic3A_688 = arith.constant 2 : i32
            %shift_right_arithmetic3A_689 = vector.broadcast %shift_right_arithmetic3A_688 : i32 to vector<16xi32>
            %shift_right_arithmetic3A_690 = arith.shrsi %add3A_687, %shift_right_arithmetic3A_689 : vector<16xi32>
            %add3A_691 = arith.constant 28 : i32
            %add3A_692 = arith.addi %add3A_691, %shift_right_arithmetic3A_147 : i32
            %swap3A_693 = arith.index_cast %sub3A_108 : i32 to index
            %swap3A_694 = arith.index_cast %add3A_692 : i32 to index
            %swap3A_695 = arith.index_cast %mul3A_151 : i32 to index
            %swap3A_696 = tpu.vector_load %arg9[%swap3A_693, %swap3A_694, %swap3A_695] {strides = array<i32>} : memref<2x32x128xi32, #tpu.memory_space<vmem>>, vector<16xi32>,
            tpu.vector_store %arg9[%swap3A_693, %swap3A_694, %swap3A_695], %shift_right_arithmetic3A_690 {strides = array<i32>} : memref<2x32x128xi32, #tpu.memory_space<vmem>>, vector<16xi32>,
            %and3A_697 = arith.constant 3 : i32
            %and3A_698 = vector.broadcast %and3A_697 : i32 to vector<16xi32>
            %and3A_699 = arith.andi %add3A_687, %and3A_698 : vector<16xi32>
            %mul3A_700 = arith.constant 2 : i32
            %mul3A_701 = vector.broadcast %mul3A_700 : i32 to vector<16xi32>
            %mul3A_702 = arith.muli %and3A_699, %mul3A_701 : vector<16xi32>
            %swap3A_703 = arith.constant 14 : i32
            %swap3A_704 = arith.index_cast %sub3A_108 : i32 to index
            %swap3A_705 = arith.index_cast %swap3A_703 : i32 to index
            %swap3A_706 = arith.index_cast %mul3A_145 : i32 to index
            %swap3A_707 = tpu.vector_load %arg10[%swap3A_704, %swap3A_705, %swap3A_706] {strides = array<i32>} : memref<2x16x256xi32, #tpu.memory_space<vmem>>, vector<16xi32>,
            tpu.vector_store %arg10[%swap3A_704, %swap3A_705, %swap3A_706], %mul3A_702 {strides = array<i32>} : memref<2x16x256xi32, #tpu.memory_space<vmem>>, vector<16xi32>,
            %mul3A_708 = arith.mulf %mul3A_228, %mul3A_234 : vector<16xf32>
            %swap3A_709 = arith.constant 14 : i32
            %swap3A_710 = arith.index_cast %sub3A_108 : i32 to index
            %swap3A_711 = arith.index_cast %swap3A_709 : i32 to index
            %swap3A_712 = arith.index_cast %mul3A_145 : i32 to index
            %swap3A_713 = tpu.vector_load %arg11[%swap3A_710, %swap3A_711, %swap3A_712] {strides = array<i32>} : memref<2x16x256xf32, #tpu.memory_space<vmem>>, vector<16xf32>,
            tpu.vector_store %arg11[%swap3A_710, %swap3A_711, %swap3A_712], %mul3A_708 {strides = array<i32>} : memref<2x16x256xf32, #tpu.memory_space<vmem>>, vector<16xf32>,
            %xor3A_714 = arith.xori %xor3A_222, %xor3A_226 : vector<16xi32>
            %and3A_715 = arith.constant 524287 : i32
            %and3A_716 = vector.broadcast %and3A_715 : i32 to vector<16xi32>
            %and3A_717 = arith.andi %xor3A_714, %and3A_716 : vector<16xi32>
            %add3A_718 = vector.broadcast %mul3A_110 : i32 to vector<16xi32>
            %add3A_719 = arith.addi %and3A_717, %add3A_718 : vector<16xi32>
            %shift_right_arithmetic3A_720 = arith.constant 2 : i32
            %shift_right_arithmetic3A_721 = vector.broadcast %shift_right_arithmetic3A_720 : i32 to vector<16xi32>
            %shift_right_arithmetic3A_722 = arith.shrsi %add3A_719, %shift_right_arithmetic3A_721 : vector<16xi32>
            %add3A_723 = arith.constant 30 : i32
            %add3A_724 = arith.addi %add3A_723, %shift_right_arithmetic3A_147 : i32
            %swap3A_725 = arith.index_cast %sub3A_108 : i32 to index
            %swap3A_726 = arith.index_cast %add3A_724 : i32 to index
            %swap3A_727 = arith.index_cast %mul3A_151 : i32 to index
            %swap3A_728 = tpu.vector_load %arg9[%swap3A_725, %swap3A_726, %swap3A_727] {strides = array<i32>} : memref<2x32x128xi32, #tpu.memory_space<vmem>>, vector<16xi32>,
            tpu.vector_store %arg9[%swap3A_725, %swap3A_726, %swap3A_727], %shift_right_arithmetic3A_722 {strides = array<i32>} : memref<2x32x128xi32, #tpu.memory_space<vmem>>, vector<16xi32>,
            %and3A_729 = arith.constant 3 : i32
            %and3A_730 = vector.broadcast %and3A_729 : i32 to vector<16xi32>
            %and3A_731 = arith.andi %add3A_719, %and3A_730 : vector<16xi32>
            %mul3A_732 = arith.constant 2 : i32
            %mul3A_733 = vector.broadcast %mul3A_732 : i32 to vector<16xi32>
            %mul3A_734 = arith.muli %and3A_731, %mul3A_733 : vector<16xi32>
            %swap3A_735 = arith.constant 15 : i32
            %swap3A_736 = arith.index_cast %sub3A_108 : i32 to index
            %swap3A_737 = arith.index_cast %swap3A_735 : i32 to index
            %swap3A_738 = arith.index_cast %mul3A_145 : i32 to index
            %swap3A_739 = tpu.vector_load %arg10[%swap3A_736, %swap3A_737, %swap3A_738] {strides = array<i32>} : memref<2x16x256xi32, #tpu.memory_space<vmem>>, vector<16xi32>,
            tpu.vector_store %arg10[%swap3A_736, %swap3A_737, %swap3A_738], %mul3A_734 {strides = array<i32>} : memref<2x16x256xi32, #tpu.memory_space<vmem>>, vector<16xi32>,
            %mul3A_740 = arith.mulf %mul3A_230, %mul3A_234 : vector<16xf32>
            %swap3A_741 = arith.constant 15 : i32
            %swap3A_742 = arith.index_cast %sub3A_108 : i32 to index
            %swap3A_743 = arith.index_cast %swap3A_741 : i32 to index
            %swap3A_744 = arith.index_cast %mul3A_145 : i32 to index
            %swap3A_745 = tpu.vector_load %arg11[%swap3A_742, %swap3A_743, %swap3A_744] {strides = array<i32>} : memref<2x16x256xf32, #tpu.memory_space<vmem>>, vector<16xf32>,
            tpu.vector_store %arg11[%swap3A_742, %swap3A_743, %swap3A_744], %mul3A_740 {strides = array<i32>} : memref<2x16x256xf32, #tpu.memory_space<vmem>>, vector<16xf32>,
          }
          %scan3A_136 = arith.constant 16 : i32
          %scan3A_137 = arith.constant 0 : i32
          %scan3A_138 = arith.constant 0 : i32
          %scan3A_139 = arith.constant 32 : i32
          %scan3A_140 = arith.addi %scan3A_138, %scan3A_139 : i32
          %scan3A_141 = arith.constant 1 : i32
          scf.for %scan3A_143 = %scan3A_138 to %scan3A_140 step %scan3A_141  : i32 {
            %dma_start3A = arith.constant 0 : i32
            %dma_start3A_144 = arith.constant 0 : i32
            %dma_start3A_145 = tpu.memref_slice %arg12[%sub3A_108, %scan3A_143, %dma_start3A, %dma_start3A_144] : memref<2x32x128x8xf32, #tpu.memory_space<vmem>> -> memref<1x1x128x8xf32, #tpu.memory_space<vmem>>
            %dma_start3A_146 = tpu.memref_squeeze %dma_start3A_145 : memref<1x1x128x8xf32, #tpu.memory_space<vmem>> -> memref<128x8xf32, #tpu.memory_space<vmem>>
            %dma_start3A_147 = arith.constant 0 : i32
            %dma_start3A_148 = tpu.memref_slice %arg9[%sub3A_108, %scan3A_143, %dma_start3A_147] : memref<2x32x128xi32, #tpu.memory_space<vmem>> -> memref<1x1x128xi32, #tpu.memory_space<vmem>>
            %dma_start3A_149 = tpu.memref_squeeze %dma_start3A_148 : memref<1x1x128xi32, #tpu.memory_space<vmem>> -> memref<128xi32, #tpu.memory_space<vmem>>
            %dma_start3A_150 = arith.constant 0 : i32
            %dma_start3A_151 = arith.constant 0 : i32
            %dma_start3A_152 = tpu.memref_slice %arg3[%dma_start3A_150, %dma_start3A_151] : memref<2097152x8xf32, #tpu.memory_space<hbm>> -> memref<2097152x8xf32, #tpu.memory_space<hbm>>
            %dma_start3A_153 = tpu.memref_slice %arg14[%sub3A_108] : memref<2x!tpu.dma_semaphore, #tpu.memory_space<semaphore_mem>> -> memref<1x!tpu.dma_semaphore, #tpu.memory_space<semaphore_mem>>
            %dma_start3A_154 = tpu.memref_squeeze %dma_start3A_153 : memref<1x!tpu.dma_semaphore, #tpu.memory_space<semaphore_mem>> -> memref<!tpu.dma_semaphore, #tpu.memory_space<semaphore_mem>>
            tpu.enqueue_indirect_dma source(%dma_start3A_152 : memref<2097152x8xf32, #tpu.memory_space<hbm>>) target(%dma_start3A_146 : memref<128x8xf32, #tpu.memory_space<vmem>>) offsets(%dma_start3A_149 : memref<128xi32, #tpu.memory_space<vmem>>) semaphore(%dma_start3A_154 : memref<!tpu.dma_semaphore, #tpu.memory_space<semaphore_mem>>)
          }
          %scan3A_142 = arith.constant 32 : i32
        } else {
        }
        %scan3A_91 = arith.constant 0 : i32
        %scan3A_92 = arith.constant 0 : i32
        %scan3A_93 = arith.constant 32 : i32
        %scan3A_94 = arith.addi %scan3A_92, %scan3A_93 : i32
        %scan3A_95 = arith.constant 1 : i32
        scf.for %scan3A_105 = %scan3A_92 to %scan3A_94 step %scan3A_95  : i32 {
          %dma_wait3A = arith.constant 0 : i32
          %dma_wait3A_106 = arith.constant 0 : i32
          %dma_wait3A_107 = arith.constant 0 : i32
          %dma_wait3A_108 = arith.constant 0 : i32
          %dma_wait3A_109 = arith.constant 0 : i32
          %dma_wait3A_110 = arith.constant 0 : i32
          %dma_wait3A_111 = tpu.memref_slice %arg12[%dma_wait3A_107, %dma_wait3A_108, %dma_wait3A_109, %dma_wait3A_110] : memref<2x32x128x8xf32, #tpu.memory_space<vmem>> -> memref<1x1x128x8xf32, #tpu.memory_space<vmem>>
          %dma_wait3A_112 = tpu.memref_squeeze %dma_wait3A_111 : memref<1x1x128x8xf32, #tpu.memory_space<vmem>> -> memref<128x8xf32, #tpu.memory_space<vmem>>
          %dma_wait3A_113 = arith.constant 0 : i32
          %dma_wait3A_114 = tpu.memref_slice %arg9[%dma_wait3A, %dma_wait3A_106, %dma_wait3A_113] : memref<2x32x128xi32, #tpu.memory_space<vmem>> -> memref<1x1x128xi32, #tpu.memory_space<vmem>>
          %dma_wait3A_115 = tpu.memref_squeeze %dma_wait3A_114 : memref<1x1x128xi32, #tpu.memory_space<vmem>> -> memref<128xi32, #tpu.memory_space<vmem>>
          %dma_wait3A_116 = arith.constant 0 : i32
          %dma_wait3A_117 = arith.constant 0 : i32
          %dma_wait3A_118 = tpu.memref_slice %arg3[%dma_wait3A_116, %dma_wait3A_117] : memref<2097152x8xf32, #tpu.memory_space<hbm>> -> memref<2097152x8xf32, #tpu.memory_space<hbm>>
          %dma_wait3A_119 = tpu.memref_slice %arg14[%and3A_86] : memref<2x!tpu.dma_semaphore, #tpu.memory_space<semaphore_mem>> -> memref<1x!tpu.dma_semaphore, #tpu.memory_space<semaphore_mem>>
          %dma_wait3A_120 = tpu.memref_squeeze %dma_wait3A_119 : memref<1x!tpu.dma_semaphore, #tpu.memory_space<semaphore_mem>> -> memref<!tpu.dma_semaphore, #tpu.memory_space<semaphore_mem>>
          tpu.wait_indirect_dma semaphore(%dma_wait3A_120 : memref<!tpu.dma_semaphore, #tpu.memory_space<semaphore_mem>>) src(%dma_wait3A_118 : memref<2097152x8xf32, #tpu.memory_space<hbm>>) dst(%dma_wait3A_112 : memref<128x8xf32, #tpu.memory_space<vmem>>)
        }
        %scan3A_96 = arith.constant 32 : i32
        %add3A_97 = vector.broadcast %and3A_86 : i32 to vector<16xi32>
        %add3A_98 = arith.addi %broadcast_in_dim3A_1, %add3A_97 : vector<16xi32>
        %scan3A_99 = arith.constant 0 : i32
        %scan3A_100 = arith.constant 0 : i32
        %scan3A_101 = arith.constant 16 : i32
        %scan3A_102 = arith.addi %scan3A_100, %scan3A_101 : i32
        %scan3A_103 = arith.constant 1 : i32
        scf.for %scan3A_105 = %scan3A_100 to %scan3A_102 step %scan3A_103  : i32 {
          %mul3A_106 = arith.constant 16 : i32
          %mul3A_107 = arith.muli %scan3A_105, %mul3A_106 : i32
          %shift_right_arithmetic3A_108 = arith.constant 3 : i32
          %shift_right_arithmetic3A_109 = arith.shrsi %scan3A_105, %shift_right_arithmetic3A_108 : i32
          %and3A_110 = arith.constant 7 : i32
          %and3A_111 = arith.andi %scan3A_105, %and3A_110 : i32
          %mul3A_112 = arith.constant 16 : i32
          %mul3A_113 = arith.muli %and3A_111, %mul3A_112 : i32
          %add3A_114 = vector.broadcast %mul3A_113 : i32 to vector<16xi32>
          %add3A_115 = arith.addi %iota3A, %add3A_114 : vector<16xi32>
          %add3A_116 = vector.broadcast %shift_right_arithmetic3A_109 : i32 to vector<16xi32>
          %add3A_117 = arith.addi %broadcast_in_dim3A_1, %add3A_116 : vector<16xi32>
          %broadcast_in_dim3A_118 = arith.constant 0.000000e+00 : f32
          %broadcast_in_dim3A_119 = vector.broadcast %broadcast_in_dim3A_118 : f32 to vector<16xf32>
          %broadcast_in_dim3A_120 = arith.constant 0.000000e+00 : f32
          %broadcast_in_dim3A_121 = vector.broadcast %broadcast_in_dim3A_120 : f32 to vector<16xf32>
          %add3A_122 = arith.constant 0 : i32
          %add3A_123 = vector.broadcast %add3A_122 : i32 to vector<16xi32>
          %add3A_124 = arith.addi %add3A_117, %add3A_123 : vector<16xi32>
          %get3A_125 = arith.constant 0 : i32
          %get3A_126 = arith.index_cast %and3A_86 : i32 to index
          %get3A_127 = arith.index_cast %get3A_125 : i32 to index
          %get3A_128 = arith.index_cast %mul3A_107 : i32 to index
          %get3A_129 = tpu.vector_load %arg10[%get3A_126, %get3A_127, %get3A_128] {strides = array<i32>} : memref<2x16x256xi32, #tpu.memory_space<vmem>>, vector<16xi32>,
          %get3A_130 = arith.constant 0 : i32
          %get3A_131 = arith.index_cast %and3A_86 : i32 to index
          %get3A_132 = arith.index_cast %get3A_130 : i32 to index
          %get3A_133 = arith.index_cast %mul3A_107 : i32 to index
          %get3A_134 = tpu.vector_load %arg11[%get3A_131, %get3A_132, %get3A_133] {strides = array<i32>} : memref<2x16x256xf32, #tpu.memory_space<vmem>>, vector<16xf32>,
          %gather3A = tpu.vector_load_idx %arg12[%add3A_98, %add3A_124, %add3A_115, %get3A_129] : memref<2x32x128x8xf32, #tpu.memory_space<vmem>>[vector<16xi32>, vector<16xi32>, vector<16xi32>, vector<16xi32>], vector<16xf32>,
          %add3A_135 = arith.constant 1 : i32
          %add3A_136 = vector.broadcast %add3A_135 : i32 to vector<16xi32>
          %add3A_137 = arith.addi %get3A_129, %add3A_136 : vector<16xi32>
          %gather3A_138 = tpu.vector_load_idx %arg12[%add3A_98, %add3A_124, %add3A_115, %add3A_137] : memref<2x32x128x8xf32, #tpu.memory_space<vmem>>[vector<16xi32>, vector<16xi32>, vector<16xi32>, vector<16xi32>], vector<16xf32>,
          %mul3A_139 = arith.mulf %get3A_134, %gather3A : vector<16xf32>
          %add3A_140 = arith.addf %broadcast_in_dim3A_119, %mul3A_139 : vector<16xf32>
          %mul3A_141 = arith.mulf %get3A_134, %gather3A_138 : vector<16xf32>
          %add3A_142 = arith.addf %broadcast_in_dim3A_121, %mul3A_141 : vector<16xf32>
          %add3A_143 = arith.constant 2 : i32
          %add3A_144 = vector.broadcast %add3A_143 : i32 to vector<16xi32>
          %add3A_145 = arith.addi %add3A_117, %add3A_144 : vector<16xi32>
          %get3A_146 = arith.constant 1 : i32
          %get3A_147 = arith.index_cast %and3A_86 : i32 to index
          %get3A_148 = arith.index_cast %get3A_146 : i32 to index
          %get3A_149 = arith.index_cast %mul3A_107 : i32 to index
          %get3A_150 = tpu.vector_load %arg10[%get3A_147, %get3A_148, %get3A_149] {strides = array<i32>} : memref<2x16x256xi32, #tpu.memory_space<vmem>>, vector<16xi32>,
          %get3A_151 = arith.constant 1 : i32
          %get3A_152 = arith.index_cast %and3A_86 : i32 to index
          %get3A_153 = arith.index_cast %get3A_151 : i32 to index
          %get3A_154 = arith.index_cast %mul3A_107 : i32 to index
          %get3A_155 = tpu.vector_load %arg11[%get3A_152, %get3A_153, %get3A_154] {strides = array<i32>} : memref<2x16x256xf32, #tpu.memory_space<vmem>>, vector<16xf32>,
          %gather3A_156 = tpu.vector_load_idx %arg12[%add3A_98, %add3A_145, %add3A_115, %get3A_150] : memref<2x32x128x8xf32, #tpu.memory_space<vmem>>[vector<16xi32>, vector<16xi32>, vector<16xi32>, vector<16xi32>], vector<16xf32>,
          %add3A_157 = arith.constant 1 : i32
          %add3A_158 = vector.broadcast %add3A_157 : i32 to vector<16xi32>
          %add3A_159 = arith.addi %get3A_150, %add3A_158 : vector<16xi32>
          %gather3A_160 = tpu.vector_load_idx %arg12[%add3A_98, %add3A_145, %add3A_115, %add3A_159] : memref<2x32x128x8xf32, #tpu.memory_space<vmem>>[vector<16xi32>, vector<16xi32>, vector<16xi32>, vector<16xi32>], vector<16xf32>,
          %mul3A_161 = arith.mulf %get3A_155, %gather3A_156 : vector<16xf32>
          %add3A_162 = arith.addf %add3A_140, %mul3A_161 : vector<16xf32>
          %mul3A_163 = arith.mulf %get3A_155, %gather3A_160 : vector<16xf32>
          %add3A_164 = arith.addf %add3A_142, %mul3A_163 : vector<16xf32>
          %add3A_165 = arith.constant 4 : i32
          %add3A_166 = vector.broadcast %add3A_165 : i32 to vector<16xi32>
          %add3A_167 = arith.addi %add3A_117, %add3A_166 : vector<16xi32>
          %get3A_168 = arith.constant 2 : i32
          %get3A_169 = arith.index_cast %and3A_86 : i32 to index
          %get3A_170 = arith.index_cast %get3A_168 : i32 to index
          %get3A_171 = arith.index_cast %mul3A_107 : i32 to index
          %get3A_172 = tpu.vector_load %arg10[%get3A_169, %get3A_170, %get3A_171] {strides = array<i32>} : memref<2x16x256xi32, #tpu.memory_space<vmem>>, vector<16xi32>,
          %get3A_173 = arith.constant 2 : i32
          %get3A_174 = arith.index_cast %and3A_86 : i32 to index
          %get3A_175 = arith.index_cast %get3A_173 : i32 to index
          %get3A_176 = arith.index_cast %mul3A_107 : i32 to index
          %get3A_177 = tpu.vector_load %arg11[%get3A_174, %get3A_175, %get3A_176] {strides = array<i32>} : memref<2x16x256xf32, #tpu.memory_space<vmem>>, vector<16xf32>,
          %gather3A_178 = tpu.vector_load_idx %arg12[%add3A_98, %add3A_167, %add3A_115, %get3A_172] : memref<2x32x128x8xf32, #tpu.memory_space<vmem>>[vector<16xi32>, vector<16xi32>, vector<16xi32>, vector<16xi32>], vector<16xf32>,
          %add3A_179 = arith.constant 1 : i32
          %add3A_180 = vector.broadcast %add3A_179 : i32 to vector<16xi32>
          %add3A_181 = arith.addi %get3A_172, %add3A_180 : vector<16xi32>
          %gather3A_182 = tpu.vector_load_idx %arg12[%add3A_98, %add3A_167, %add3A_115, %add3A_181] : memref<2x32x128x8xf32, #tpu.memory_space<vmem>>[vector<16xi32>, vector<16xi32>, vector<16xi32>, vector<16xi32>], vector<16xf32>,
          %mul3A_183 = arith.mulf %get3A_177, %gather3A_178 : vector<16xf32>
          %add3A_184 = arith.addf %add3A_162, %mul3A_183 : vector<16xf32>
          %mul3A_185 = arith.mulf %get3A_177, %gather3A_182 : vector<16xf32>
          %add3A_186 = arith.addf %add3A_164, %mul3A_185 : vector<16xf32>
          %add3A_187 = arith.constant 6 : i32
          %add3A_188 = vector.broadcast %add3A_187 : i32 to vector<16xi32>
          %add3A_189 = arith.addi %add3A_117, %add3A_188 : vector<16xi32>
          %get3A_190 = arith.constant 3 : i32
          %get3A_191 = arith.index_cast %and3A_86 : i32 to index
          %get3A_192 = arith.index_cast %get3A_190 : i32 to index
          %get3A_193 = arith.index_cast %mul3A_107 : i32 to index
          %get3A_194 = tpu.vector_load %arg10[%get3A_191, %get3A_192, %get3A_193] {strides = array<i32>} : memref<2x16x256xi32, #tpu.memory_space<vmem>>, vector<16xi32>,
          %get3A_195 = arith.constant 3 : i32
          %get3A_196 = arith.index_cast %and3A_86 : i32 to index
          %get3A_197 = arith.index_cast %get3A_195 : i32 to index
          %get3A_198 = arith.index_cast %mul3A_107 : i32 to index
          %get3A_199 = tpu.vector_load %arg11[%get3A_196, %get3A_197, %get3A_198] {strides = array<i32>} : memref<2x16x256xf32, #tpu.memory_space<vmem>>, vector<16xf32>,
          %gather3A_200 = tpu.vector_load_idx %arg12[%add3A_98, %add3A_189, %add3A_115, %get3A_194] : memref<2x32x128x8xf32, #tpu.memory_space<vmem>>[vector<16xi32>, vector<16xi32>, vector<16xi32>, vector<16xi32>], vector<16xf32>,
          %add3A_201 = arith.constant 1 : i32
          %add3A_202 = vector.broadcast %add3A_201 : i32 to vector<16xi32>
          %add3A_203 = arith.addi %get3A_194, %add3A_202 : vector<16xi32>
          %gather3A_204 = tpu.vector_load_idx %arg12[%add3A_98, %add3A_189, %add3A_115, %add3A_203] : memref<2x32x128x8xf32, #tpu.memory_space<vmem>>[vector<16xi32>, vector<16xi32>, vector<16xi32>, vector<16xi32>], vector<16xf32>,
          %mul3A_205 = arith.mulf %get3A_199, %gather3A_200 : vector<16xf32>
          %add3A_206 = arith.addf %add3A_184, %mul3A_205 : vector<16xf32>
          %mul3A_207 = arith.mulf %get3A_199, %gather3A_204 : vector<16xf32>
          %add3A_208 = arith.addf %add3A_186, %mul3A_207 : vector<16xf32>
          %add3A_209 = arith.constant 8 : i32
          %add3A_210 = vector.broadcast %add3A_209 : i32 to vector<16xi32>
          %add3A_211 = arith.addi %add3A_117, %add3A_210 : vector<16xi32>
          %get3A_212 = arith.constant 4 : i32
          %get3A_213 = arith.index_cast %and3A_86 : i32 to index
          %get3A_214 = arith.index_cast %get3A_212 : i32 to index
          %get3A_215 = arith.index_cast %mul3A_107 : i32 to index
          %get3A_216 = tpu.vector_load %arg10[%get3A_213, %get3A_214, %get3A_215] {strides = array<i32>} : memref<2x16x256xi32, #tpu.memory_space<vmem>>, vector<16xi32>,
          %get3A_217 = arith.constant 4 : i32
          %get3A_218 = arith.index_cast %and3A_86 : i32 to index
          %get3A_219 = arith.index_cast %get3A_217 : i32 to index
          %get3A_220 = arith.index_cast %mul3A_107 : i32 to index
          %get3A_221 = tpu.vector_load %arg11[%get3A_218, %get3A_219, %get3A_220] {strides = array<i32>} : memref<2x16x256xf32, #tpu.memory_space<vmem>>, vector<16xf32>,
          %gather3A_222 = tpu.vector_load_idx %arg12[%add3A_98, %add3A_211, %add3A_115, %get3A_216] : memref<2x32x128x8xf32, #tpu.memory_space<vmem>>[vector<16xi32>, vector<16xi32>, vector<16xi32>, vector<16xi32>], vector<16xf32>,
          %add3A_223 = arith.constant 1 : i32
          %add3A_224 = vector.broadcast %add3A_223 : i32 to vector<16xi32>
          %add3A_225 = arith.addi %get3A_216, %add3A_224 : vector<16xi32>
          %gather3A_226 = tpu.vector_load_idx %arg12[%add3A_98, %add3A_211, %add3A_115, %add3A_225] : memref<2x32x128x8xf32, #tpu.memory_space<vmem>>[vector<16xi32>, vector<16xi32>, vector<16xi32>, vector<16xi32>], vector<16xf32>,
          %mul3A_227 = arith.mulf %get3A_221, %gather3A_222 : vector<16xf32>
          %add3A_228 = arith.addf %add3A_206, %mul3A_227 : vector<16xf32>
          %mul3A_229 = arith.mulf %get3A_221, %gather3A_226 : vector<16xf32>
          %add3A_230 = arith.addf %add3A_208, %mul3A_229 : vector<16xf32>
          %add3A_231 = arith.constant 10 : i32
          %add3A_232 = vector.broadcast %add3A_231 : i32 to vector<16xi32>
          %add3A_233 = arith.addi %add3A_117, %add3A_232 : vector<16xi32>
          %get3A_234 = arith.constant 5 : i32
          %get3A_235 = arith.index_cast %and3A_86 : i32 to index
          %get3A_236 = arith.index_cast %get3A_234 : i32 to index
          %get3A_237 = arith.index_cast %mul3A_107 : i32 to index
          %get3A_238 = tpu.vector_load %arg10[%get3A_235, %get3A_236, %get3A_237] {strides = array<i32>} : memref<2x16x256xi32, #tpu.memory_space<vmem>>, vector<16xi32>,
          %get3A_239 = arith.constant 5 : i32
          %get3A_240 = arith.index_cast %and3A_86 : i32 to index
          %get3A_241 = arith.index_cast %get3A_239 : i32 to index
          %get3A_242 = arith.index_cast %mul3A_107 : i32 to index
          %get3A_243 = tpu.vector_load %arg11[%get3A_240, %get3A_241, %get3A_242] {strides = array<i32>} : memref<2x16x256xf32, #tpu.memory_space<vmem>>, vector<16xf32>,
          %gather3A_244 = tpu.vector_load_idx %arg12[%add3A_98, %add3A_233, %add3A_115, %get3A_238] : memref<2x32x128x8xf32, #tpu.memory_space<vmem>>[vector<16xi32>, vector<16xi32>, vector<16xi32>, vector<16xi32>], vector<16xf32>,
          %add3A_245 = arith.constant 1 : i32
          %add3A_246 = vector.broadcast %add3A_245 : i32 to vector<16xi32>
          %add3A_247 = arith.addi %get3A_238, %add3A_246 : vector<16xi32>
          %gather3A_248 = tpu.vector_load_idx %arg12[%add3A_98, %add3A_233, %add3A_115, %add3A_247] : memref<2x32x128x8xf32, #tpu.memory_space<vmem>>[vector<16xi32>, vector<16xi32>, vector<16xi32>, vector<16xi32>], vector<16xf32>,
          %mul3A_249 = arith.mulf %get3A_243, %gather3A_244 : vector<16xf32>
          %add3A_250 = arith.addf %add3A_228, %mul3A_249 : vector<16xf32>
          %mul3A_251 = arith.mulf %get3A_243, %gather3A_248 : vector<16xf32>
          %add3A_252 = arith.addf %add3A_230, %mul3A_251 : vector<16xf32>
          %add3A_253 = arith.constant 12 : i32
          %add3A_254 = vector.broadcast %add3A_253 : i32 to vector<16xi32>
          %add3A_255 = arith.addi %add3A_117, %add3A_254 : vector<16xi32>
          %get3A_256 = arith.constant 6 : i32
          %get3A_257 = arith.index_cast %and3A_86 : i32 to index
          %get3A_258 = arith.index_cast %get3A_256 : i32 to index
          %get3A_259 = arith.index_cast %mul3A_107 : i32 to index
          %get3A_260 = tpu.vector_load %arg10[%get3A_257, %get3A_258, %get3A_259] {strides = array<i32>} : memref<2x16x256xi32, #tpu.memory_space<vmem>>, vector<16xi32>,
          %get3A_261 = arith.constant 6 : i32
          %get3A_262 = arith.index_cast %and3A_86 : i32 to index
          %get3A_263 = arith.index_cast %get3A_261 : i32 to index
          %get3A_264 = arith.index_cast %mul3A_107 : i32 to index
          %get3A_265 = tpu.vector_load %arg11[%get3A_262, %get3A_263, %get3A_264] {strides = array<i32>} : memref<2x16x256xf32, #tpu.memory_space<vmem>>, vector<16xf32>,
          %gather3A_266 = tpu.vector_load_idx %arg12[%add3A_98, %add3A_255, %add3A_115, %get3A_260] : memref<2x32x128x8xf32, #tpu.memory_space<vmem>>[vector<16xi32>, vector<16xi32>, vector<16xi32>, vector<16xi32>], vector<16xf32>,
          %add3A_267 = arith.constant 1 : i32
          %add3A_268 = vector.broadcast %add3A_267 : i32 to vector<16xi32>
          %add3A_269 = arith.addi %get3A_260, %add3A_268 : vector<16xi32>
          %gather3A_270 = tpu.vector_load_idx %arg12[%add3A_98, %add3A_255, %add3A_115, %add3A_269] : memref<2x32x128x8xf32, #tpu.memory_space<vmem>>[vector<16xi32>, vector<16xi32>, vector<16xi32>, vector<16xi32>], vector<16xf32>,
          %mul3A_271 = arith.mulf %get3A_265, %gather3A_266 : vector<16xf32>
          %add3A_272 = arith.addf %add3A_250, %mul3A_271 : vector<16xf32>
          %mul3A_273 = arith.mulf %get3A_265, %gather3A_270 : vector<16xf32>
          %add3A_274 = arith.addf %add3A_252, %mul3A_273 : vector<16xf32>
          %add3A_275 = arith.constant 14 : i32
          %add3A_276 = vector.broadcast %add3A_275 : i32 to vector<16xi32>
          %add3A_277 = arith.addi %add3A_117, %add3A_276 : vector<16xi32>
          %get3A_278 = arith.constant 7 : i32
          %get3A_279 = arith.index_cast %and3A_86 : i32 to index
          %get3A_280 = arith.index_cast %get3A_278 : i32 to index
          %get3A_281 = arith.index_cast %mul3A_107 : i32 to index
          %get3A_282 = tpu.vector_load %arg10[%get3A_279, %get3A_280, %get3A_281] {strides = array<i32>} : memref<2x16x256xi32, #tpu.memory_space<vmem>>, vector<16xi32>,
          %get3A_283 = arith.constant 7 : i32
          %get3A_284 = arith.index_cast %and3A_86 : i32 to index
          %get3A_285 = arith.index_cast %get3A_283 : i32 to index
          %get3A_286 = arith.index_cast %mul3A_107 : i32 to index
          %get3A_287 = tpu.vector_load %arg11[%get3A_284, %get3A_285, %get3A_286] {strides = array<i32>} : memref<2x16x256xf32, #tpu.memory_space<vmem>>, vector<16xf32>,
          %gather3A_288 = tpu.vector_load_idx %arg12[%add3A_98, %add3A_277, %add3A_115, %get3A_282] : memref<2x32x128x8xf32, #tpu.memory_space<vmem>>[vector<16xi32>, vector<16xi32>, vector<16xi32>, vector<16xi32>], vector<16xf32>,
          %add3A_289 = arith.constant 1 : i32
          %add3A_290 = vector.broadcast %add3A_289 : i32 to vector<16xi32>
          %add3A_291 = arith.addi %get3A_282, %add3A_290 : vector<16xi32>
          %gather3A_292 = tpu.vector_load_idx %arg12[%add3A_98, %add3A_277, %add3A_115, %add3A_291] : memref<2x32x128x8xf32, #tpu.memory_space<vmem>>[vector<16xi32>, vector<16xi32>, vector<16xi32>, vector<16xi32>], vector<16xf32>,
          %mul3A_293 = arith.mulf %get3A_287, %gather3A_288 : vector<16xf32>
          %add3A_294 = arith.addf %add3A_272, %mul3A_293 : vector<16xf32>
          %mul3A_295 = arith.mulf %get3A_287, %gather3A_292 : vector<16xf32>
          %add3A_296 = arith.addf %add3A_274, %mul3A_295 : vector<16xf32>
          %add3A_297 = arith.constant 16 : i32
          %add3A_298 = vector.broadcast %add3A_297 : i32 to vector<16xi32>
          %add3A_299 = arith.addi %add3A_117, %add3A_298 : vector<16xi32>
          %get3A_300 = arith.constant 8 : i32
          %get3A_301 = arith.index_cast %and3A_86 : i32 to index
          %get3A_302 = arith.index_cast %get3A_300 : i32 to index
          %get3A_303 = arith.index_cast %mul3A_107 : i32 to index
          %get3A_304 = tpu.vector_load %arg10[%get3A_301, %get3A_302, %get3A_303] {strides = array<i32>} : memref<2x16x256xi32, #tpu.memory_space<vmem>>, vector<16xi32>,
          %get3A_305 = arith.constant 8 : i32
          %get3A_306 = arith.index_cast %and3A_86 : i32 to index
          %get3A_307 = arith.index_cast %get3A_305 : i32 to index
          %get3A_308 = arith.index_cast %mul3A_107 : i32 to index
          %get3A_309 = tpu.vector_load %arg11[%get3A_306, %get3A_307, %get3A_308] {strides = array<i32>} : memref<2x16x256xf32, #tpu.memory_space<vmem>>, vector<16xf32>,
          %gather3A_310 = tpu.vector_load_idx %arg12[%add3A_98, %add3A_299, %add3A_115, %get3A_304] : memref<2x32x128x8xf32, #tpu.memory_space<vmem>>[vector<16xi32>, vector<16xi32>, vector<16xi32>, vector<16xi32>], vector<16xf32>,
          %add3A_311 = arith.constant 1 : i32
          %add3A_312 = vector.broadcast %add3A_311 : i32 to vector<16xi32>
          %add3A_313 = arith.addi %get3A_304, %add3A_312 : vector<16xi32>
          %gather3A_314 = tpu.vector_load_idx %arg12[%add3A_98, %add3A_299, %add3A_115, %add3A_313] : memref<2x32x128x8xf32, #tpu.memory_space<vmem>>[vector<16xi32>, vector<16xi32>, vector<16xi32>, vector<16xi32>], vector<16xf32>,
          %mul3A_315 = arith.mulf %get3A_309, %gather3A_310 : vector<16xf32>
          %add3A_316 = arith.addf %add3A_294, %mul3A_315 : vector<16xf32>
          %mul3A_317 = arith.mulf %get3A_309, %gather3A_314 : vector<16xf32>
          %add3A_318 = arith.addf %add3A_296, %mul3A_317 : vector<16xf32>
          %add3A_319 = arith.constant 18 : i32
          %add3A_320 = vector.broadcast %add3A_319 : i32 to vector<16xi32>
          %add3A_321 = arith.addi %add3A_117, %add3A_320 : vector<16xi32>
          %get3A_322 = arith.constant 9 : i32
          %get3A_323 = arith.index_cast %and3A_86 : i32 to index
          %get3A_324 = arith.index_cast %get3A_322 : i32 to index
          %get3A_325 = arith.index_cast %mul3A_107 : i32 to index
          %get3A_326 = tpu.vector_load %arg10[%get3A_323, %get3A_324, %get3A_325] {strides = array<i32>} : memref<2x16x256xi32, #tpu.memory_space<vmem>>, vector<16xi32>,
          %get3A_327 = arith.constant 9 : i32
          %get3A_328 = arith.index_cast %and3A_86 : i32 to index
          %get3A_329 = arith.index_cast %get3A_327 : i32 to index
          %get3A_330 = arith.index_cast %mul3A_107 : i32 to index
          %get3A_331 = tpu.vector_load %arg11[%get3A_328, %get3A_329, %get3A_330] {strides = array<i32>} : memref<2x16x256xf32, #tpu.memory_space<vmem>>, vector<16xf32>,
          %gather3A_332 = tpu.vector_load_idx %arg12[%add3A_98, %add3A_321, %add3A_115, %get3A_326] : memref<2x32x128x8xf32, #tpu.memory_space<vmem>>[vector<16xi32>, vector<16xi32>, vector<16xi32>, vector<16xi32>], vector<16xf32>,
          %add3A_333 = arith.constant 1 : i32
          %add3A_334 = vector.broadcast %add3A_333 : i32 to vector<16xi32>
          %add3A_335 = arith.addi %get3A_326, %add3A_334 : vector<16xi32>
          %gather3A_336 = tpu.vector_load_idx %arg12[%add3A_98, %add3A_321, %add3A_115, %add3A_335] : memref<2x32x128x8xf32, #tpu.memory_space<vmem>>[vector<16xi32>, vector<16xi32>, vector<16xi32>, vector<16xi32>], vector<16xf32>,
          %mul3A_337 = arith.mulf %get3A_331, %gather3A_332 : vector<16xf32>
          %add3A_338 = arith.addf %add3A_316, %mul3A_337 : vector<16xf32>
          %mul3A_339 = arith.mulf %get3A_331, %gather3A_336 : vector<16xf32>
          %add3A_340 = arith.addf %add3A_318, %mul3A_339 : vector<16xf32>
          %add3A_341 = arith.constant 20 : i32
          %add3A_342 = vector.broadcast %add3A_341 : i32 to vector<16xi32>
          %add3A_343 = arith.addi %add3A_117, %add3A_342 : vector<16xi32>
          %get3A_344 = arith.constant 10 : i32
          %get3A_345 = arith.index_cast %and3A_86 : i32 to index
          %get3A_346 = arith.index_cast %get3A_344 : i32 to index
          %get3A_347 = arith.index_cast %mul3A_107 : i32 to index
          %get3A_348 = tpu.vector_load %arg10[%get3A_345, %get3A_346, %get3A_347] {strides = array<i32>} : memref<2x16x256xi32, #tpu.memory_space<vmem>>, vector<16xi32>,
          %get3A_349 = arith.constant 10 : i32
          %get3A_350 = arith.index_cast %and3A_86 : i32 to index
          %get3A_351 = arith.index_cast %get3A_349 : i32 to index
          %get3A_352 = arith.index_cast %mul3A_107 : i32 to index
          %get3A_353 = tpu.vector_load %arg11[%get3A_350, %get3A_351, %get3A_352] {strides = array<i32>} : memref<2x16x256xf32, #tpu.memory_space<vmem>>, vector<16xf32>,
          %gather3A_354 = tpu.vector_load_idx %arg12[%add3A_98, %add3A_343, %add3A_115, %get3A_348] : memref<2x32x128x8xf32, #tpu.memory_space<vmem>>[vector<16xi32>, vector<16xi32>, vector<16xi32>, vector<16xi32>], vector<16xf32>,
          %add3A_355 = arith.constant 1 : i32
          %add3A_356 = vector.broadcast %add3A_355 : i32 to vector<16xi32>
          %add3A_357 = arith.addi %get3A_348, %add3A_356 : vector<16xi32>
          %gather3A_358 = tpu.vector_load_idx %arg12[%add3A_98, %add3A_343, %add3A_115, %add3A_357] : memref<2x32x128x8xf32, #tpu.memory_space<vmem>>[vector<16xi32>, vector<16xi32>, vector<16xi32>, vector<16xi32>], vector<16xf32>,
          %mul3A_359 = arith.mulf %get3A_353, %gather3A_354 : vector<16xf32>
          %add3A_360 = arith.addf %add3A_338, %mul3A_359 : vector<16xf32>
          %mul3A_361 = arith.mulf %get3A_353, %gather3A_358 : vector<16xf32>
          %add3A_362 = arith.addf %add3A_340, %mul3A_361 : vector<16xf32>
          %add3A_363 = arith.constant 22 : i32
          %add3A_364 = vector.broadcast %add3A_363 : i32 to vector<16xi32>
          %add3A_365 = arith.addi %add3A_117, %add3A_364 : vector<16xi32>
          %get3A_366 = arith.constant 11 : i32
          %get3A_367 = arith.index_cast %and3A_86 : i32 to index
          %get3A_368 = arith.index_cast %get3A_366 : i32 to index
          %get3A_369 = arith.index_cast %mul3A_107 : i32 to index
          %get3A_370 = tpu.vector_load %arg10[%get3A_367, %get3A_368, %get3A_369] {strides = array<i32>} : memref<2x16x256xi32, #tpu.memory_space<vmem>>, vector<16xi32>,
          %get3A_371 = arith.constant 11 : i32
          %get3A_372 = arith.index_cast %and3A_86 : i32 to index
          %get3A_373 = arith.index_cast %get3A_371 : i32 to index
          %get3A_374 = arith.index_cast %mul3A_107 : i32 to index
          %get3A_375 = tpu.vector_load %arg11[%get3A_372, %get3A_373, %get3A_374] {strides = array<i32>} : memref<2x16x256xf32, #tpu.memory_space<vmem>>, vector<16xf32>,
          %gather3A_376 = tpu.vector_load_idx %arg12[%add3A_98, %add3A_365, %add3A_115, %get3A_370] : memref<2x32x128x8xf32, #tpu.memory_space<vmem>>[vector<16xi32>, vector<16xi32>, vector<16xi32>, vector<16xi32>], vector<16xf32>,
          %add3A_377 = arith.constant 1 : i32
          %add3A_378 = vector.broadcast %add3A_377 : i32 to vector<16xi32>
          %add3A_379 = arith.addi %get3A_370, %add3A_378 : vector<16xi32>
          %gather3A_380 = tpu.vector_load_idx %arg12[%add3A_98, %add3A_365, %add3A_115, %add3A_379] : memref<2x32x128x8xf32, #tpu.memory_space<vmem>>[vector<16xi32>, vector<16xi32>, vector<16xi32>, vector<16xi32>], vector<16xf32>,
          %mul3A_381 = arith.mulf %get3A_375, %gather3A_376 : vector<16xf32>
          %add3A_382 = arith.addf %add3A_360, %mul3A_381 : vector<16xf32>
          %mul3A_383 = arith.mulf %get3A_375, %gather3A_380 : vector<16xf32>
          %add3A_384 = arith.addf %add3A_362, %mul3A_383 : vector<16xf32>
          %add3A_385 = arith.constant 24 : i32
          %add3A_386 = vector.broadcast %add3A_385 : i32 to vector<16xi32>
          %add3A_387 = arith.addi %add3A_117, %add3A_386 : vector<16xi32>
          %get3A_388 = arith.constant 12 : i32
          %get3A_389 = arith.index_cast %and3A_86 : i32 to index
          %get3A_390 = arith.index_cast %get3A_388 : i32 to index
          %get3A_391 = arith.index_cast %mul3A_107 : i32 to index
          %get3A_392 = tpu.vector_load %arg10[%get3A_389, %get3A_390, %get3A_391] {strides = array<i32>} : memref<2x16x256xi32, #tpu.memory_space<vmem>>, vector<16xi32>,
          %get3A_393 = arith.constant 12 : i32
          %get3A_394 = arith.index_cast %and3A_86 : i32 to index
          %get3A_395 = arith.index_cast %get3A_393 : i32 to index
          %get3A_396 = arith.index_cast %mul3A_107 : i32 to index
          %get3A_397 = tpu.vector_load %arg11[%get3A_394, %get3A_395, %get3A_396] {strides = array<i32>} : memref<2x16x256xf32, #tpu.memory_space<vmem>>, vector<16xf32>,
          %gather3A_398 = tpu.vector_load_idx %arg12[%add3A_98, %add3A_387, %add3A_115, %get3A_392] : memref<2x32x128x8xf32, #tpu.memory_space<vmem>>[vector<16xi32>, vector<16xi32>, vector<16xi32>, vector<16xi32>], vector<16xf32>,
          %add3A_399 = arith.constant 1 : i32
          %add3A_400 = vector.broadcast %add3A_399 : i32 to vector<16xi32>
          %add3A_401 = arith.addi %get3A_392, %add3A_400 : vector<16xi32>
          %gather3A_402 = tpu.vector_load_idx %arg12[%add3A_98, %add3A_387, %add3A_115, %add3A_401] : memref<2x32x128x8xf32, #tpu.memory_space<vmem>>[vector<16xi32>, vector<16xi32>, vector<16xi32>, vector<16xi32>], vector<16xf32>,
          %mul3A_403 = arith.mulf %get3A_397, %gather3A_398 : vector<16xf32>
          %add3A_404 = arith.addf %add3A_382, %mul3A_403 : vector<16xf32>
          %mul3A_405 = arith.mulf %get3A_397, %gather3A_402 : vector<16xf32>
          %add3A_406 = arith.addf %add3A_384, %mul3A_405 : vector<16xf32>
          %add3A_407 = arith.constant 26 : i32
          %add3A_408 = vector.broadcast %add3A_407 : i32 to vector<16xi32>
          %add3A_409 = arith.addi %add3A_117, %add3A_408 : vector<16xi32>
          %get3A_410 = arith.constant 13 : i32
          %get3A_411 = arith.index_cast %and3A_86 : i32 to index
          %get3A_412 = arith.index_cast %get3A_410 : i32 to index
          %get3A_413 = arith.index_cast %mul3A_107 : i32 to index
          %get3A_414 = tpu.vector_load %arg10[%get3A_411, %get3A_412, %get3A_413] {strides = array<i32>} : memref<2x16x256xi32, #tpu.memory_space<vmem>>, vector<16xi32>,
          %get3A_415 = arith.constant 13 : i32
          %get3A_416 = arith.index_cast %and3A_86 : i32 to index
          %get3A_417 = arith.index_cast %get3A_415 : i32 to index
          %get3A_418 = arith.index_cast %mul3A_107 : i32 to index
          %get3A_419 = tpu.vector_load %arg11[%get3A_416, %get3A_417, %get3A_418] {strides = array<i32>} : memref<2x16x256xf32, #tpu.memory_space<vmem>>, vector<16xf32>,
          %gather3A_420 = tpu.vector_load_idx %arg12[%add3A_98, %add3A_409, %add3A_115, %get3A_414] : memref<2x32x128x8xf32, #tpu.memory_space<vmem>>[vector<16xi32>, vector<16xi32>, vector<16xi32>, vector<16xi32>], vector<16xf32>,
          %add3A_421 = arith.constant 1 : i32
          %add3A_422 = vector.broadcast %add3A_421 : i32 to vector<16xi32>
          %add3A_423 = arith.addi %get3A_414, %add3A_422 : vector<16xi32>
          %gather3A_424 = tpu.vector_load_idx %arg12[%add3A_98, %add3A_409, %add3A_115, %add3A_423] : memref<2x32x128x8xf32, #tpu.memory_space<vmem>>[vector<16xi32>, vector<16xi32>, vector<16xi32>, vector<16xi32>], vector<16xf32>,
          %mul3A_425 = arith.mulf %get3A_419, %gather3A_420 : vector<16xf32>
          %add3A_426 = arith.addf %add3A_404, %mul3A_425 : vector<16xf32>
          %mul3A_427 = arith.mulf %get3A_419, %gather3A_424 : vector<16xf32>
          %add3A_428 = arith.addf %add3A_406, %mul3A_427 : vector<16xf32>
          %add3A_429 = arith.constant 28 : i32
          %add3A_430 = vector.broadcast %add3A_429 : i32 to vector<16xi32>
          %add3A_431 = arith.addi %add3A_117, %add3A_430 : vector<16xi32>
          %get3A_432 = arith.constant 14 : i32
          %get3A_433 = arith.index_cast %and3A_86 : i32 to index
          %get3A_434 = arith.index_cast %get3A_432 : i32 to index
          %get3A_435 = arith.index_cast %mul3A_107 : i32 to index
          %get3A_436 = tpu.vector_load %arg10[%get3A_433, %get3A_434, %get3A_435] {strides = array<i32>} : memref<2x16x256xi32, #tpu.memory_space<vmem>>, vector<16xi32>,
          %get3A_437 = arith.constant 14 : i32
          %get3A_438 = arith.index_cast %and3A_86 : i32 to index
          %get3A_439 = arith.index_cast %get3A_437 : i32 to index
          %get3A_440 = arith.index_cast %mul3A_107 : i32 to index
          %get3A_441 = tpu.vector_load %arg11[%get3A_438, %get3A_439, %get3A_440] {strides = array<i32>} : memref<2x16x256xf32, #tpu.memory_space<vmem>>, vector<16xf32>,
          %gather3A_442 = tpu.vector_load_idx %arg12[%add3A_98, %add3A_431, %add3A_115, %get3A_436] : memref<2x32x128x8xf32, #tpu.memory_space<vmem>>[vector<16xi32>, vector<16xi32>, vector<16xi32>, vector<16xi32>], vector<16xf32>,
          %add3A_443 = arith.constant 1 : i32
          %add3A_444 = vector.broadcast %add3A_443 : i32 to vector<16xi32>
          %add3A_445 = arith.addi %get3A_436, %add3A_444 : vector<16xi32>
          %gather3A_446 = tpu.vector_load_idx %arg12[%add3A_98, %add3A_431, %add3A_115, %add3A_445] : memref<2x32x128x8xf32, #tpu.memory_space<vmem>>[vector<16xi32>, vector<16xi32>, vector<16xi32>, vector<16xi32>], vector<16xf32>,
          %mul3A_447 = arith.mulf %get3A_441, %gather3A_442 : vector<16xf32>
          %add3A_448 = arith.addf %add3A_426, %mul3A_447 : vector<16xf32>
          %mul3A_449 = arith.mulf %get3A_441, %gather3A_446 : vector<16xf32>
          %add3A_450 = arith.addf %add3A_428, %mul3A_449 : vector<16xf32>
          %add3A_451 = arith.constant 30 : i32
          %add3A_452 = vector.broadcast %add3A_451 : i32 to vector<16xi32>
          %add3A_453 = arith.addi %add3A_117, %add3A_452 : vector<16xi32>
          %get3A_454 = arith.constant 15 : i32
          %get3A_455 = arith.index_cast %and3A_86 : i32 to index
          %get3A_456 = arith.index_cast %get3A_454 : i32 to index
          %get3A_457 = arith.index_cast %mul3A_107 : i32 to index
          %get3A_458 = tpu.vector_load %arg10[%get3A_455, %get3A_456, %get3A_457] {strides = array<i32>} : memref<2x16x256xi32, #tpu.memory_space<vmem>>, vector<16xi32>,
          %get3A_459 = arith.constant 15 : i32
          %get3A_460 = arith.index_cast %and3A_86 : i32 to index
          %get3A_461 = arith.index_cast %get3A_459 : i32 to index
          %get3A_462 = arith.index_cast %mul3A_107 : i32 to index
          %get3A_463 = tpu.vector_load %arg11[%get3A_460, %get3A_461, %get3A_462] {strides = array<i32>} : memref<2x16x256xf32, #tpu.memory_space<vmem>>, vector<16xf32>,
          %gather3A_464 = tpu.vector_load_idx %arg12[%add3A_98, %add3A_453, %add3A_115, %get3A_458] : memref<2x32x128x8xf32, #tpu.memory_space<vmem>>[vector<16xi32>, vector<16xi32>, vector<16xi32>, vector<16xi32>], vector<16xf32>,
          %add3A_465 = arith.constant 1 : i32
          %add3A_466 = vector.broadcast %add3A_465 : i32 to vector<16xi32>
          %add3A_467 = arith.addi %get3A_458, %add3A_466 : vector<16xi32>
          %gather3A_468 = tpu.vector_load_idx %arg12[%add3A_98, %add3A_453, %add3A_115, %add3A_467] : memref<2x32x128x8xf32, #tpu.memory_space<vmem>>[vector<16xi32>, vector<16xi32>, vector<16xi32>, vector<16xi32>], vector<16xf32>,
          %mul3A_469 = arith.mulf %get3A_463, %gather3A_464 : vector<16xf32>
          %add3A_470 = arith.addf %add3A_448, %mul3A_469 : vector<16xf32>
          %mul3A_471 = arith.mulf %get3A_463, %gather3A_468 : vector<16xf32>
          %add3A_472 = arith.addf %add3A_450, %mul3A_471 : vector<16xf32>
          %mul3A_473 = arith.constant 2 : i32
          %mul3A_474 = arith.muli %mul3A_473, %scan3A_84 : i32
          %swap3A = arith.index_cast %mul3A_474 : i32 to index
          %swap3A_475 = arith.index_cast %mul3A_107 : i32 to index
          %swap3A_476 = tpu.vector_load %arg13[%swap3A, %swap3A_475] {strides = array<i32>} : memref<32x256xf32, #tpu.memory_space<vmem>>, vector<16xf32>,
          tpu.vector_store %arg13[%swap3A, %swap3A_475], %add3A_470 {strides = array<i32>} : memref<32x256xf32, #tpu.memory_space<vmem>>, vector<16xf32>,
          %mul3A_477 = arith.constant 2 : i32
          %mul3A_478 = arith.muli %mul3A_477, %scan3A_84 : i32
          %add3A_479 = arith.constant 1 : i32
          %add3A_480 = arith.addi %mul3A_478, %add3A_479 : i32
          %swap3A_481 = arith.index_cast %add3A_480 : i32 to index
          %swap3A_482 = arith.index_cast %mul3A_107 : i32 to index
          %swap3A_483 = tpu.vector_load %arg13[%swap3A_481, %swap3A_482] {strides = array<i32>} : memref<32x256xf32, #tpu.memory_space<vmem>>, vector<16xf32>,
          tpu.vector_store %arg13[%swap3A_481, %swap3A_482], %add3A_472 {strides = array<i32>} : memref<32x256xf32, #tpu.memory_space<vmem>>, vector<16xf32>,
        }
        %scan3A_104 = arith.constant 16 : i32
      }
      %scan3A_83 = arith.constant 16 : i32
      "tpu.region"() ({
        %run_scoped3A = tpu.sem_alloc : memref<!tpu.dma_semaphore, #tpu.memory_space<semaphore_mem>>
        %dma_start3A = arith.constant 0 : i32
        %dma_start3A_84 = arith.constant 0 : i32
        %dma_start3A_85 = tpu.memref_slice %arg5[%add3A_17, %dma_start3A, %dma_start3A_84] : memref<512x32x256xf32, #tpu.memory_space<hbm>> -> memref<1x32x256xf32, #tpu.memory_space<hbm>>
        %dma_start3A_86 = tpu.memref_squeeze %dma_start3A_85 : memref<1x32x256xf32, #tpu.memory_space<hbm>> -> memref<32x256xf32, #tpu.memory_space<hbm>>
        %dma_start3A_87 = arith.constant 0 : i32
        %dma_start3A_88 = arith.constant 0 : i32
        %dma_start3A_89 = tpu.memref_slice %arg5[%add3A_17, %dma_start3A_87, %dma_start3A_88] : memref<512x32x256xf32, #tpu.memory_space<hbm>> -> memref<1x32x256xf32, #tpu.memory_space<hbm>>
        %dma_start3A_90 = tpu.memref_squeeze %dma_start3A_89 : memref<1x32x256xf32, #tpu.memory_space<hbm>> -> memref<32x256xf32, #tpu.memory_space<hbm>>
        tpu.enqueue_dma source(%arg13 : memref<32x256xf32, #tpu.memory_space<vmem>>) target(%dma_start3A_90 : memref<32x256xf32, #tpu.memory_space<hbm>>) target_semaphore(%run_scoped3A : memref<!tpu.dma_semaphore, #tpu.memory_space<semaphore_mem>>)
        %dma_wait3A = arith.constant 0 : i32
        %dma_wait3A_91 = arith.constant 0 : i32
        %dma_wait3A_92 = tpu.memref_slice %arg5[%add3A_17, %dma_wait3A, %dma_wait3A_91] : memref<512x32x256xf32, #tpu.memory_space<hbm>> -> memref<1x32x256xf32, #tpu.memory_space<hbm>>
        %dma_wait3A_93 = tpu.memref_squeeze %dma_wait3A_92 : memref<1x32x256xf32, #tpu.memory_space<hbm>> -> memref<32x256xf32, #tpu.memory_space<hbm>>
        %dma_wait3A_94 = arith.constant 0 : i32
        %dma_wait3A_95 = arith.constant 0 : i32
        %dma_wait3A_96 = tpu.memref_slice %arg5[%add3A_17, %dma_wait3A_94, %dma_wait3A_95] : memref<512x32x256xf32, #tpu.memory_space<hbm>> -> memref<1x32x256xf32, #tpu.memory_space<hbm>>
        %dma_wait3A_97 = tpu.memref_squeeze %dma_wait3A_96 : memref<1x32x256xf32, #tpu.memory_space<hbm>> -> memref<32x256xf32, #tpu.memory_space<hbm>>
        tpu.wait_dma2 semaphore(%run_scoped3A : memref<!tpu.dma_semaphore, #tpu.memory_space<semaphore_mem>>) src(%arg13 : memref<32x256xf32, #tpu.memory_space<vmem>>) dst(%dma_wait3A_97 : memref<32x256xf32, #tpu.memory_space<hbm>>)
        tpu.yield
      }) : () -> ()
    }
    %scan3A_13 = arith.constant 16 : i32
    return
  }
}

</mosaic_0001>

<sc_bundles>
// kernel: _encode.3.cloned.1.call-start
scs
__scs_entry_jumppad:
0x0: {  	(pc) =	sbr.rel $0x88, $3  }
0x1: {  	(tag) =	ssettag $0x0;
	lr =	simm.s32 $0x1  }
0x2: {  	[smem:$0x3F9E] =	sst lr;
	_ =	strace $0xD0000000  }
0x3: {  	_ = 	snop  }
0x4: {  	_ = 	snop  }
0x5: {  	_ = 	snop  }
0x6: {  	_ = 	snop  }
0x7: {  	_ = 	snop  }
__scs_overlays_trampoline_lowered:
0x8: {  	[smem:$0x3FAD] =	sst s0  }
0x9: {  	[smem:$0x3FAE] =	sst s1  }
0xa: {  	[smem:$0x3FAF] =	sst s2  }
0xb: {  	[smem:$0x3FB0] =	sst s3  }
0xc: {  	[smem:$0x3FB1] =	sst s4  }
0xd: {  	[smem:$0x3FB2] =	sst s5  }
0xe: {  	[smem:$0x3FB3] =	sst s6  }
0xf: {  	[smem:$0x3FB4] =	sst s7  }
0x10: {  	[smem:$0x3FB5] =	sst s8  }
0x11: {  	[smem:$0x3FB6] =	sst s9;
	s0 =	simm.s32 @!p0 $0x0  }
0x12: {  	s1 =	sld [smem:$0x3F9C];
	s0 =	simm.s32 @p0 $0x1  }
0x13: {  	[smem:$0x3FB7] =	sst s0;
	s0 =	simm.s32 @!p1 $0x0  }
0x14: {  	s2 =	sld [smem:$0x3F9B];
	s0 =	simm.s32 @p1 $0x1  }
0x15: {  	[smem:$0x3FB8] =	sst s0;
	s0 =	simm.s32 @!p2 $0x0  }
0x16: {  	s3 =	sld [smem:$0x3FDB];
	s0 =	simm.s32 @p2 $0x1  }
0x17: {  	s4 =	simm.s32 $0x1BF5;
	[smem:$0x3FBA] =	sst s0  }
0x18: {  	s0 =	sld [smem:$0x3F9D];
	_ =	swait.ge [sflag:s4], $0x0  }
0x19: {  	s7 =	sld [smem:$0x3F9E]  }
0x1a: {  	s8 =	sadd.s32 $0xFFFFE003, lr  }
0x1b: {  	s9 =	sadd.s32 $0xFFFFFEF7, lr;
	s5 =	simm.s32 $0xFFFFFFFF;
	p2 =	slt.u32 s8, $0xFFFFF086  }
0x1c: {  	p1 =	slt.u32 s9, $0xF7A;
	s5 =	simm.s32 @!p2 $0x0  }
0x1d: {  	s5 =	simm.s32 @p1 $0x1;
	p0 =	seq.s32 s7, s2  }
0x1e: {  	s7 =	smul.u32 @!p0 $0xF7A, s2;
	p2 =	seq.s32 @!p0 s5, $0x0  }
0x1f: {  	s9 =	smul.u32 $0xF7A, s1;
	s8 =	simm.s32 @!p0 $0x1BF5;
	p2 =	por !p2, p0  }
0x20: {  	[sflag:s8] =	ssyncset.s32 @!p0 $0xFFFFF086;
	s6 =	sadd.s32 @!p0 s3, s7;
	s7 =	simm.s32 @!p0 $0x108  }
0x21: {  	s3 =	sadd.s32 s3, s9;
	s6 =	sadd.s32 @!p0 $0x88, s6;
	s7 =	simm.s32 @p2 $0x1082  }
0x22: {  	[simem:s7], [sflag:s8] =	dma.local @!p0 [hbm:s6], $0xF7A  }
0x23: {  	s9 =	sor.u32 $0xD0000000, s2;
	s6 =	simm.s32 $0x108;
	_ =	swait.ge @!p0 [sflag:s8], $0x0  }
0x24: {  	s3 =	sadd.s32 $0x88, s3;
	s6 =	simm.s32 @!p1 $0x1082;
	[sflag:s4] =	ssyncset.s32 $0xFFFFF086  }
0x25: {  	[simem:s6], [sflag:s4] =	dma.local [hbm:s3], $0xF7A  }
0x26: {  	[smem:$0x3F9E] =	sst s1;
	(tag) =	ssettag s2;
	_ =	strace s9  }
0x27: {  	s1 =	sld [smem:$0x3FAE]  }
0x28: {  	s2 =	sld [smem:$0x3FAF]  }
0x29: {  	s4 =	sld [smem:$0x3FB1]  }
0x2a: {  	p0 =	seq.s32 s5, $0x0;
	s5 =	sld [smem:$0x3FB2]  }
0x2b: {  	s6 =	sld [smem:$0x3FB3]  }
0x2c: {  	s7 =	sld [smem:$0x3FB4]  }
0x2d: {  	s3 =	simm.s32 $0x108;
	s8 =	sld [smem:$0x3FB5]  }
0x2e: {  	s3 =	simm.s32 @!p0 $0x1082;
	s9 =	sld [smem:$0x3FB6]  }
0x2f: {  	lr =	sadd.s32 s0, s3;
	s0 =	sld [smem:$0x3FAD]  }
0x30: {  	s3 =	sld [smem:$0x3FB0]  }
0x31: {  	[smem:$0x3FB9] =	sst s10  }
0x32: {  	s10 =	sld [smem:$0x3FB7];
	_ =	sdelay $0x3  }
0x33: {  	p0 =	seq.s32 s10, $0x1;
	s10 =	sld [smem:$0x3FB9];
	_ =	sdelay $0x3  }
0x34: {  	[smem:$0x3FB9] =	sst s10  }
0x35: {  	s10 =	sld [smem:$0x3FB8];
	_ =	sdelay $0x3  }
0x36: {  	p1 =	seq.s32 s10, $0x1;
	s10 =	sld [smem:$0x3FB9];
	_ =	sdelay $0x3  }
0x37: {  	[smem:$0x3FB9] =	sst s10  }
0x38: {  	s10 =	sld [smem:$0x3FBA]  }
0x39: {  	_ = 	snop;
	(pc) =	sbr.ind lr, $3  }
0x3a: {  	_ = 	snop  }
0x3b: {  	_ = 	snop  }
0x3c: {  	p2 =	seq.s32 s10, $0x1;
	s10 =	sld [smem:$0x3FB9]  }
0x3d: {  	_ =	shalt  }
0x3e: {  	_ =	shalt  }
0x3f: {  	_ =	shalt  }
0x40: {  	_ =	shalt  }
0x41: {  	_ =	shalt  }
0x42: {  	_ =	shalt  }
0x43: {  	_ =	shalt  }
0x44: {  	_ =	shalt  }
0x45: {  	_ =	shalt  }
0x46: {  	_ =	shalt  }
0x47: {  	_ =	shalt  }
0x48: {  	_ =	shalt  }
0x49: {  	_ =	shalt  }
0x4a: {  	_ =	shalt  }
0x4b: {  	_ =	shalt  }
0x4c: {  	_ =	shalt  }
0x4d: {  	_ =	shalt  }
0x4e: {  	_ =	shalt  }
0x4f: {  	_ =	shalt  }
0x50: {  	_ =	shalt  }
0x51: {  	_ =	shalt  }
0x52: {  	_ =	shalt  }
0x53: {  	_ =	shalt  }
0x54: {  	_ =	shalt  }
0x55: {  	_ =	shalt  }
0x56: {  	_ =	shalt  }
0x57: {  	_ =	shalt  }
0x58: {  	_ =	shalt  }
0x59: {  	_ =	shalt  }
0x5a: {  	_ =	shalt  }
0x5b: {  	_ =	shalt  }
0x5c: {  	_ =	shalt  }
0x5d: {  	_ =	shalt  }
0x5e: {  	_ =	shalt  }
0x5f: {  	_ =	shalt  }
0x60: {  	_ =	shalt  }
0x61: {  	_ =	shalt  }
0x62: {  	_ =	shalt  }
0x63: {  	_ =	shalt  }
0x64: {  	_ =	shalt  }
0x65: {  	_ =	shalt  }
0x66: {  	_ =	shalt  }
0x67: {  	_ =	shalt  }
0x68: {  	_ =	shalt  }
0x69: {  	_ =	shalt  }
0x6a: {  	_ =	shalt  }
0x6b: {  	_ =	shalt  }
0x6c: {  	_ =	shalt  }
0x6d: {  	_ =	shalt  }
0x6e: {  	_ =	shalt  }
0x6f: {  	_ =	shalt  }
0x70: {  	_ =	shalt  }
0x71: {  	_ =	shalt  }
0x72: {  	_ =	shalt  }
0x73: {  	_ =	shalt  }
0x74: {  	_ =	shalt  }
0x75: {  	_ =	shalt  }
0x76: {  	_ =	shalt  }
0x77: {  	_ =	shalt  }
0x78: {  	_ =	shalt  }
0x79: {  	_ =	shalt  }
0x7a: {  	_ =	shalt  }
0x7b: {  	_ =	shalt  }
0x7c: {  	_ =	shalt  }
0x7d: {  	_ =	shalt  }
0x7e: {  	_ =	shalt  }
0x7f: {  	_ =	shalt  }
0x80: {  	_ =	shalt  }
0x81: {  	_ =	shalt  }
0x82: {  	_ =	shalt  }
0x83: {  	_ =	shalt  }
0x84: {  	_ =	shalt  }
0x85: {  	_ =	shalt  }
0x86: {  	_ =	shalt  }
0x87: {  	_ =	shalt  }
.Lfunc_end0:
.L_simem_size_0:
called_computation_lowered:
.L_overlay_start_0:
0x88: {  	s2 =	sld [smem:$0x3FD9]  }
0x89: {  	s3 =	sld [smem:$0x3FFE];
	_ =	sdelay $0x1  }
0x8a: {  	s1 =	srdreg.scid  }
0x8b: {  	s0 =	sand.u32 $0x1, s1  }
0x8c: {  	s17 =	sshll.u32 s0, $0xA;
	s2 =	sadd.s32 s3, s2  }
0x8d: {  	s2 =	sadd.s32 s2, s17  }
0x8e: {  	[smem:$0x3FC5] =	sst s2  }
0x8f: {  	_ = 	snop  }
0x90: {  	s2 =	sld [smem:$0x3FD0];
	(tm) =	ssettm $0x1  }
0x91: {  	s18 =	sld [smem:$0x3FFB];
	_ =	sdelay $0x3  }
0x92: {  	_ =	strace s18  }
0x93: {  	s3 =	sld [smem:$0x3FFC];
	_ =	sdelay $0x3  }
0x94: {  	_ =	strace s3  }
0x95: {  	s3 =	sld [smem:$0x3FFD];
	_ =	sdelay $0x3  }
0x96: {  	_ =	strace s3  }
0x97: {  	_ =	strace $0x8FFFFFFF  }
0x98: {  	s19 =	sld [smem:$0x3FDB];
	_ =	sdelay $0x1  }
0x99: {  	s4 =	simm.s32 $_scs_section_size  }
0x9a: {  	s5 =	simm.s32 $_size__tile_overlayer_lowered;
	s6 =	simm.s32 $_tile_overlayer_lowered  }
0x9b: {  	s22 =	simm.s32 $0x1BFF;
	s21 =	sshll.u32 s6, $0x1;
	s3 =	sadd.s32 s4, s19  }
0x9c: {  	s7 =	simm.s32 $0x0;
	s20 =	sshll.u32 s5, $0x1;
	s5 =	sadd.s32 s21, s3  }
0x9d: {  	[timem:s7], [sflag:s22] =	dma.local [hbm:s5], s20  }
0x9e: {  	_ =	swait.ge [sflag:s22], s20  }
0x9f: {  	s4 =	ssub.s32 $0x0, s20;
	[sflag:s22] =	ssyncset.done $0x0  }
0xa0: {  	[sflag:s22] =	ssyncadd.s32 s4;
	_ =	sdelay $0x1  }
0xa1: {  	s23 =	simm.s32 $0x1B8B  }
0xa2: {  	_ =	swait.ge [sflag:s23], $0x1  }
0xa3: {  	[sflag:s23] =	ssyncset.done $0x0  }
0xa4: {  	s25 =	simm.s32 $0x1B8E;
	s24 =	sld [smem:$0x3FFE];
	[sflag:s23] =	ssyncadd.s32 $0xFFFFFFFF  }
0xa5: {  	s26 =	simm.s32 $execute0_lowered;
	[smem:$0x3FD2] =	sst s25  }
0xa6: {  	s5 =	sshll.u32 s26, $0x1;
	_ =	strace $0x80000046;
	[dreg:$0x1] =	wrdreg $0xFFFFFFFF  }
0xa7: {  	s28 =	simm.s32 $_size_execute0_lowered;
	s3 =	sadd.s32 s3, s5;
	[dreg:$0x0] =	wrdreg $0x0  }
0xa8: {  	s5 =	sshll.u32 s28, $0x1;
	[dreg:$0x2] =	wrdreg s3  }
0xa9: {  	[dreg:$0x3] =	wrdreg s5  }
0xaa: {  	[dreg:$0x4] =	wrdreg $0xC0  }
0xab: {  	_ =	task [dreg:s7], $0x5FFFF  }
0xac: {  	[dreg:$0x1] =	wrdreg $0xFFFFFFFF  }
0xad: {  	[dreg:$0x0] =	wrdreg $0x60  }
0xae: {  	[dreg:$0x2] =	wrdreg s2  }
0xaf: {  	[dreg:$0x3] =	wrdreg s24  }
0xb0: {  	[dreg:$0x4] =	wrdreg $0x9  }
0xb1: {  	_ =	task.clear_ibuf [dreg:s7], $0x5FFFF;
	_ =	strace $0x90000046  }
0xb2: {  	s29 =	simm.s32 $0x9;
	_ =	strace $0x80000048  }
0xb3: {  	_ =	swait.ge [sflag:s29], $0x1  }
0xb4: {  	[sflag:s29] =	ssyncadd.s32 $0xFFFFFFFF  }
0xb5: {  	_ =	strace $0x90000048  }
0xb6: {  	_ =	sfence  }
0xb7: {  	s30 =	sld [smem:$0x0];
	_ =	sdelay $0x2  }
0xb8: {  	s31 =	sshll.u32 s1, $0xD;
	s1 =	sshrl.u32 s1, $0x2  }
0xb9: {  	s3 =	sand.u32 $0x4000, s31;
	s1 =	sadd.s32 s1, s30  }
0xba: {  	s0 =	sor.u32 s3, s0;
	s1 =	sshll.u32 s1, $0x11  }
0xbb: {  	s0 =	sor.u32 s1, s0  }
0xbc: {  	s0 =	sadd.s32 $0x8F2B, s0  }
0xbd: {  	[sflag:s0] =	ssyncadd.remote.s32 $0x1  }
0xbe: {  	_ =	sfence.sel $0xFFFF  }
0xbf: {  	[dreg:$0x0] =	wrdreg $0xFFFFFFFF;
	(pc) =	sbr.abs _section_cstart, $3  }
0xc0: {  	[dreg:$0x1] =	wrdreg $0xFFFFFFFF  }
0xc1: {  	_ =	task.clear_ibuf [dreg:s7], $0x2FFFF;
	_ =	strace $0x9FFFFFFF  }
0xc2: {  	(tm) =	ssettm $0x7FFFFFFF  }
0xc3: {  	_ =	shalt  }
tec
execute0_lowered:
.L_overlay_start_1:
0x0: {  	(tag) =	ssettag $0x1  }
0x1: {  	s0 =	rddreg [dreg:$0x1];
	s2 =	simm.s32 $0x0;
	s1 =	srdreg.scid  }
0x2: {  	s6 =	stileid.u32;
	s10 =	simm.s32 $0x3;
	s11 =	simm.s32 $0x80  }
0x3: {  	s13 =	simm.s32 $0x6C00;
	s19 =	simm.s32 $0xD800;
	s20 =	simm.s32 $0x1A00  }
0x4: {  	s21 =	simm.s32 $0xDC00;
	s22 =	simm.s32 $0x1A80;
	s23 =	simm.s32 $0xE000  }
0x5: {  	s24 =	simm.s32 $0x1B00;
	s25 =	simm.s32 $0xE400;
	s28 =	simm.s32 $0xE800  }
0x6: {  	s29 =	simm.s32 $0x16C00;
	[smem:$0x7FF] =	sst s2;
	s1 =	sand.u32 $0x1, s1  }
0x7: {  	v0 =	vlaneseq.u32;
	s4 =	sadd.s32 $0x2000800, s0;
	s5 =	sadd.s32 $0x800, s0;
	s3 =	ssub.s32 $0x2, s1  }
0x8: {  	s30 =	sshll.u32 s6, $0x4;
	s6 =	sadd.s32 $0xA00, s0;
	v1 =	vand.u32 $0x1, v0;
	s26 =	sshrl.u32 s3, $0x1  }
0x9: {  	v2 =	vshrl.u32 v0, $0x1;
	_ =	strace $0x80000047;
	s1 =	sshll.u32 s1, $0x8;
	v1 =	vmul.u32 $0x4, v1;
	s3 =	ssub.s32 s3, s26  }
0xa: {  	[dreg:$0x3] =	wrdreg s5;
	v2 =	vmul.u32 $0x8, v2;
	s7 =	sor.u32 s30, s1;
	s31 =	smax.u32 s3, $0x1  }
0xb: {  	s1 =	simm.s32 $0x0;
	s26 =	simm.s32 $0x1B80;
	v3 =	vor.u32 $0x1, v1;
	v4 =	vor.u32 $0x2, v1;
	v5 =	vor.u32 $0x3, v1;
	[dreg:$0x4] =	wrdreg s31  }
.LBB2_1:
0xc: {  	[dreg:$0x5] =	wrdreg s1  }
0xd: {  	s0 =	rddreg [dreg:$0x3];
	s31 =	simm.s32 $0x800  }
0xe: {  	[tilespmem:s31], [sflag:$0x3] =	stream.linear.gather [hbm4b:s0+s2], $0x400, $0x38;
	[tilespmem:$0x18C00] =	vst v63  }
0xf: {  	_ =	swait.ge [sflag:s10], $0x400  }
0x10: {  	[sflag:s10] =	ssyncset.done $0x0  }
0x11: {  	s30 =	simm.s32 $0x0;
	[sflag:s10] =	ssyncadd.s32 $0xFFFFFC00  }
.LBB2_2:
0x12: {  	s0 =	simm.s32 $0x0  }
0x13: {  	v6 =	vmov s0  }
0x14: {  	s31 =	sadd.s32 s7, s30;
	v6 =	vshll.u32 v6, $0x3  }
0x15: {  	s3 =	rddreg [dreg:$0x0];
	s1 =	sshll.u32 s31, $0x7;
	v6 =	vor.u32 v2, v6  }
0x16: {  	s1 =	sadd.s32 s3, s1;
	v7 =	vor.u32 v1, v6  }
0x17: {  	[tilespmem:s0], [sflag:$0x3] =	stream.linear.gather [hbm4b:s1+s0], $0x400, $0x38;
	[tilespmem:$0x18C00] =	vst v63  }
0x18: {  	_ =	swait.ge [sflag:s10], $0x400  }
0x19: {  	[sflag:s10] =	ssyncset.done $0x0  }
0x1a: {  	[sflag:s10] =	ssyncadd.s32 $0xFFFFFC00  }
0x1b: {  	v7 =	vld.idx.msk [tilespmem:v7+s2+$0x0], $0xffff  }
0x1c: {  	v8 =	vor.u32 v3, v6;
	_ =	sdelay $0x2  }
0x1d: {  	s0 =	simm.s32 $0x600  }
0x1e: {  	[tilespmem:s0+$0xFFFFFE00] =	vst v7  }
0x1f: {  	v7 =	vld.idx.msk [tilespmem:v8+s2+$0x0], $0xffff  }
0x20: {  	v8 =	vor.u32 v4, v6;
	_ =	sdelay $0x3  }
0x21: {  	[tilespmem:s0+$0xFFFFFF00] =	vst v7  }
0x22: {  	v8 =	vld.idx.msk [tilespmem:v8+s2+$0x0], $0xffff  }
0x23: {  	v6 =	vor.u32 v5, v6;
	_ =	sdelay $0x2  }
0x24: {  	s18 =	simm.s32 $0x8  }
0x25: {  	s1 =	simm.s32 $0x10;
	v7 =	vmov s18;
	[tilespmem:s0+$0x0] =	vst v8  }
.LBB2_3:
0x26: {  	p0 =	sne.s32 s1, $0x78;
	v7 =	vshll.u32 v7, $0x3;
	v6 =	vld.idx.msk [tilespmem:v6+s2+$0x0], $0xffff  }
0x27: {  	v7 =	vor.u32 v2, v7  }
0x28: {  	v8 =	vor.u32 v1, v7;
	_ =	sdelay $0x3  }
0x29: {  	[tilespmem:s0+$0x100] =	vst v6  }
0x2a: {  	v6 =	vld.idx.msk [tilespmem:v8+s2+$0x0], $0xffff;
	_ =	sdelay $0x1  }
0x2b: {  	v8 =	vor.u32 v3, v7;
	_ =	sdelay $0x2  }
0x2c: {  	s0 =	sadd.s32 $0x10, s0  }
0x2d: {  	[tilespmem:s0+$0xFFFFFE00] =	vst v6  }
0x2e: {  	v6 =	vld.idx.msk [tilespmem:v8+s2+$0x0], $0xffff;
	_ =	sdelay $0x1  }
0x2f: {  	v8 =	vor.u32 v4, v7;
	_ =	sdelay $0x3  }
0x30: {  	[tilespmem:s0+$0xFFFFFF00] =	vst v6  }
0x31: {  	v8 =	vld.idx.msk [tilespmem:v8+s2+$0x0], $0xffff;
	_ =	sdelay $0x1  }
.Ltmp0:
0x32: {  	v6 =	vor.u32 v5, v7;
	(pc) =	sbr.rel @p0 .LBB2_3-.Ltmp0, $2  }
0x33: {  	_ =	sdelay $0x2  }
0x34: {  	v7 =	vmov s1;
	s1 =	sadd.s32 $0x8, s1;
	[tilespmem:s0+$0x0] =	vst v8  }
0x35: {  	_ =	sdelay $0x2  }
0x36: {  	v7 =	vshll.u32 v7, $0x3  }
0x37: {  	v6 =	vld.idx.msk [tilespmem:v6+s2+$0x0], $0xffff;
	v7 =	vor.u32 v2, v7  }
0x38: {  	v8 =	vor.u32 v1, v7;
	_ =	sdelay $0x3  }
0x39: {  	[tilespmem:s0+$0x100] =	vst v6  }
0x3a: {  	v6 =	vld.idx.msk [tilespmem:v8+s2+$0x0], $0xffff  }
0x3b: {  	v8 =	vor.u32 v3, v7;
	_ =	sdelay $0x2  }
0x3c: {  	s18 =	sadd.s32 $0x10, s0  }
0x3d: {  	[tilespmem:s18+$0xFFFFFE00] =	vst v6  }
0x3e: {  	v6 =	vld.idx.msk [tilespmem:v8+s2+$0x0], $0xffff  }
0x3f: {  	v8 =	vor.u32 v4, v7;
	_ =	sdelay $0x3  }
0x40: {  	[tilespmem:s18+$0xFFFFFF00] =	vst v6  }
0x41: {  	v6 =	vld.idx.msk [tilespmem:v8+s2+$0x0], $0xffff  }
0x42: {  	v7 =	vor.u32 v5, v7;
	_ =	sdelay $0x3  }
0x43: {  	[tilespmem:s18+$0x0] =	vst v6  }
0x44: {  	v6 =	vld.idx.msk [tilespmem:v7+s2+$0x0], $0xffff;
	_ =	sdelay $0x4  }
0x45: {  	[tilespmem:s18+$0x100] =	vst v6  }
0x46: {  	v7 =	vld [tilespmem:$0x800]  }
0x47: {  	v8 =	vld [tilespmem:$0x810]  }
0x48: {  	s0 =	simm.s32 $0x0;
	v6 =	vld [tilespmem:$0x820]  }
0x49: {  	v10 =	vld [tilespmem:s0+$0x400]  }
0x4a: {  	v9 =	vld [tilespmem:$0x830]  }
0x4b: {  	v12 =	vld [tilespmem:s0+$0x700]  }
0x4c: {  	v13 =	vld [tilespmem:s0+$0x600]  }
0x4d: {  	v11 =	vld [tilespmem:s0+$0x500];
	_ =	sdelay $0x2  }
0x4e: {  	v14 =	vmul.f32 v10, v7  }
0x4f: {  	v12 =	vmul.f32 v12, v9;
	v13 =	vmul.f32 v13, v6  }
0x50: {  	v10 =	vmul.f32 v11, v8;
	v11 =	vtrunc.f32 v14  }
0x51: {  	v16 =	vtrunc.f32 v12;
	v17 =	vtrunc.f32 v13  }
0x52: {  	v15 =	vcvt.f32.s32 v11;
	v11 =	vtrunc.f32 v10  }
0x53: {  	v16 =	vcvt.f32.s32 v16;
	v17 =	vcvt.f32.s32 v17  }
0x54: {  	v11 =	vcvt.f32.s32 v11;
	v19 =	vcvt.s32.f32 v15  }
0x55: {  	v20 =	vcvt.s32.f32 v16;
	v21 =	vcvt.s32.f32 v17  }
0x56: {  	v17 =	vmul.u32 $0x30025795, v17;
	v16 =	vmul.u32 $0xDB06C2F5, v16;
	v18 =	vcvt.s32.f32 v11  }
0x57: {  	v22 =	vmul.u32 $0x9E3779B1, v11;
	v14 =	vsub.f32 v14, v19;
	v11 =	vsub.f32 v13, v21  }
0x58: {  	v18 =	vsub.f32 v10, v18;
	v10 =	vsub.f32 v12, v20  }
0x59: {  	v23 =	vxor.u32 v17, v16;
	v33 =	vsub.f32 $1.000000000e+00, v14;
	v24 =	vsub.f32 $1.000000000e+00, v11  }
0x5a: {  	v13 =	vxor.u32 v15, v22;
	v63 =	vsub.f32 $1.000000000e+00, v18;
	v34 =	vsub.f32 $1.000000000e+00, v10  }
0x5b: {  	s1 =	simm.s32 $0x0;
	s3 =	simm.s32 $0x0;
	v25 =	vadd.s32 $0x1, v15;
	v26 =	vxor.u32 v13, v23  }
0x5c: {  	s1 =	sand.u32 $0x70, s1;
	s3 =	sand.u32 $0x80, s3;
	v27 =	vshrl.u32 v26, $0x2;
	v12 =	vmul.f32 v63, v33;
	v28 =	vmul.f32 v34, v24  }
0x5d: {  	s5 =	sor.u32 s1, s3;
	v29 =	vxor.u32 v25, v22;
	v26 =	vshll.u32 v26, $0x1;
	v27 =	vand.u32 $0x1FFFF, v27  }
0x5e: {  	v30 =	vxor.u32 v29, v23;
	v26 =	vand.u32 $0x6, v26;
	[tilespmem:s5+$0xC00] =	vst v27;
	v35 =	vmul.f32 v28, v12  }
0x5f: {  	v22 =	vadd.s32 $0x9E3779B1, v22;
	v31 =	vshrl.u32 v30, $0x2;
	v19 =	vmul.f32 v63, v14;
	[tilespmem:s0+$0x2C00] =	vst v26  }
0x60: {  	v15 =	vxor.u32 v15, v22;
	v36 =	vshll.u32 v30, $0x1;
	v37 =	vand.u32 $0x1FFFF, v31;
	[tilespmem:s0+$0x4C00] =	vst v35  }
0x61: {  	v38 =	vxor.u32 v15, v23;
	v26 =	vand.u32 $0x6, v36;
	v39 =	vmul.f32 v28, v19;
	[tilespmem:s5+$0xD00] =	vst v37  }
0x62: {  	v20 =	vmul.f32 v18, v33;
	v40 =	vshrl.u32 v38, $0x2;
	[tilespmem:s0+$0x2D00] =	vst v26  }
0x63: {  	v22 =	vxor.u32 v25, v22;
	v41 =	vshll.u32 v38, $0x1;
	v42 =	vand.u32 $0x1FFFF, v40;
	[tilespmem:s0+$0x4D00] =	vst v39  }
0x64: {  	v23 =	vxor.u32 v22, v23;
	v25 =	vand.u32 $0x6, v41;
	v43 =	vmul.f32 v28, v20;
	[tilespmem:s5+$0xE00] =	vst v42  }
0x65: {  	v30 =	vadd.s32 $0x30025795, v17;
	v44 =	vshrl.u32 v23, $0x2;
	v14 =	vmul.f32 v18, v14;
	[tilespmem:s0+$0x2E00] =	vst v25  }
0x66: {  	v45 =	vshll.u32 v23, $0x1;
	v46 =	vxor.u32 v16, v30;
	v47 =	vand.u32 $0x1FFFF, v44;
	[tilespmem:s0+$0x4E00] =	vst v43  }
0x67: {  	v48 =	vxor.u32 v13, v46;
	v18 =	vand.u32 $0x6, v45;
	v49 =	vmul.f32 v28, v14;
	[tilespmem:s5+$0xF00] =	vst v47  }
0x68: {  	v21 =	vmul.f32 v34, v11;
	v50 =	vshrl.u32 v48, $0x2;
	[tilespmem:s0+$0x2F00] =	vst v18  }
0x69: {  	v52 =	vshll.u32 v48, $0x1;
	v51 =	vand.u32 $0x1FFFF, v50;
	[tilespmem:s0+$0x4F00] =	vst v49  }
0x6a: {  	v53 =	vxor.u32 v29, v46;
	v54 =	vand.u32 $0x6, v52;
	v55 =	vmul.f32 v21, v12;
	[tilespmem:s5+$0x1000] =	vst v51  }
0x6b: {  	v56 =	vshrl.u32 v53, $0x2;
	[tilespmem:s0+$0x3000] =	vst v54  }
0x6c: {  	v57 =	vshll.u32 v53, $0x1;
	v58 =	vand.u32 $0x1FFFF, v56;
	[tilespmem:s0+$0x5000] =	vst v55  }
0x6d: {  	v59 =	vxor.u32 v15, v46;
	v60 =	vmul.f32 v21, v19;
	v18 =	vand.u32 $0x6, v57;
	[tilespmem:s5+$0x1100] =	vst v58  }
0x6e: {  	v61 =	vshrl.u32 v59, $0x2;
	[tilespmem:s0+$0x3100] =	vst v18  }
0x6f: {  	v62 =	vshll.u32 v59, $0x1;
	v63 =	vand.u32 $0x1FFFF, v61;
	[tilespmem:s0+$0x5100] =	vst v60  }
0x70: {  	v23 =	vxor.u32 v22, v46;
	v28 =	vmul.f32 v21, v20;
	v18 =	vand.u32 $0x6, v62;
	[tilespmem:s5+$0x1200] =	vst v63  }
0x71: {  	v16 =	vadd.s32 $0xDB06C2F5, v16;
	v31 =	vshrl.u32 v23, $0x2;
	[tilespmem:s0+$0x3200] =	vst v18  }
0x72: {  	v17 =	vxor.u32 v17, v16;
	v32 =	vshll.u32 v23, $0x1;
	v33 =	vand.u32 $0x1FFFF, v31;
	[tilespmem:s0+$0x5200] =	vst v28  }
0x73: {  	v34 =	vxor.u32 v13, v17;
	v21 =	vmul.f32 v21, v14;
	v18 =	vand.u32 $0x6, v32;
	[tilespmem:s5+$0x1300] =	vst v33  }
0x74: {  	v36 =	vshrl.u32 v34, $0x2;
	v35 =	vmul.f32 v10, v24;
	[tilespmem:s0+$0x3300] =	vst v18  }
0x75: {  	v37 =	vshll.u32 v34, $0x1;
	[tilespmem:s0+$0x5300] =	vst v21;
	v18 =	vand.u32 $0x1FFFF, v36  }
0x76: {  	v38 =	vmul.f32 v35, v12;
	v39 =	vxor.u32 v29, v17;
	v40 =	vand.u32 $0x6, v37;
	[tilespmem:s5+$0x1400] =	vst v18  }
0x77: {  	v41 =	vshrl.u32 v39, $0x2;
	[tilespmem:s0+$0x3400] =	vst v40  }
0x78: {  	v42 =	vshll.u32 v39, $0x1;
	v43 =	vand.u32 $0x1FFFF, v41;
	[tilespmem:s0+$0x5400] =	vst v38  }
0x79: {  	v45 =	vxor.u32 v15, v17;
	v44 =	vmul.f32 v35, v19;
	v18 =	vand.u32 $0x6, v42;
	[tilespmem:s5+$0x1500] =	vst v43  }
0x7a: {  	v46 =	vshrl.u32 v45, $0x2;
	[tilespmem:s0+$0x3500] =	vst v18  }
0x7b: {  	v47 =	vshll.u32 v45, $0x1;
	[tilespmem:s0+$0x5500] =	vst v44;
	v18 =	vand.u32 $0x1FFFF, v46  }
0x7c: {  	v17 =	vxor.u32 v22, v17;
	v48 =	vmul.f32 v35, v20;
	v49 =	vand.u32 $0x6, v47;
	[tilespmem:s5+$0x1600] =	vst v18  }
0x7d: {  	v50 =	vshrl.u32 v17, $0x2;
	[tilespmem:s0+$0x3600] =	vst v49  }
0x7e: {  	v16 =	vxor.u32 v30, v16;
	v17 =	vshll.u32 v17, $0x1;
	v51 =	vand.u32 $0x1FFFF, v50;
	[tilespmem:s0+$0x5600] =	vst v48  }
0x7f: {  	v13 =	vxor.u32 v13, v16;
	v52 =	vmul.f32 v35, v14;
	v17 =	vand.u32 $0x6, v17;
	[tilespmem:s5+$0x1700] =	vst v51  }
0x80: {  	v53 =	vshrl.u32 v13, $0x2;
	v10 =	vmul.f32 v10, v11;
	[tilespmem:s0+$0x3700] =	vst v17  }
0x81: {  	v11 =	vshll.u32 v13, $0x1;
	v54 =	vand.u32 $0x1FFFF, v53;
	[tilespmem:s0+$0x5700] =	vst v52  }
0x82: {  	v11 =	vand.u32 $0x6, v11;
	v12 =	vmul.f32 v10, v12;
	v55 =	vxor.u32 v29, v16;
	[tilespmem:s5+$0x1800] =	vst v54  }
0x83: {  	v56 =	vshrl.u32 v55, $0x2;
	[tilespmem:s0+$0x3800] =	vst v11  }
0x84: {  	v57 =	vand.u32 $0x1FFFF, v56;
	v11 =	vshll.u32 v55, $0x1;
	[tilespmem:s0+$0x5800] =	vst v12  }
0x85: {  	v59 =	vmul.f32 v10, v19;
	v58 =	vxor.u32 v15, v16;
	[tilespmem:s5+$0x1900] =	vst v57;
	v11 =	vand.u32 $0x6, v11  }
0x86: {  	v15 =	vshrl.u32 v58, $0x2;
	[tilespmem:s0+$0x3900] =	vst v11  }
0x87: {  	v60 =	vand.u32 $0x1FFFF, v15;
	v11 =	vshll.u32 v58, $0x1;
	[tilespmem:s0+$0x5900] =	vst v59  }
0x88: {  	v61 =	vxor.u32 v22, v16;
	v62 =	vmul.f32 v10, v20;
	[tilespmem:s5+$0x1A00] =	vst v60;
	v11 =	vand.u32 $0x6, v11  }
0x89: {  	v63 =	vshrl.u32 v61, $0x2;
	[tilespmem:s0+$0x3A00] =	vst v11  }
0x8a: {  	s8 =	simm.s32 $0x80;
	s9 =	simm.s32 $0x10;
	v13 =	vshll.u32 v61, $0x1;
	v12 =	vand.u32 $0x1FFFF, v63;
	[tilespmem:s0+$0x5A00] =	vst v62  }
0x8b: {  	s3 =	simm.s32 $0x40;
	s1 =	simm.s32 $0x10;
	v11 =	vmul.f32 v10, v14;
	v10 =	vand.u32 $0x6, v13;
	[tilespmem:s5+$0x1B00] =	vst v12;
	s5 =	simm.s32 $0x10  }
.LBB2_5:
0x8c: {  	p0 =	sne.s32 s8, $0x3C0  }
0x8d: {  	v12 =	vld [tilespmem:s1+$0x400];
	s9 =	sadd.s32 $0x10, s9;
	[tilespmem:s0+$0x5B00] =	vst v11;
	s12 =	smov.u32 s8;
	s8 =	sadd.s32 $0x40, s8  }
0x8e: {  	v11 =	vld [tilespmem:s1+$0x500];
	[tilespmem:s0+$0x3B00] =	vst v10;
	s0 =	smov.u32 s1  }
0x8f: {  	v10 =	vld [tilespmem:s0+$0x700];
	_ =	sdelay $0x2  }
0x90: {  	v13 =	vld [tilespmem:s0+$0x600];
	v12 =	vmul.f32 v12, v7  }
0x91: {  	v11 =	vmul.f32 v11, v8  }
0x92: {  	v10 =	vmul.f32 v10, v9;
	v14 =	vtrunc.f32 v12  }
0x93: {  	v14 =	vcvt.f32.s32 v14;
	v15 =	vtrunc.f32 v11  }
0x94: {  	v15 =	vcvt.f32.s32 v15;
	v16 =	vtrunc.f32 v10  }
0x95: {  	v13 =	vmul.f32 v13, v6;
	v16 =	vcvt.f32.s32 v16  }
0x96: {  	v18 =	vcvt.s32.f32 v14;
	v17 =	vcvt.s32.f32 v15;
	v19 =	vmul.u32 $0x9E3779B1, v15  }
0x97: {  	v15 =	vcvt.s32.f32 v16  }
0x98: {  	v20 =	vtrunc.f32 v13;
	v21 =	vsub.f32 v11, v17;
	v22 =	vadd.s32 $0x9E3779B1, v19  }
0x99: {  	v11 =	vcvt.f32.s32 v20;
	v17 =	vxor.u32 v14, v19;
	v10 =	vsub.f32 v10, v15  }
0x9a: {  	v20 =	vsub.f32 v12, v18;
	v15 =	vxor.u32 v14, v22;
	v23 =	vsub.f32 $1.000000000e+00, v21  }
0x9b: {  	v25 =	vmul.u32 $0xDB06C2F5, v16;
	v12 =	vcvt.s32.f32 v11;
	v24 =	vmul.u32 $0x30025795, v11  }
0x9c: {  	v14 =	vadd.s32 $0x1, v14;
	v16 =	vsub.f32 $1.000000000e+00, v20;
	v26 =	vsub.f32 $1.000000000e+00, v10  }
0x9d: {  	v19 =	vxor.u32 v14, v19;
	v11 =	vsub.f32 v13, v12;
	v27 =	vxor.u32 v24, v25  }
0x9e: {  	s1 =	sshra.s32 s12, $0x2;
	v18 =	vxor.u32 v14, v22;
	v12 =	vxor.u32 v17, v27;
	v13 =	vxor.u32 v19, v27  }
0x9f: {  	v22 =	vsub.f32 $1.000000000e+00, v11;
	v14 =	vshll.u32 v12, $0x1;
	v28 =	vshrl.u32 v13, $0x2  }
0xa0: {  	s14 =	sshrl.u32 s3, $0x2;
	s3 =	smov.u32 s12;
	v31 =	vxor.u32 v15, v27;
	v29 =	vshrl.u32 v12, $0x2;
	v30 =	vshll.u32 v13, $0x1  }
0xa1: {  	s12 =	sand.u32 $0x70, s5;
	s14 =	sand.u32 $0x80, s14;
	s5 =	smov.u32 s9;
	v12 =	vmul.f32 v23, v16;
	v29 =	vand.u32 $0x1FFFF, v29;
	v32 =	vmul.f32 v26, v22  }
0xa2: {  	s12 =	sor.u32 s12, s14;
	v13 =	vmul.f32 v21, v16;
	v33 =	vshrl.u32 v31, $0x2;
	v31 =	vshll.u32 v31, $0x1  }
0xa3: {  	v27 =	vxor.u32 v18, v27;
	v16 =	vand.u32 $0x6, v14;
	[tilespmem:s12+$0xC00] =	vst v29;
	v29 =	vmul.f32 v32, v12  }
0xa4: {  	v14 =	vmul.f32 v23, v20;
	v23 =	vshrl.u32 v27, $0x2;
	v27 =	vshll.u32 v27, $0x1;
	[tilespmem:s0+$0x2C00] =	vst v16  }
0xa5: {  	v34 =	vadd.s32 $0x30025795, v24;
	v16 =	vmul.f32 v21, v20;
	v20 =	vand.u32 $0x1FFFF, v28;
	[tilespmem:s0+$0x4C00] =	vst v29  }
0xa6: {  	v21 =	vxor.u32 v25, v34;
	v28 =	vmul.f32 v32, v14;
	[tilespmem:s12+$0xD00] =	vst v20;
	v20 =	vand.u32 $0x6, v30  }
0xa7: {  	v29 =	vxor.u32 v19, v21;
	v30 =	vxor.u32 v15, v21;
	[tilespmem:s0+$0x2D00] =	vst v20;
	v20 =	vxor.u32 v17, v21  }
0xa8: {  	v21 =	vxor.u32 v18, v21;
	[tilespmem:s0+$0x4D00] =	vst v28;
	v28 =	vand.u32 $0x1FFFF, v33;
	v33 =	vshrl.u32 v20, $0x2  }
0xa9: {  	v35 =	vshrl.u32 v29, $0x2;
	[tilespmem:s12+$0xE00] =	vst v28;
	v28 =	vand.u32 $0x6, v31;
	v31 =	vmul.f32 v32, v13  }
0xaa: {  	[tilespmem:s0+$0x2E00] =	vst v28;
	v28 =	vshll.u32 v29, $0x1;
	v29 =	vshrl.u32 v30, $0x2;
	v30 =	vshll.u32 v30, $0x1  }
0xab: {  	v23 =	vand.u32 $0x1FFFF, v23;
	[tilespmem:s0+$0x4E00] =	vst v31;
	v31 =	vshrl.u32 v21, $0x2;
	v21 =	vshll.u32 v21, $0x1  }
0xac: {  	v22 =	vmul.f32 v10, v22;
	[tilespmem:s12+$0xF00] =	vst v23;
	v23 =	vand.u32 $0x6, v27;
	v27 =	vmul.f32 v32, v16  }
0xad: {  	v26 =	vmul.f32 v26, v11;
	v25 =	vadd.s32 $0xDB06C2F5, v25;
	[tilespmem:s0+$0x2F00] =	vst v23  }
0xae: {  	v20 =	vshll.u32 v20, $0x1;
	v23 =	vand.u32 $0x1FFFF, v33;
	[tilespmem:s0+$0x4F00] =	vst v27;
	v27 =	vmul.f32 v22, v12  }
0xaf: {  	v20 =	vand.u32 $0x6, v20;
	v32 =	vmul.f32 v26, v13;
	[tilespmem:s12+$0x1000] =	vst v23;
	v23 =	vmul.f32 v26, v12  }
0xb0: {  	v24 =	vxor.u32 v24, v25;
	v33 =	vmul.f32 v22, v14;
	[tilespmem:s0+$0x3000] =	vst v20;
	v20 =	vmul.f32 v26, v16  }
0xb1: {  	v36 =	vxor.u32 v19, v24;
	[tilespmem:s0+$0x5000] =	vst v23;
	v23 =	vand.u32 $0x1FFFF, v35;
	v35 =	vxor.u32 v17, v24  }
0xb2: {  	v26 =	vmul.f32 v26, v14;
	[tilespmem:s12+$0x1100] =	vst v23;
	v23 =	vand.u32 $0x6, v28;
	v28 =	vxor.u32 v15, v24  }
0xb3: {  	v37 =	vshrl.u32 v36, $0x2;
	v36 =	vshll.u32 v36, $0x1;
	[tilespmem:s0+$0x3100] =	vst v23;
	v23 =	vshll.u32 v35, $0x1  }
0xb4: {  	v24 =	vxor.u32 v18, v24;
	[tilespmem:s0+$0x5100] =	vst v26;
	v26 =	vand.u32 $0x1FFFF, v29;
	v29 =	vshll.u32 v28, $0x1  }
0xb5: {  	v38 =	vshrl.u32 v24, $0x2;
	[tilespmem:s12+$0x1200] =	vst v26;
	v26 =	vand.u32 $0x6, v30;
	v30 =	vmul.f32 v22, v13  }
0xb6: {  	v25 =	vxor.u32 v34, v25;
	v24 =	vshll.u32 v24, $0x1;
	v22 =	vmul.f32 v22, v16;
	[tilespmem:s0+$0x3200] =	vst v26  }
0xb7: {  	v19 =	vxor.u32 v19, v25;
	v17 =	vxor.u32 v17, v25;
	v26 =	vand.u32 $0x1FFFF, v31;
	[tilespmem:s0+$0x5200] =	vst v32  }
0xb8: {  	v21 =	vand.u32 $0x6, v21;
	[tilespmem:s12+$0x1300] =	vst v26;
	v26 =	vshrl.u32 v17, $0x2;
	v17 =	vshll.u32 v17, $0x1  }
0xb9: {  	v18 =	vxor.u32 v18, v25;
	v31 =	vshrl.u32 v19, $0x2;
	[tilespmem:s0+$0x3300] =	vst v21;
	v21 =	vshrl.u32 v35, $0x2  }
0xba: {  	v19 =	vshll.u32 v19, $0x1;
	[tilespmem:s0+$0x5300] =	vst v20;
	v20 =	vand.u32 $0x1FFFF, v21;
	v21 =	vshrl.u32 v18, $0x2  }
0xbb: {  	v15 =	vxor.u32 v15, v25;
	v18 =	vshll.u32 v18, $0x1;
	[tilespmem:s12+$0x1400] =	vst v20;
	v20 =	vand.u32 $0x6, v23  }
0xbc: {  	[tilespmem:s0+$0x3400] =	vst v20;
	v20 =	vshrl.u32 v15, $0x2;
	v15 =	vshll.u32 v15, $0x1  }
0xbd: {  	v23 =	vand.u32 $0x1FFFF, v37;
	[tilespmem:s0+$0x5400] =	vst v27  }
0xbe: {  	[tilespmem:s12+$0x1500] =	vst v23;
	v23 =	vand.u32 $0x6, v36  }
0xbf: {  	[tilespmem:s0+$0x3500] =	vst v23;
	v23 =	vshrl.u32 v28, $0x2  }
0xc0: {  	[tilespmem:s0+$0x5500] =	vst v33;
	v23 =	vand.u32 $0x1FFFF, v23  }
0xc1: {  	[tilespmem:s12+$0x1600] =	vst v23;
	v23 =	vand.u32 $0x6, v29  }
0xc2: {  	[tilespmem:s0+$0x3600] =	vst v23  }
0xc3: {  	v23 =	vand.u32 $0x1FFFF, v38;
	[tilespmem:s0+$0x5600] =	vst v30  }
0xc4: {  	[tilespmem:s12+$0x1700] =	vst v23;
	v23 =	vand.u32 $0x6, v24  }
0xc5: {  	v10 =	vmul.f32 v10, v11;
	[tilespmem:s0+$0x3700] =	vst v23  }
0xc6: {  	v11 =	vand.u32 $0x1FFFF, v26;
	[tilespmem:s0+$0x5700] =	vst v22  }
0xc7: {  	v12 =	vmul.f32 v10, v12;
	v13 =	vmul.f32 v10, v13;
	[tilespmem:s12+$0x1800] =	vst v11;
	v11 =	vand.u32 $0x6, v17  }
0xc8: {  	[tilespmem:s0+$0x3800] =	vst v11  }
0xc9: {  	v11 =	vand.u32 $0x1FFFF, v31;
	[tilespmem:s0+$0x5800] =	vst v12  }
0xca: {  	v12 =	vmul.f32 v10, v14;
	v14 =	vand.u32 $0x1FFFF, v21;
	[tilespmem:s12+$0x1900] =	vst v11;
	v11 =	vand.u32 $0x6, v19  }
0xcb: {  	[tilespmem:s0+$0x3900] =	vst v11;
	v11 =	vmul.f32 v10, v16  }
.Ltmp1:
0xcc: {  	v10 =	vand.u32 $0x6, v18;
	[tilespmem:s0+$0x5900] =	vst v12;
	v12 =	vand.u32 $0x1FFFF, v20;
	(pc) =	sbr.rel @p0 .LBB2_5-.Ltmp1, $4  }
0xcd: {  	[tilespmem:s12+$0x1A00] =	vst v12;
	v12 =	vand.u32 $0x6, v15  }
0xce: {  	[tilespmem:s0+$0x3A00] =	vst v12  }
0xcf: {  	[tilespmem:s0+$0x5A00] =	vst v13  }
0xd0: {  	[tilespmem:s12+$0x1B00] =	vst v14  }
0xd1: {  	v12 =	vld [tilespmem:s1+$0x400];
	[tilespmem:s0+$0x5B00] =	vst v11  }
0xd2: {  	v11 =	vld [tilespmem:s1+$0x500];
	[tilespmem:s0+$0x3B00] =	vst v10  }
0xd3: {  	v10 =	vld [tilespmem:s1+$0x700]  }
0xd4: {  	v13 =	vld [tilespmem:s1+$0x600];
	_ =	sdelay $0x1  }
0xd5: {  	v7 =	vmul.f32 v12, v7  }
0xd6: {  	v8 =	vmul.f32 v11, v8  }
0xd7: {  	v30 =	vtrunc.f32 v7;
	v9 =	vmul.f32 v10, v9  }
0xd8: {  	v33 =	vmul.f32 v13, v6;
	v32 =	vtrunc.f32 v8  }
0xd9: {  	v31 =	vcvt.f32.s32 v30;
	v6 =	vcvt.f32.s32 v32  }
0xda: {  	v34 =	vtrunc.f32 v9;
	v13 =	vtrunc.f32 v33  }
0xdb: {  	v11 =	vcvt.f32.s32 v34;
	v13 =	vcvt.f32.s32 v13  }
0xdc: {  	v15 =	vcvt.s32.f32 v31;
	v14 =	vcvt.s32.f32 v6  }
0xdd: {  	v17 =	vmul.u32 $0x9E3779B1, v6;
	v16 =	vcvt.s32.f32 v11;
	v35 =	vcvt.s32.f32 v13  }
0xde: {  	v15 =	vsub.f32 v7, v15;
	v13 =	vmul.u32 $0x30025795, v13;
	v14 =	vsub.f32 v8, v14  }
0xdf: {  	v11 =	vmul.u32 $0xDB06C2F5, v11;
	v6 =	vsub.f32 v9, v16;
	v7 =	vsub.f32 v33, v35  }
0xe0: {  	v9 =	vxor.u32 v31, v17;
	v37 =	vsub.f32 $1.000000000e+00, v15;
	v36 =	vsub.f32 $1.000000000e+00, v14  }
0xe1: {  	v19 =	vxor.u32 v13, v11;
	v18 =	vsub.f32 $1.000000000e+00, v6;
	v20 =	vsub.f32 $1.000000000e+00, v7  }
0xe2: {  	s14 =	sshrl.u32 s3, $0x2;
	v21 =	vadd.s32 $0x1, v31;
	v22 =	vxor.u32 v9, v19  }
0xe3: {  	s15 =	sand.u32 $0x70, s5;
	s0 =	sand.u32 $0x80, s14;
	v23 =	vshrl.u32 v22, $0x2;
	v8 =	vmul.f32 v36, v37;
	v24 =	vmul.f32 v18, v20  }
0xe4: {  	s0 =	sor.u32 s15, s0;
	v25 =	vxor.u32 v21, v17;
	v22 =	vshll.u32 v22, $0x1;
	v23 =	vand.u32 $0x1FFFF, v23  }
0xe5: {  	v26 =	vxor.u32 v25, v19;
	v22 =	vand.u32 $0x6, v22;
	[tilespmem:s0+$0xC00] =	vst v23;
	v38 =	vmul.f32 v24, v8  }
0xe6: {  	v17 =	vadd.s32 $0x9E3779B1, v17;
	v27 =	vshrl.u32 v26, $0x2;
	v12 =	vmul.f32 v36, v15;
	[tilespmem:s1+$0x2C00] =	vst v22  }
0xe7: {  	v10 =	vxor.u32 v31, v17;
	v39 =	vshll.u32 v26, $0x1;
	v40 =	vand.u32 $0x1FFFF, v27;
	[tilespmem:s1+$0x4C00] =	vst v38  }
0xe8: {  	v41 =	vxor.u32 v10, v19;
	v22 =	vand.u32 $0x6, v39;
	v42 =	vmul.f32 v24, v12;
	[tilespmem:s0+$0xD00] =	vst v40  }
0xe9: {  	v16 =	vmul.f32 v14, v37;
	v43 =	vshrl.u32 v41, $0x2;
	[tilespmem:s1+$0x2D00] =	vst v22  }
0xea: {  	v17 =	vxor.u32 v21, v17;
	v44 =	vshll.u32 v41, $0x1;
	v45 =	vand.u32 $0x1FFFF, v43;
	[tilespmem:s1+$0x4D00] =	vst v42  }
0xeb: {  	v19 =	vxor.u32 v17, v19;
	v21 =	vand.u32 $0x6, v44;
	v46 =	vmul.f32 v24, v16;
	[tilespmem:s0+$0xE00] =	vst v45  }
0xec: {  	v26 =	vadd.s32 $0x30025795, v13;
	v14 =	vmul.f32 v14, v15;
	v47 =	vshrl.u32 v19, $0x2;
	[tilespmem:s1+$0x2E00] =	vst v21  }
0xed: {  	v48 =	vshll.u32 v19, $0x1;
	v49 =	vxor.u32 v11, v26;
	v50 =	vand.u32 $0x1FFFF, v47;
	[tilespmem:s1+$0x4E00] =	vst v46  }
0xee: {  	v51 =	vxor.u32 v9, v49;
	v15 =	vand.u32 $0x6, v48;
	v52 =	vmul.f32 v24, v14;
	[tilespmem:s0+$0xF00] =	vst v50  }
0xef: {  	v18 =	vmul.f32 v18, v7;
	v53 =	vshrl.u32 v51, $0x2;
	[tilespmem:s1+$0x2F00] =	vst v15  }
0xf0: {  	v55 =	vshll.u32 v51, $0x1;
	v54 =	vand.u32 $0x1FFFF, v53;
	[tilespmem:s1+$0x4F00] =	vst v52  }
0xf1: {  	v56 =	vxor.u32 v25, v49;
	v57 =	vand.u32 $0x6, v55;
	v58 =	vmul.f32 v18, v8;
	[tilespmem:s0+$0x1000] =	vst v54  }
0xf2: {  	v59 =	vshrl.u32 v56, $0x2;
	[tilespmem:s1+$0x3000] =	vst v57  }
0xf3: {  	v60 =	vshll.u32 v56, $0x1;
	v61 =	vand.u32 $0x1FFFF, v59;
	[tilespmem:s1+$0x5000] =	vst v58  }
0xf4: {  	v62 =	vxor.u32 v10, v49;
	v63 =	vmul.f32 v18, v12;
	v15 =	vand.u32 $0x6, v60;
	[tilespmem:s0+$0x1100] =	vst v61  }
0xf5: {  	v24 =	vshrl.u32 v62, $0x2;
	[tilespmem:s1+$0x3100] =	vst v15  }
0xf6: {  	v27 =	vshll.u32 v62, $0x1;
	v28 =	vand.u32 $0x1FFFF, v24;
	[tilespmem:s1+$0x5100] =	vst v63  }
0xf7: {  	v19 =	vxor.u32 v17, v49;
	v29 =	vmul.f32 v18, v16;
	v15 =	vand.u32 $0x6, v27;
	[tilespmem:s0+$0x1200] =	vst v28  }
0xf8: {  	v11 =	vadd.s32 $0xDB06C2F5, v11;
	v30 =	vshrl.u32 v19, $0x2;
	[tilespmem:s1+$0x3200] =	vst v15  }
0xf9: {  	v13 =	vxor.u32 v13, v11;
	v31 =	vshll.u32 v19, $0x1;
	v32 =	vand.u32 $0x1FFFF, v30;
	[tilespmem:s1+$0x5200] =	vst v29  }
0xfa: {  	v33 =	vxor.u32 v9, v13;
	v18 =	vmul.f32 v18, v14;
	v15 =	vand.u32 $0x6, v31;
	[tilespmem:s0+$0x1300] =	vst v32  }
0xfb: {  	v34 =	vmul.f32 v6, v20;
	v35 =	vshrl.u32 v33, $0x2;
	[tilespmem:s1+$0x3300] =	vst v15  }
0xfc: {  	v36 =	vshll.u32 v33, $0x1;
	[tilespmem:s1+$0x5300] =	vst v18;
	v15 =	vand.u32 $0x1FFFF, v35  }
0xfd: {  	v37 =	vmul.f32 v34, v8;
	v39 =	vand.u32 $0x6, v36;
	v38 =	vxor.u32 v25, v13;
	[tilespmem:s0+$0x1400] =	vst v15  }
0xfe: {  	v40 =	vshrl.u32 v38, $0x2;
	[tilespmem:s1+$0x3400] =	vst v39  }
0xff: {  	v41 =	vshll.u32 v38, $0x1;
	v42 =	vand.u32 $0x1FFFF, v40;
	[tilespmem:s1+$0x5400] =	vst v37  }
0x100: {  	v44 =	vxor.u32 v10, v13;
	v43 =	vmul.f32 v34, v12;
	v15 =	vand.u32 $0x6, v41;
	[tilespmem:s0+$0x1500] =	vst v42  }
0x101: {  	v45 =	vshrl.u32 v44, $0x2;
	[tilespmem:s1+$0x3500] =	vst v15  }
0x102: {  	v46 =	vshll.u32 v44, $0x1;
	[tilespmem:s1+$0x5500] =	vst v43;
	v15 =	vand.u32 $0x1FFFF, v45  }
0x103: {  	v47 =	vmul.f32 v34, v16;
	v13 =	vxor.u32 v17, v13;
	v48 =	vand.u32 $0x6, v46;
	[tilespmem:s0+$0x1600] =	vst v15  }
0x104: {  	v49 =	vshrl.u32 v13, $0x2;
	[tilespmem:s1+$0x3600] =	vst v48  }
0x105: {  	v11 =	vxor.u32 v26, v11;
	v13 =	vshll.u32 v13, $0x1;
	v50 =	vand.u32 $0x1FFFF, v49;
	[tilespmem:s1+$0x5600] =	vst v47  }
0x106: {  	v9 =	vxor.u32 v9, v11;
	v51 =	vmul.f32 v34, v14;
	v13 =	vand.u32 $0x6, v13;
	[tilespmem:s0+$0x1700] =	vst v50  }
0x107: {  	v6 =	vmul.f32 v6, v7;
	v52 =	vshrl.u32 v9, $0x2;
	[tilespmem:s1+$0x3700] =	vst v13  }
0x108: {  	v7 =	vshll.u32 v9, $0x1;
	v53 =	vand.u32 $0x1FFFF, v52;
	[tilespmem:s1+$0x5700] =	vst v51  }
0x109: {  	v8 =	vmul.f32 v6, v8;
	v7 =	vand.u32 $0x6, v7;
	v54 =	vxor.u32 v25, v11;
	[tilespmem:s0+$0x1800] =	vst v53  }
0x10a: {  	v55 =	vshrl.u32 v54, $0x2;
	[tilespmem:s1+$0x3800] =	vst v7  }
0x10b: {  	v56 =	vand.u32 $0x1FFFF, v55;
	v7 =	vshll.u32 v54, $0x1;
	[tilespmem:s1+$0x5800] =	vst v8  }
0x10c: {  	v57 =	vxor.u32 v10, v11;
	v58 =	vmul.f32 v6, v12;
	[tilespmem:s0+$0x1900] =	vst v56;
	v7 =	vand.u32 $0x6, v7  }
0x10d: {  	v10 =	vshrl.u32 v57, $0x2;
	[tilespmem:s1+$0x3900] =	vst v7  }
0x10e: {  	v59 =	vand.u32 $0x1FFFF, v10;
	v7 =	vshll.u32 v57, $0x1;
	[tilespmem:s1+$0x5900] =	vst v58  }
0x10f: {  	v60 =	vxor.u32 v17, v11;
	v61 =	vmul.f32 v6, v16;
	[tilespmem:s0+$0x1A00] =	vst v59;
	v7 =	vand.u32 $0x6, v7  }
0x110: {  	v62 =	vshrl.u32 v60, $0x2;
	[tilespmem:s1+$0x3A00] =	vst v7  }
0x111: {  	v6 =	vmul.f32 v6, v14;
	v7 =	vand.u32 $0x1FFFF, v62;
	[tilespmem:s1+$0x5A00] =	vst v61  }
0x112: {  	v63 =	vshll.u32 v60, $0x1;
	[tilespmem:s0+$0x1B00] =	vst v7  }
0x113: {  	v7 =	vand.u32 $0x6, v63;
	[tilespmem:s1+$0x5B00] =	vst v6  }
0x114: {  	s16 =	simm.s32 $0xC00;
	[tilespmem:s1+$0x3B00] =	vst v7  }
0x115: {  	[tilespmem:s13], [sflag:$0x1] =	stream.indirect.gather [hbm4b:s4+s11], $0x8, s16, s11, $0xb8;
	[tilespmem:$0x18C00] =	vst v63  }
0x116: {  	s17 =	simm.s32 $0xC80;
	s18 =	simm.s32 $0x7000  }
0x117: {  	[tilespmem:s18], [sflag:$0x1] =	stream.indirect.gather [hbm4b:s4+s11], $0x8, s17, s11, $0xb8;
	[tilespmem:$0x18C00] =	vst v63  }
0x118: {  	s3 =	simm.s32 $0xD00;
	s5 =	simm.s32 $0x7400  }
0x119: {  	[tilespmem:s5], [sflag:$0x1] =	stream.indirect.gather [hbm4b:s4+s11], $0x8, s3, s11, $0xb8;
	[tilespmem:$0x18C00] =	vst v63  }
0x11a: {  	s8 =	simm.s32 $0xD80;
	s9 =	simm.s32 $0x7800  }
0x11b: {  	[tilespmem:s9], [sflag:$0x1] =	stream.indirect.gather [hbm4b:s4+s11], $0x8, s8, s11, $0xb8;
	[tilespmem:$0x18C00] =	vst v63  }
0x11c: {  	s12 =	simm.s32 $0xE00;
	s14 =	simm.s32 $0x7C00  }
0x11d: {  	[tilespmem:s14], [sflag:$0x1] =	stream.indirect.gather [hbm4b:s4+s11], $0x8, s12, s11, $0xb8;
	[tilespmem:$0x18C00] =	vst v63  }
0x11e: {  	s15 =	simm.s32 $0xE80;
	s16 =	simm.s32 $0x8000  }
0x11f: {  	[tilespmem:s16], [sflag:$0x1] =	stream.indirect.gather [hbm4b:s4+s11], $0x8, s15, s11, $0xb8;
	[tilespmem:$0x18C00] =	vst v63  }
0x120: {  	s17 =	simm.s32 $0xF00;
	s18 =	simm.s32 $0x8400  }
0x121: {  	[tilespmem:s18], [sflag:$0x1] =	stream.indirect.gather [hbm4b:s4+s11], $0x8, s17, s11, $0xb8;
	[tilespmem:$0x18C00] =	vst v63  }
0x122: {  	s3 =	simm.s32 $0xF80;
	s5 =	simm.s32 $0x8800  }
0x123: {  	[tilespmem:s5], [sflag:$0x1] =	stream.indirect.gather [hbm4b:s4+s11], $0x8, s3, s11, $0xb8;
	[tilespmem:$0x18C00] =	vst v63  }
0x124: {  	s8 =	simm.s32 $0x1000;
	s9 =	simm.s32 $0x8C00  }
0x125: {  	[tilespmem:s9], [sflag:$0x1] =	stream.indirect.gather [hbm4b:s4+s11], $0x8, s8, s11, $0xb8;
	[tilespmem:$0x18C00] =	vst v63  }
0x126: {  	s12 =	simm.s32 $0x1080;
	s14 =	simm.s32 $0x9000  }
0x127: {  	[tilespmem:s14], [sflag:$0x1] =	stream.indirect.gather [hbm4b:s4+s11], $0x8, s12, s11, $0xb8;
	[tilespmem:$0x18C00] =	vst v63  }
0x128: {  	s15 =	simm.s32 $0x1100;
	s16 =	simm.s32 $0x9400  }
0x129: {  	[tilespmem:s16], [sflag:$0x1] =	stream.indirect.gather [hbm4b:s4+s11], $0x8, s15, s11, $0xb8;
	[tilespmem:$0x18C00] =	vst v63  }
0x12a: {  	s17 =	simm.s32 $0x1180;
	s18 =	simm.s32 $0x9800  }
0x12b: {  	[tilespmem:s18], [sflag:$0x1] =	stream.indirect.gather [hbm4b:s4+s11], $0x8, s17, s11, $0xb8;
	[tilespmem:$0x18C00] =	vst v63  }
0x12c: {  	s3 =	simm.s32 $0x1200;
	s5 =	simm.s32 $0x9C00  }
0x12d: {  	[tilespmem:s5], [sflag:$0x1] =	stream.indirect.gather [hbm4b:s4+s11], $0x8, s3, s11, $0xb8;
	[tilespmem:$0x18C00] =	vst v63  }
0x12e: {  	s8 =	simm.s32 $0x1280;
	s9 =	simm.s32 $0xA000  }
0x12f: {  	[tilespmem:s9], [sflag:$0x1] =	stream.indirect.gather [hbm4b:s4+s11], $0x8, s8, s11, $0xb8;
	[tilespmem:$0x18C00] =	vst v63  }
0x130: {  	s12 =	simm.s32 $0x1300;
	s14 =	simm.s32 $0xA400  }
0x131: {  	[tilespmem:s14], [sflag:$0x1] =	stream.indirect.gather [hbm4b:s4+s11], $0x8, s12, s11, $0xb8;
	[tilespmem:$0x18C00] =	vst v63  }
0x132: {  	s15 =	simm.s32 $0x1380;
	s16 =	simm.s32 $0xA800  }
0x133: {  	[tilespmem:s16], [sflag:$0x1] =	stream.indirect.gather [hbm4b:s4+s11], $0x8, s15, s11, $0xb8;
	[tilespmem:$0x18C00] =	vst v63  }
0x134: {  	s17 =	simm.s32 $0x1400;
	s18 =	simm.s32 $0xAC00  }
0x135: {  	[tilespmem:s18], [sflag:$0x1] =	stream.indirect.gather [hbm4b:s4+s11], $0x8, s17, s11, $0xb8;
	[tilespmem:$0x18C00] =	vst v63  }
0x136: {  	s3 =	simm.s32 $0x1480;
	s5 =	simm.s32 $0xB000  }
0x137: {  	[tilespmem:s5], [sflag:$0x1] =	stream.indirect.gather [hbm4b:s4+s11], $0x8, s3, s11, $0xb8;
	[tilespmem:$0x18C00] =	vst v63  }
0x138: {  	s8 =	simm.s32 $0x1500;
	s9 =	simm.s32 $0xB400  }
0x139: {  	[tilespmem:s9], [sflag:$0x1] =	stream.indirect.gather [hbm4b:s4+s11], $0x8, s8, s11, $0xb8;
	[tilespmem:$0x18C00] =	vst v63  }
0x13a: {  	s12 =	simm.s32 $0x1580;
	s14 =	simm.s32 $0xB800  }
0x13b: {  	[tilespmem:s14], [sflag:$0x1] =	stream.indirect.gather [hbm4b:s4+s11], $0x8, s12, s11, $0xb8;
	[tilespmem:$0x18C00] =	vst v63  }
0x13c: {  	s15 =	simm.s32 $0x1600;
	s16 =	simm.s32 $0xBC00  }
0x13d: {  	[tilespmem:s16], [sflag:$0x1] =	stream.indirect.gather [hbm4b:s4+s11], $0x8, s15, s11, $0xb8;
	[tilespmem:$0x18C00] =	vst v63  }
0x13e: {  	s17 =	simm.s32 $0x1680;
	s18 =	simm.s32 $0xC000  }
0x13f: {  	[tilespmem:s18], [sflag:$0x1] =	stream.indirect.gather [hbm4b:s4+s11], $0x8, s17, s11, $0xb8;
	[tilespmem:$0x18C00] =	vst v63  }
0x140: {  	s1 =	simm.s32 $0x1700;
	s3 =	simm.s32 $0xC400  }
0x141: {  	[tilespmem:s3], [sflag:$0x1] =	stream.indirect.gather [hbm4b:s4+s11], $0x8, s1, s11, $0xb8;
	[tilespmem:$0x18C00] =	vst v63  }
0x142: {  	s5 =	simm.s32 $0x1780;
	s8 =	simm.s32 $0xC800  }
0x143: {  	[tilespmem:s8], [sflag:$0x1] =	stream.indirect.gather [hbm4b:s4+s11], $0x8, s5, s11, $0xb8;
	[tilespmem:$0x18C00] =	vst v63  }
0x144: {  	s9 =	simm.s32 $0x1800;
	s12 =	simm.s32 $0xCC00  }
0x145: {  	[tilespmem:s12], [sflag:$0x1] =	stream.indirect.gather [hbm4b:s4+s11], $0x8, s9, s11, $0xb8;
	[tilespmem:$0x18C00] =	vst v63  }
0x146: {  	s14 =	simm.s32 $0x1880;
	s15 =	simm.s32 $0xD000  }
0x147: {  	[tilespmem:s15], [sflag:$0x1] =	stream.indirect.gather [hbm4b:s4+s11], $0x8, s14, s11, $0xb8;
	[tilespmem:$0x18C00] =	vst v63  }
0x148: {  	s16 =	simm.s32 $0x1900;
	s17 =	simm.s32 $0xD400  }
0x149: {  	[tilespmem:s17], [sflag:$0x1] =	stream.indirect.gather [hbm4b:s4+s11], $0x8, s16, s11, $0xb8;
	[tilespmem:$0x18C00] =	vst v63  }
0x14a: {  	s18 =	simm.s32 $0x1980  }
0x14b: {  	[tilespmem:s19], [sflag:$0x1] =	stream.indirect.gather [hbm4b:s4+s11], $0x8, s18, s11, $0xb8;
	[tilespmem:$0x18C00] =	vst v63  }
0x14c: {  	_ = 	snop  }
0x14d: {  	[tilespmem:s21], [sflag:$0x1] =	stream.indirect.gather [hbm4b:s4+s11], $0x8, s20, s11, $0xb8;
	[tilespmem:$0x18C00] =	vst v63  }
0x14e: {  	_ = 	snop  }
0x14f: {  	[tilespmem:s23], [sflag:$0x1] =	stream.indirect.gather [hbm4b:s4+s11], $0x8, s22, s11, $0xb8;
	[tilespmem:$0x18C00] =	vst v63  }
0x150: {  	p0 =	por $0x1, $0x1  }
0x151: {  	[tilespmem:s25], [sflag:$0x1] =	stream.indirect.gather [hbm4b:s4+s11], $0x8, s24, s11, $0xb8;
	[tilespmem:$0x18C00] =	vst v63  }
0x152: {  	p1 =	por $0x0, $0x0;
	s0 =	simm.s32 $0x16D00;
	s3 =	simm.s32 $0x0  }
0x153: {  	[tilespmem:s28], [sflag:$0x1] =	stream.indirect.gather [hbm4b:s4+s11], $0x8, s26, s11, $0xb8;
	[tilespmem:$0x18C00] =	vst v63  }
.LBB2_8:
0x154: {  	p2 =	seq.s32 s3, $0xF  }
.Ltmp2:
0x155: {  	_ = 	snop;
	(pc) =	sbr.rel @p2 .LBB2_12-.Ltmp2, $2  }
0x156: {  	_ =	sdelay $0x2  }
0x157: {  	s9 =	sand.u32 $0x1, s3;
	s3 =	sadd.s32 $0x1, s3  }
0x158: {  	s5 =	sshll.u32 s3, $0x6  }
0x159: {  	s12 =	sand.u32 $0x3FFFFFC0, s5  }
0x15a: {  	v9 =	vld [tilespmem:s12+$0x800]  }
0x15b: {  	v10 =	vld [tilespmem:s12+$0x810]  }
0x15c: {  	v11 =	vld [tilespmem:s12+$0x820]  }
0x15d: {  	v12 =	vld [tilespmem:s12+$0x830];
	s12 =	simm.s32 $0x0  }
0x15e: {  	v13 =	vld [tilespmem:s12+$0x400]  }
0x15f: {  	v15 =	vld [tilespmem:s12+$0x700]  }
0x160: {  	v16 =	vld [tilespmem:s12+$0x600]  }
0x161: {  	v14 =	vld [tilespmem:s12+$0x500];
	_ =	sdelay $0x2  }
0x162: {  	v13 =	vmul.f32 v13, v9  }
0x163: {  	v15 =	vmul.f32 v15, v12;
	v16 =	vmul.f32 v16, v11  }
0x164: {  	s1 =	simm.s32 $0x1;
	v14 =	vmul.f32 v14, v10;
	v17 =	vtrunc.f32 v13  }
0x165: {  	s1 =	simm.s32 @!p0 $0x0;
	v19 =	vtrunc.f32 v15;
	v20 =	vtrunc.f32 v16  }
0x166: {  	s14 =	sshll.u32 s3, $0x13;
	s1 =	sshll.u32 s1, $0xC;
	v18 =	vcvt.f32.s32 v17;
	v17 =	vtrunc.f32 v14  }
0x167: {  	v8 =	vmov s14;
	s15 =	sadd.s32 $0x5400, s1;
	s16 =	sadd.s32 $0x3400, s1;
	v19 =	vcvt.f32.s32 v19;
	v20 =	vcvt.f32.s32 v20  }
0x168: {  	v6 =	vmov s16;
	v7 =	vmov s15;
	v17 =	vcvt.f32.s32 v17  }
0x169: {  	v21 =	vcvt.s32.f32 v18;
	v25 =	vmul.u32 $0xDB06C2F5, v19;
	v26 =	vmul.u32 $0x30025795, v20  }
0x16a: {  	v22 =	vcvt.s32.f32 v17;
	v24 =	vmul.u32 $0x9E3779B1, v17;
	v17 =	vcvt.s32.f32 v19  }
0x16b: {  	v23 =	vadd.s32 $0x1, v18;
	v19 =	vsub.f32 v13, v21;
	v28 =	vxor.u32 v26, v25  }
0x16c: {  	v27 =	vsub.f32 v14, v22;
	v14 =	vcvt.s32.f32 v20;
	v13 =	vsub.f32 v15, v17  }
0x16d: {  	v21 =	vxor.u32 v18, v24;
	v17 =	vxor.u32 v23, v24;
	v24 =	vadd.s32 $0x9E3779B1, v24  }
0x16e: {  	v15 =	vxor.u32 v21, v28;
	v29 =	vsub.f32 $1.000000000e+00, v19;
	v14 =	vsub.f32 v16, v14  }
0x16f: {  	s8 =	sxor.u32 $0x1, s9;
	s14 =	simm.s32 $0x0;
	v33 =	vxor.u32 v17, v28;
	v22 =	vxor.u32 v18, v24;
	v16 =	vsub.f32 $1.000000000e+00, v27  }
0x170: {  	s5 =	sshll.u32 s8, $0xC;
	s17 =	sand.u32 $0x200, s14;
	v20 =	vand.u32 $0x7FFFC, v15;
	v31 =	vsub.f32 $1.000000000e+00, v13;
	v30 =	vsub.f32 $1.000000000e+00, v14  }
0x171: {  	s1 =	sor.u32 $0xC00, s5;
	s15 =	sshrl.u32 s17, $0x2;
	v32 =	vshll.u32 v15, $0x1;
	v35 =	vand.u32 $0x7FFFC, v33;
	v33 =	vshll.u32 v33, $0x1  }
0x172: {  	s18 =	sand.u32 $0x70, s14;
	s15 =	sadd.s32 s15, s1;
	v20 =	vor.u32 v8, v20;
	v15 =	vmul.f32 v16, v29;
	v34 =	vmul.f32 v31, v30  }
0x173: {  	s15 =	sadd.s32 s18, s15;
	v18 =	vand.u32 $0x6, v32;
	v20 =	vshrl.u32 v20, $0x2;
	v16 =	vmul.f32 v16, v19  }
0x174: {  	v19 =	vmul.f32 v27, v19;
	[tilespmem:s15+$0x0] =	vst v20;
	v20 =	vxor.u32 v23, v24;
	v48 =	vmul.f32 v34, v15  }
0x175: {  	v23 =	vadd.s32 $0x30025795, v26;
	v24 =	vor.u32 v8, v35;
	[tilespmem:v6+s12+$0xFFFFF800 ss:$0x1] =	vst.idx.msk $0xffff, v18;
	v18 =	vxor.u32 v22, v28  }
0x176: {  	v24 =	vshrl.u32 v24, $0x2;
	v28 =	vxor.u32 v20, v28;
	v54 =	vxor.u32 v25, v23;
	[tilespmem:v7+s12+$0xFFFFF800 ss:$0x1] =	vst.idx.msk $0xffff, v48  }
0x177: {  	v49 =	vand.u32 $0x7FFFC, v18;
	v50 =	vmul.f32 v34, v16;
	[tilespmem:s15+$0x100] =	vst v24;
	v24 =	vand.u32 $0x6, v33  }
0x178: {  	v51 =	vshll.u32 v18, $0x1;
	v18 =	vmul.f32 v27, v29;
	v32 =	vor.u32 v8, v49;
	[tilespmem:v6+s12+$0xFFFFF900 ss:$0x1] =	vst.idx.msk $0xffff, v24  }
0x179: {  	v29 =	vand.u32 $0x7FFFC, v28;
	v27 =	vmul.f32 v31, v14;
	v24 =	vshrl.u32 v32, $0x2;
	[tilespmem:v7+s12+$0xFFFFF900 ss:$0x1] =	vst.idx.msk $0xffff, v50  }
0x17a: {  	v31 =	vxor.u32 v17, v54;
	v52 =	vand.u32 $0x6, v51;
	v53 =	vmul.f32 v34, v18;
	[tilespmem:s15+$0x200] =	vst v24  }
0x17b: {  	v57 =	vxor.u32 v22, v54;
	v29 =	vor.u32 v8, v29;
	[tilespmem:v6+s12+$0xFFFFFA00 ss:$0x1] =	vst.idx.msk $0xffff, v52  }
0x17c: {  	v24 =	vshll.u32 v28, $0x1;
	v28 =	vshrl.u32 v29, $0x2;
	v29 =	vxor.u32 v21, v54;
	[tilespmem:v7+s12+$0xFFFFFA00 ss:$0x1] =	vst.idx.msk $0xffff, v53  }
0x17d: {  	v55 =	vmul.f32 v34, v19;
	v24 =	vand.u32 $0x6, v24;
	v56 =	vand.u32 $0x7FFFC, v29;
	[tilespmem:s15+$0x300] =	vst v28  }
0x17e: {  	v35 =	vxor.u32 v20, v54;
	[tilespmem:v6+s12+$0xFFFFFB00 ss:$0x1] =	vst.idx.msk $0xffff, v24;
	v24 =	vor.u32 v8, v56  }
0x17f: {  	v58 =	vand.u32 $0x7FFFC, v57;
	v29 =	vshll.u32 v29, $0x1;
	[tilespmem:v7+s12+$0xFFFFFB00 ss:$0x1] =	vst.idx.msk $0xffff, v55;
	v24 =	vshrl.u32 v24, $0x2  }
0x180: {  	v28 =	vand.u32 $0x7FFFC, v31;
	[tilespmem:s15+$0x400] =	vst v24;
	v24 =	vand.u32 $0x6, v29;
	v29 =	vmul.f32 v27, v15  }
0x181: {  	v37 =	vand.u32 $0x7FFFC, v35;
	v59 =	vmul.f32 v27, v16;
	v28 =	vor.u32 v8, v28;
	[tilespmem:v6+s12+$0xFFFFFC00 ss:$0x1] =	vst.idx.msk $0xffff, v24  }
0x182: {  	v34 =	vshll.u32 v57, $0x1;
	v31 =	vshll.u32 v31, $0x1;
	v28 =	vshrl.u32 v28, $0x2;
	[tilespmem:v7+s12+$0xFFFFFC00 ss:$0x1] =	vst.idx.msk $0xffff, v29  }
0x183: {  	v36 =	vmul.f32 v27, v18;
	v31 =	vand.u32 $0x6, v31;
	v24 =	vmul.f32 v13, v30;
	[tilespmem:s15+$0x500] =	vst v28  }
0x184: {  	v32 =	vor.u32 v8, v58;
	v29 =	vmul.f32 v27, v19;
	v27 =	vadd.s32 $0xDB06C2F5, v25;
	[tilespmem:v6+s12+$0xFFFFFD00 ss:$0x1] =	vst.idx.msk $0xffff, v31  }
0x185: {  	v28 =	vmul.f32 v24, v15;
	v25 =	vmul.f32 v24, v18;
	v31 =	vshrl.u32 v32, $0x2;
	[tilespmem:v7+s12+$0xFFFFFD00 ss:$0x1] =	vst.idx.msk $0xffff, v59  }
0x186: {  	v30 =	vxor.u32 v26, v27;
	v26 =	vmul.f32 v24, v16;
	[tilespmem:s15+$0x600] =	vst v31;
	v31 =	vand.u32 $0x6, v34  }
0x187: {  	v60 =	vshll.u32 v35, $0x1;
	v61 =	vxor.u32 v21, v30;
	[tilespmem:v6+s12+$0xFFFFFE00 ss:$0x1] =	vst.idx.msk $0xffff, v31;
	v31 =	vor.u32 v8, v37  }
0x188: {  	v35 =	vxor.u32 v17, v30;
	v62 =	vand.u32 $0x7FFFC, v61;
	[tilespmem:v7+s12+$0xFFFFFE00 ss:$0x1] =	vst.idx.msk $0xffff, v36;
	v31 =	vshrl.u32 v31, $0x2  }
0x189: {  	v33 =	vshll.u32 v61, $0x1;
	v63 =	vor.u32 v8, v62;
	[tilespmem:s15+$0x700] =	vst v31;
	v31 =	vand.u32 $0x6, v60  }
0x18a: {  	s16 =	simm.s32 $0x40;
	v32 =	vshll.u32 v35, $0x1;
	v34 =	vshrl.u32 v63, $0x2;
	[tilespmem:v6+s12+$0xFFFFFF00 ss:$0x1] =	vst.idx.msk $0xffff, v31;
	v31 =	vxor.u32 v22, v30  }
.LBB2_10:
0x18b: {  	p2 =	seq.s32 s16, $0x3C0  }
0x18c: {  	v23 =	vxor.u32 v23, v27;
	[tilespmem:v7+s12+$0xFFFFFF00 ss:$0x1] =	vst.idx.msk $0xffff, v29;
	v27 =	vand.u32 $0x7FFFC, v35;
	v29 =	vxor.u32 v20, v30;
	s14 =	sadd.s32 $0x10, s14;
	s17 =	smov.u32 s16;
	s16 =	sadd.s32 $0x40, s16  }
0x18d: {  	v30 =	vand.u32 $0x6, v33;
	[tilespmem:s15+$0x800] =	vst v34;
	v33 =	vand.u32 $0x7FFFC, v29;
	v21 =	vxor.u32 v21, v23  }
0x18e: {  	v27 =	vor.u32 v8, v27;
	[tilespmem:v6+s12+$0x0 ss:$0x1] =	vst.idx.msk $0xffff, v30;
	v30 =	vor.u32 v8, v33;
	v33 =	vand.u32 $0x7FFFC, v21  }
0x18f: {  	v27 =	vshrl.u32 v27, $0x2;
	v21 =	vshll.u32 v21, $0x1;
	[tilespmem:v7+s12+$0x0 ss:$0x1] =	vst.idx.msk $0xffff, v28;
	v28 =	vor.u32 v8, v33  }
0x190: {  	v17 =	vxor.u32 v17, v23;
	[tilespmem:s15+$0x900] =	vst v27;
	v27 =	vand.u32 $0x6, v32;
	v32 =	vand.u32 $0x7FFFC, v31  }
0x191: {  	s18 =	sshra.s32 s17, $0x2;
	[tilespmem:v6+s12+$0x100 ss:$0x1] =	vst.idx.msk $0xffff, v27;
	v27 =	vor.u32 v8, v32;
	v32 =	vand.u32 $0x7FFFC, v17;
	v17 =	vshll.u32 v17, $0x1  }
0x192: {  	[tilespmem:v7+s12+$0x100 ss:$0x1] =	vst.idx.msk $0xffff, v26;
	v26 =	vshrl.u32 v27, $0x2;
	v27 =	vshll.u32 v31, $0x1;
	v31 =	vor.u32 v8, v32  }
0x193: {  	v24 =	vmul.f32 v24, v19;
	v22 =	vxor.u32 v22, v23;
	[tilespmem:s15+$0xA00] =	vst v26;
	v26 =	vand.u32 $0x6, v27  }
0x194: {  	v20 =	vxor.u32 v20, v23;
	[tilespmem:v6+s12+$0x200 ss:$0x1] =	vst.idx.msk $0xffff, v26;
	v26 =	vand.u32 $0x7FFFC, v22  }
0x195: {  	v23 =	vshrl.u32 v30, $0x2;
	[tilespmem:v7+s12+$0x200 ss:$0x1] =	vst.idx.msk $0xffff, v25;
	v25 =	vshll.u32 v29, $0x1;
	v26 =	vor.u32 v8, v26  }
0x196: {  	[tilespmem:s15+$0xB00] =	vst v23;
	v23 =	vand.u32 $0x6, v25;
	v25 =	vand.u32 $0x7FFFC, v20;
	v20 =	vshll.u32 v20, $0x1  }
0x197: {  	v13 =	vmul.f32 v13, v14;
	[tilespmem:v6+s12+$0x300 ss:$0x1] =	vst.idx.msk $0xffff, v23;
	v14 =	vor.u32 v8, v25  }
0x198: {  	v23 =	vshrl.u32 v28, $0x2;
	[tilespmem:v7+s12+$0x300 ss:$0x1] =	vst.idx.msk $0xffff, v24  }
0x199: {  	v15 =	vmul.f32 v13, v15;
	v16 =	vmul.f32 v13, v16;
	v21 =	vand.u32 $0x6, v21;
	[tilespmem:s15+$0xC00] =	vst v23  }
0x19a: {  	[tilespmem:v6+s12+$0x400 ss:$0x1] =	vst.idx.msk $0xffff, v21  }
0x19b: {  	[tilespmem:v7+s12+$0x400 ss:$0x1] =	vst.idx.msk $0xffff, v15;
	v15 =	vshrl.u32 v31, $0x2  }
0x19c: {  	[tilespmem:s15+$0xD00] =	vst v15;
	v15 =	vand.u32 $0x6, v17  }
0x19d: {  	[tilespmem:v6+s12+$0x500 ss:$0x1] =	vst.idx.msk $0xffff, v15  }
0x19e: {  	v15 =	vshrl.u32 v26, $0x2;
	[tilespmem:v7+s12+$0x500 ss:$0x1] =	vst.idx.msk $0xffff, v16;
	v16 =	vshll.u32 v22, $0x1  }
0x19f: {  	[tilespmem:s15+$0xE00] =	vst v15;
	v15 =	vand.u32 $0x6, v16;
	v16 =	vmul.f32 v13, v18  }
0x1a0: {  	[tilespmem:v6+s12+$0x600 ss:$0x1] =	vst.idx.msk $0xffff, v15  }
0x1a1: {  	v14 =	vshrl.u32 v14, $0x2;
	[tilespmem:v7+s12+$0x600 ss:$0x1] =	vst.idx.msk $0xffff, v16  }
0x1a2: {  	v13 =	vmul.f32 v13, v19;
	[tilespmem:s15+$0xF00] =	vst v14;
	v14 =	vand.u32 $0x6, v20  }
0x1a3: {  	[tilespmem:v6+s12+$0x700 ss:$0x1] =	vst.idx.msk $0xffff, v14  }
0x1a4: {  	[tilespmem:v7+s12+$0x700 ss:$0x1] =	vst.idx.msk $0xffff, v13;
	s12 =	smov.u32 s18  }
0x1a5: {  	v13 =	vld [tilespmem:s12+$0x400]  }
0x1a6: {  	v14 =	vld [tilespmem:s12+$0x700]  }
0x1a7: {  	v15 =	vld [tilespmem:s12+$0x500]  }
0x1a8: {  	v16 =	vld [tilespmem:s12+$0x600];
	_ =	sdelay $0x1  }
0x1a9: {  	v13 =	vmul.f32 v13, v9  }
0x1aa: {  	v14 =	vmul.f32 v14, v12  }
0x1ab: {  	v15 =	vmul.f32 v15, v10;
	v17 =	vtrunc.f32 v13  }
0x1ac: {  	v18 =	vcvt.f32.s32 v17;
	v17 =	vtrunc.f32 v14  }
0x1ad: {  	v16 =	vmul.f32 v16, v11;
	v19 =	vtrunc.f32 v15  }
0x1ae: {  	v17 =	vcvt.f32.s32 v17;
	v19 =	vcvt.f32.s32 v19  }
0x1af: {  	v20 =	vtrunc.f32 v16;
	v21 =	vcvt.s32.f32 v18;
	v24 =	vadd.s32 $0x1, v18  }
0x1b0: {  	v20 =	vcvt.f32.s32 v20;
	v22 =	vcvt.s32.f32 v19;
	v19 =	vmul.u32 $0x9E3779B1, v19  }
0x1b1: {  	v26 =	vmul.u32 $0xDB06C2F5, v17;
	v25 =	vsub.f32 v13, v21;
	v13 =	vcvt.s32.f32 v17  }
0x1b2: {  	v30 =	vmul.u32 $0x30025795, v20;
	v27 =	vsub.f32 v15, v22;
	v15 =	vcvt.s32.f32 v20  }
0x1b3: {  	v13 =	vsub.f32 v14, v13;
	v21 =	vxor.u32 v18, v19;
	v17 =	vxor.u32 v24, v19  }
0x1b4: {  	v23 =	vadd.s32 $0x30025795, v30;
	v28 =	vxor.u32 v30, v26;
	v14 =	vsub.f32 v16, v15  }
0x1b5: {  	v29 =	vsub.f32 $1.000000000e+00, v25;
	v16 =	vsub.f32 $1.000000000e+00, v27;
	v15 =	vxor.u32 v21, v28  }
0x1b6: {  	s15 =	sand.u32 $0x200, s17;
	v32 =	vsub.f32 $1.000000000e+00, v13;
	v20 =	vand.u32 $0x7FFFC, v15;
	v31 =	vsub.f32 $1.000000000e+00, v14  }
0x1b7: {  	s15 =	sshrl.u32 s15, $0x2;
	v34 =	vxor.u32 v17, v28;
	v33 =	vshll.u32 v15, $0x1;
	v20 =	vor.u32 v8, v20  }
0x1b8: {  	s17 =	sand.u32 $0x70, s14;
	s15 =	sadd.s32 s15, s1;
	v15 =	vmul.f32 v16, v29;
	v20 =	vshrl.u32 v20, $0x2;
	v35 =	vmul.f32 v32, v31  }
0x1b9: {  	s15 =	sadd.s32 s17, s15;
	v19 =	vadd.s32 $0x9E3779B1, v19;
	v36 =	vand.u32 $0x7FFFC, v34;
	v16 =	vmul.f32 v16, v25  }
0x1ba: {  	v22 =	vxor.u32 v18, v19;
	v18 =	vand.u32 $0x6, v33;
	[tilespmem:s15+$0x0] =	vst v20;
	v33 =	vmul.f32 v35, v15  }
0x1bb: {  	v20 =	vxor.u32 v24, v19;
	v19 =	vshll.u32 v34, $0x1;
	[tilespmem:v6+s12+$0xFFFFF800 ss:$0x1] =	vst.idx.msk $0xffff, v18;
	v18 =	vxor.u32 v22, v28  }
0x1bc: {  	v24 =	vor.u32 v8, v36;
	[tilespmem:v7+s12+$0xFFFFF800 ss:$0x1] =	vst.idx.msk $0xffff, v33;
	v33 =	vand.u32 $0x7FFFC, v18;
	v34 =	vshll.u32 v18, $0x1  }
0x1bd: {  	v36 =	vmul.f32 v35, v16;
	v24 =	vshrl.u32 v24, $0x2;
	v33 =	vor.u32 v8, v33  }
0x1be: {  	v19 =	vand.u32 $0x6, v19;
	v18 =	vmul.f32 v27, v29;
	[tilespmem:s15+$0x100] =	vst v24;
	v24 =	vxor.u32 v20, v28  }
0x1bf: {  	v28 =	vshrl.u32 v33, $0x2;
	[tilespmem:v6+s12+$0xFFFFF900 ss:$0x1] =	vst.idx.msk $0xffff, v19;
	v19 =	vand.u32 $0x7FFFC, v24;
	v24 =	vshll.u32 v24, $0x1  }
0x1c0: {  	v29 =	vand.u32 $0x6, v34;
	v33 =	vmul.f32 v35, v18;
	[tilespmem:v7+s12+$0xFFFFF900 ss:$0x1] =	vst.idx.msk $0xffff, v36;
	v34 =	vor.u32 v8, v19  }
0x1c1: {  	v36 =	vxor.u32 v26, v23;
	v19 =	vmul.f32 v27, v25;
	v25 =	vmul.f32 v32, v14;
	[tilespmem:s15+$0x200] =	vst v28  }
0x1c2: {  	v27 =	vshrl.u32 v34, $0x2;
	v28 =	vxor.u32 v21, v36;
	[tilespmem:v6+s12+$0xFFFFFA00 ss:$0x1] =	vst.idx.msk $0xffff, v29;
	v29 =	vxor.u32 v17, v36  }
0x1c3: {  	v24 =	vand.u32 $0x6, v24;
	v32 =	vmul.f32 v35, v19;
	[tilespmem:v7+s12+$0xFFFFFA00 ss:$0x1] =	vst.idx.msk $0xffff, v33;
	v33 =	vand.u32 $0x7FFFC, v28  }
0x1c4: {  	v34 =	vxor.u32 v22, v36;
	[tilespmem:s15+$0x300] =	vst v27;
	v27 =	vand.u32 $0x7FFFC, v29;
	v29 =	vshll.u32 v29, $0x1  }
0x1c5: {  	[tilespmem:v6+s12+$0xFFFFFB00 ss:$0x1] =	vst.idx.msk $0xffff, v24;
	v24 =	vor.u32 v8, v33;
	v27 =	vor.u32 v8, v27;
	v33 =	vand.u32 $0x7FFFC, v34  }
0x1c6: {  	v28 =	vshll.u32 v28, $0x1;
	[tilespmem:v7+s12+$0xFFFFFB00 ss:$0x1] =	vst.idx.msk $0xffff, v32;
	v24 =	vshrl.u32 v24, $0x2;
	v32 =	vor.u32 v8, v33  }
0x1c7: {  	v33 =	vmul.f32 v25, v16;
	[tilespmem:s15+$0x400] =	vst v24;
	v24 =	vand.u32 $0x6, v28;
	v28 =	vmul.f32 v25, v15  }
0x1c8: {  	v35 =	vxor.u32 v20, v36;
	v34 =	vshll.u32 v34, $0x1;
	v27 =	vshrl.u32 v27, $0x2;
	[tilespmem:v6+s12+$0xFFFFFC00 ss:$0x1] =	vst.idx.msk $0xffff, v24  }
0x1c9: {  	v36 =	vmul.f32 v25, v18;
	v37 =	vshll.u32 v35, $0x1;
	[tilespmem:v7+s12+$0xFFFFFC00 ss:$0x1] =	vst.idx.msk $0xffff, v28;
	v28 =	vand.u32 $0x6, v29  }
0x1ca: {  	v24 =	vmul.f32 v13, v31;
	v31 =	vand.u32 $0x7FFFC, v35;
	v29 =	vmul.f32 v25, v19;
	[tilespmem:s15+$0x500] =	vst v27  }
0x1cb: {  	v27 =	vadd.s32 $0xDB06C2F5, v26;
	v26 =	vshrl.u32 v32, $0x2;
	[tilespmem:v6+s12+$0xFFFFFD00 ss:$0x1] =	vst.idx.msk $0xffff, v28  }
0x1cc: {  	v25 =	vmul.f32 v24, v18;
	v28 =	vmul.f32 v24, v15;
	[tilespmem:v7+s12+$0xFFFFFD00 ss:$0x1] =	vst.idx.msk $0xffff, v33  }
.Ltmp3:
0x1cd: {  	v32 =	vand.u32 $0x6, v34;
	v30 =	vxor.u32 v30, v27;
	[tilespmem:s15+$0x600] =	vst v26;
	v26 =	vmul.f32 v24, v16;
	(pc) =	sbr.rel @!p2 .LBB2_10-.Ltmp3, $4  }
0x1ce: {  	v31 =	vor.u32 v8, v31;
	[tilespmem:v6+s12+$0xFFFFFE00 ss:$0x1] =	vst.idx.msk $0xffff, v32;
	v32 =	vxor.u32 v21, v30  }
0x1cf: {  	v31 =	vshrl.u32 v31, $0x2;
	[tilespmem:v7+s12+$0xFFFFFE00 ss:$0x1] =	vst.idx.msk $0xffff, v36;
	v34 =	vand.u32 $0x7FFFC, v32;
	v33 =	vshll.u32 v32, $0x1  }
0x1d0: {  	v35 =	vxor.u32 v17, v30;
	[tilespmem:s15+$0x700] =	vst v31;
	v31 =	vand.u32 $0x6, v37;
	v32 =	vor.u32 v8, v34  }
0x1d1: {  	[tilespmem:v6+s12+$0xFFFFFF00 ss:$0x1] =	vst.idx.msk $0xffff, v31;
	v34 =	vshrl.u32 v32, $0x2;
	v32 =	vshll.u32 v35, $0x1;
	v31 =	vxor.u32 v22, v30  }
0x1d2: {  	_ =	sdelay $0x3  }
0x1d3: {  	[tilespmem:v7+s12+$0xFFFFFF00 ss:$0x1] =	vst.idx.msk $0xffff, v29  }
0x1d4: {  	v9 =	vand.u32 $0x7FFFC, v35;
	v10 =	vand.u32 $0x6, v33;
	[tilespmem:s15+$0x800] =	vst v34  }
0x1d5: {  	v9 =	vor.u32 v8, v9;
	[tilespmem:v6+s12+$0x0 ss:$0x1] =	vst.idx.msk $0xffff, v10  }
0x1d6: {  	v9 =	vshrl.u32 v9, $0x2;
	[tilespmem:v7+s12+$0x0 ss:$0x1] =	vst.idx.msk $0xffff, v28  }
0x1d7: {  	v39 =	vand.u32 $0x6, v32;
	v40 =	vand.u32 $0x7FFFC, v31;
	[tilespmem:s15+$0x900] =	vst v9  }
0x1d8: {  	v41 =	vor.u32 v8, v40;
	[tilespmem:v6+s12+$0x100 ss:$0x1] =	vst.idx.msk $0xffff, v39  }
0x1d9: {  	v42 =	vxor.u32 v20, v30;
	v11 =	vshll.u32 v31, $0x1;
	v9 =	vshrl.u32 v41, $0x2;
	[tilespmem:v7+s12+$0x100 ss:$0x1] =	vst.idx.msk $0xffff, v26  }
0x1da: {  	v12 =	vand.u32 $0x7FFFC, v42;
	v43 =	vand.u32 $0x6, v11;
	[tilespmem:s15+$0xA00] =	vst v9  }
0x1db: {  	v44 =	vxor.u32 v23, v27;
	v12 =	vor.u32 v8, v12;
	[tilespmem:v6+s12+$0x200 ss:$0x1] =	vst.idx.msk $0xffff, v43  }
0x1dc: {  	v45 =	vxor.u32 v21, v44;
	v10 =	vshll.u32 v42, $0x1;
	v12 =	vshrl.u32 v12, $0x2;
	[tilespmem:v7+s12+$0x200 ss:$0x1] =	vst.idx.msk $0xffff, v25  }
0x1dd: {  	v46 =	vmul.f32 v24, v19;
	v21 =	vand.u32 $0x7FFFC, v45;
	v10 =	vand.u32 $0x6, v10;
	[tilespmem:s15+$0xB00] =	vst v12  }
0x1de: {  	v13 =	vmul.f32 v13, v14;
	v47 =	vor.u32 v8, v21;
	[tilespmem:v6+s12+$0x300 ss:$0x1] =	vst.idx.msk $0xffff, v10  }
0x1df: {  	v48 =	vxor.u32 v17, v44;
	v9 =	vshll.u32 v45, $0x1;
	v12 =	vshrl.u32 v47, $0x2;
	[tilespmem:v7+s12+$0x300 ss:$0x1] =	vst.idx.msk $0xffff, v46  }
0x1e0: {  	v49 =	vand.u32 $0x7FFFC, v48;
	v50 =	vmul.f32 v13, v15;
	v9 =	vand.u32 $0x6, v9;
	[tilespmem:s15+$0xC00] =	vst v12  }
0x1e1: {  	v14 =	vor.u32 v8, v49;
	[tilespmem:v6+s12+$0x400 ss:$0x1] =	vst.idx.msk $0xffff, v9  }
0x1e2: {  	v52 =	vxor.u32 v22, v44;
	v51 =	vshll.u32 v48, $0x1;
	v53 =	vshrl.u32 v14, $0x2;
	[tilespmem:v7+s12+$0x400 ss:$0x1] =	vst.idx.msk $0xffff, v50  }
0x1e3: {  	v54 =	vand.u32 $0x7FFFC, v52;
	v55 =	vmul.f32 v13, v16;
	v9 =	vand.u32 $0x6, v51;
	[tilespmem:s15+$0xD00] =	vst v53  }
0x1e4: {  	v56 =	vor.u32 v8, v54;
	[tilespmem:v6+s12+$0x500 ss:$0x1] =	vst.idx.msk $0xffff, v9  }
0x1e5: {  	v57 =	vxor.u32 v20, v44;
	v58 =	vshrl.u32 v56, $0x2;
	v10 =	vshll.u32 v52, $0x1;
	[tilespmem:v7+s12+$0x500 ss:$0x1] =	vst.idx.msk $0xffff, v55  }
0x1e6: {  	v59 =	vand.u32 $0x7FFFC, v57;
	v60 =	vmul.f32 v13, v18;
	v10 =	vand.u32 $0x6, v10;
	[tilespmem:s15+$0xE00] =	vst v58  }
0x1e7: {  	v61 =	vor.u32 v8, v59;
	[tilespmem:v6+s12+$0x600 ss:$0x1] =	vst.idx.msk $0xffff, v10  }
0x1e8: {  	v8 =	vshrl.u32 v61, $0x2;
	v9 =	vshll.u32 v57, $0x1;
	[tilespmem:v7+s12+$0x600 ss:$0x1] =	vst.idx.msk $0xffff, v60  }
0x1e9: {  	v63 =	vmul.f32 v13, v19;
	v62 =	vand.u32 $0x6, v9;
	[tilespmem:s15+$0xF00] =	vst v8  }
0x1ea: {  	[tilespmem:v6+s12+$0x700 ss:$0x1] =	vst.idx.msk $0xffff, v62  }
0x1eb: {  	[tilespmem:v7+s12+$0x700 ss:$0x1] =	vst.idx.msk $0xffff, v63;
	s12 =	sshll.u32 s8, $0xF  }
0x1ec: {  	s8 =	sadd.s32 $0x1, s8;
	s14 =	sor.u32 $0x6C00, s12  }
0x1ed: {  	[tilespmem:s14], [sflag:s8] =	stream.indirect.gather [hbm4b:s4+s11], $0x8, s1, s11, $0xb8;
	[tilespmem:$0x18C00] =	vst v63  }
0x1ee: {  	s18 =	sor.u32 $0xC80, s5;
	s17 =	sor.u32 $0x7000, s12  }
0x1ef: {  	[tilespmem:s17], [sflag:s8] =	stream.indirect.gather [hbm4b:s4+s11], $0x8, s18, s11, $0xb8;
	[tilespmem:$0x18C00] =	vst v63  }
0x1f0: {  	s16 =	sor.u32 $0xD00, s5;
	s15 =	sor.u32 $0x7400, s12  }
0x1f1: {  	[tilespmem:s15], [sflag:s8] =	stream.indirect.gather [hbm4b:s4+s11], $0x8, s16, s11, $0xb8;
	[tilespmem:$0x18C00] =	vst v63  }
0x1f2: {  	s17 =	sor.u32 $0x7800, s12;
	s18 =	sor.u32 $0xD80, s5  }
0x1f3: {  	[tilespmem:s17], [sflag:s8] =	stream.indirect.gather [hbm4b:s4+s11], $0x8, s18, s11, $0xb8;
	[tilespmem:$0x18C00] =	vst v63  }
0x1f4: {  	s15 =	sor.u32 $0x7C00, s12;
	s16 =	sor.u32 $0xE00, s5  }
0x1f5: {  	[tilespmem:s15], [sflag:s8] =	stream.indirect.gather [hbm4b:s4+s11], $0x8, s16, s11, $0xb8;
	[tilespmem:$0x18C00] =	vst v63  }
0x1f6: {  	s17 =	sadd.s32 $0x8000, s12;
	s18 =	sor.u32 $0xE80, s5  }
0x1f7: {  	[tilespmem:s17], [sflag:s8] =	stream.indirect.gather [hbm4b:s4+s11], $0x8, s18, s11, $0xb8;
	[tilespmem:$0x18C00] =	vst v63  }
0x1f8: {  	s15 =	sadd.s32 $0x8400, s12;
	s16 =	sor.u32 $0xF00, s5  }
0x1f9: {  	[tilespmem:s15], [sflag:s8] =	stream.indirect.gather [hbm4b:s4+s11], $0x8, s16, s11, $0xb8;
	[tilespmem:$0x18C00] =	vst v63  }
0x1fa: {  	s17 =	sadd.s32 $0x8800, s12;
	s18 =	sor.u32 $0xF80, s5  }
0x1fb: {  	[tilespmem:s17], [sflag:s8] =	stream.indirect.gather [hbm4b:s4+s11], $0x8, s18, s11, $0xb8;
	[tilespmem:$0x18C00] =	vst v63  }
0x1fc: {  	s15 =	sadd.s32 $0x8C00, s12;
	s16 =	sadd.s32 $0x1000, s5  }
0x1fd: {  	[tilespmem:s15], [sflag:s8] =	stream.indirect.gather [hbm4b:s4+s11], $0x8, s16, s11, $0xb8;
	[tilespmem:$0x18C00] =	vst v63  }
0x1fe: {  	s17 =	sadd.s32 $0x9000, s12;
	s18 =	sadd.s32 $0x1080, s5  }
0x1ff: {  	[tilespmem:s17], [sflag:s8] =	stream.indirect.gather [hbm4b:s4+s11], $0x8, s18, s11, $0xb8;
	[tilespmem:$0x18C00] =	vst v63  }
0x200: {  	s15 =	sadd.s32 $0x9400, s12;
	s16 =	sadd.s32 $0x1100, s5  }
0x201: {  	[tilespmem:s15], [sflag:s8] =	stream.indirect.gather [hbm4b:s4+s11], $0x8, s16, s11, $0xb8;
	[tilespmem:$0x18C00] =	vst v63  }
0x202: {  	s17 =	sadd.s32 $0x9800, s12;
	s18 =	sadd.s32 $0x1180, s5  }
0x203: {  	[tilespmem:s17], [sflag:s8] =	stream.indirect.gather [hbm4b:s4+s11], $0x8, s18, s11, $0xb8;
	[tilespmem:$0x18C00] =	vst v63  }
0x204: {  	s15 =	sadd.s32 $0x9C00, s12;
	s16 =	sadd.s32 $0x1200, s5  }
0x205: {  	[tilespmem:s15], [sflag:s8] =	stream.indirect.gather [hbm4b:s4+s11], $0x8, s16, s11, $0xb8;
	[tilespmem:$0x18C00] =	vst v63  }
0x206: {  	s17 =	sadd.s32 $0xA000, s12;
	s18 =	sadd.s32 $0x1280, s5  }
0x207: {  	[tilespmem:s17], [sflag:s8] =	stream.indirect.gather [hbm4b:s4+s11], $0x8, s18, s11, $0xb8;
	[tilespmem:$0x18C00] =	vst v63  }
0x208: {  	s15 =	sadd.s32 $0xA400, s12;
	s16 =	sadd.s32 $0x1300, s5  }
0x209: {  	[tilespmem:s15], [sflag:s8] =	stream.indirect.gather [hbm4b:s4+s11], $0x8, s16, s11, $0xb8;
	[tilespmem:$0x18C00] =	vst v63  }
0x20a: {  	s17 =	sadd.s32 $0xA800, s12;
	s18 =	sadd.s32 $0x1380, s5  }
0x20b: {  	[tilespmem:s17], [sflag:s8] =	stream.indirect.gather [hbm4b:s4+s11], $0x8, s18, s11, $0xb8;
	[tilespmem:$0x18C00] =	vst v63  }
0x20c: {  	s15 =	sadd.s32 $0xAC00, s12;
	s16 =	sadd.s32 $0x1400, s5  }
0x20d: {  	[tilespmem:s15], [sflag:s8] =	stream.indirect.gather [hbm4b:s4+s11], $0x8, s16, s11, $0xb8;
	[tilespmem:$0x18C00] =	vst v63  }
0x20e: {  	s17 =	sadd.s32 $0xB000, s12;
	s18 =	sadd.s32 $0x1480, s5  }
0x20f: {  	[tilespmem:s17], [sflag:s8] =	stream.indirect.gather [hbm4b:s4+s11], $0x8, s18, s11, $0xb8;
	[tilespmem:$0x18C00] =	vst v63  }
0x210: {  	s15 =	sadd.s32 $0xB400, s12;
	s16 =	sadd.s32 $0x1500, s5  }
0x211: {  	[tilespmem:s15], [sflag:s8] =	stream.indirect.gather [hbm4b:s4+s11], $0x8, s16, s11, $0xb8;
	[tilespmem:$0x18C00] =	vst v63  }
0x212: {  	s17 =	sadd.s32 $0xB800, s12;
	s18 =	sadd.s32 $0x1580, s5  }
0x213: {  	[tilespmem:s17], [sflag:s8] =	stream.indirect.gather [hbm4b:s4+s11], $0x8, s18, s11, $0xb8;
	[tilespmem:$0x18C00] =	vst v63  }
0x214: {  	s15 =	sadd.s32 $0xBC00, s12;
	s16 =	sadd.s32 $0x1600, s5  }
0x215: {  	[tilespmem:s15], [sflag:s8] =	stream.indirect.gather [hbm4b:s4+s11], $0x8, s16, s11, $0xb8;
	[tilespmem:$0x18C00] =	vst v63  }
0x216: {  	s17 =	sadd.s32 $0xC000, s12;
	s18 =	sadd.s32 $0x1680, s5  }
0x217: {  	[tilespmem:s17], [sflag:s8] =	stream.indirect.gather [hbm4b:s4+s11], $0x8, s18, s11, $0xb8;
	[tilespmem:$0x18C00] =	vst v63  }
0x218: {  	s15 =	sadd.s32 $0xC400, s12;
	s16 =	sadd.s32 $0x1700, s5  }
0x219: {  	[tilespmem:s15], [sflag:s8] =	stream.indirect.gather [hbm4b:s4+s11], $0x8, s16, s11, $0xb8;
	[tilespmem:$0x18C00] =	vst v63  }
0x21a: {  	s17 =	sadd.s32 $0xC800, s12;
	s18 =	sadd.s32 $0x1780, s5  }
0x21b: {  	[tilespmem:s17], [sflag:s8] =	stream.indirect.gather [hbm4b:s4+s11], $0x8, s18, s11, $0xb8;
	[tilespmem:$0x18C00] =	vst v63  }
0x21c: {  	s15 =	sadd.s32 $0xCC00, s12;
	s16 =	sadd.s32 $0x1800, s5  }
0x21d: {  	[tilespmem:s15], [sflag:s8] =	stream.indirect.gather [hbm4b:s4+s11], $0x8, s16, s11, $0xb8;
	[tilespmem:$0x18C00] =	vst v63  }
0x21e: {  	s17 =	sadd.s32 $0xD000, s12;
	s18 =	sadd.s32 $0x1880, s5  }
0x21f: {  	[tilespmem:s17], [sflag:s8] =	stream.indirect.gather [hbm4b:s4+s11], $0x8, s18, s11, $0xb8;
	[tilespmem:$0x18C00] =	vst v63  }
0x220: {  	s15 =	sadd.s32 $0xD400, s12;
	s16 =	sadd.s32 $0x1900, s5  }
0x221: {  	[tilespmem:s15], [sflag:s8] =	stream.indirect.gather [hbm4b:s4+s11], $0x8, s16, s11, $0xb8;
	[tilespmem:$0x18C00] =	vst v63  }
0x222: {  	s17 =	sadd.s32 $0xD800, s12;
	s18 =	sadd.s32 $0x1980, s5  }
0x223: {  	[tilespmem:s17], [sflag:s8] =	stream.indirect.gather [hbm4b:s4+s11], $0x8, s18, s11, $0xb8;
	[tilespmem:$0x18C00] =	vst v63  }
0x224: {  	s15 =	sadd.s32 $0xDC00, s12;
	s16 =	sadd.s32 $0x1A00, s5  }
0x225: {  	[tilespmem:s15], [sflag:s8] =	stream.indirect.gather [hbm4b:s4+s11], $0x8, s16, s11, $0xb8;
	[tilespmem:$0x18C00] =	vst v63  }
0x226: {  	s17 =	sadd.s32 $0xE000, s12;
	s18 =	sadd.s32 $0x1A80, s5  }
0x227: {  	[tilespmem:s17], [sflag:s8] =	stream.indirect.gather [hbm4b:s4+s11], $0x8, s18, s11, $0xb8;
	[tilespmem:$0x18C00] =	vst v63  }
0x228: {  	s15 =	sadd.s32 $0xE400, s12;
	s16 =	sadd.s32 $0x1B00, s5  }
0x229: {  	[tilespmem:s15], [sflag:s8] =	stream.indirect.gather [hbm4b:s4+s11], $0x8, s16, s11, $0xb8;
	[tilespmem:$0x18C00] =	vst v63  }
0x22a: {  	s17 =	sadd.s32 $0xE800, s12;
	s18 =	sadd.s32 $0x1B80, s5  }
0x22b: {  	[tilespmem:s17], [sflag:s8] =	stream.indirect.gather [hbm4b:s4+s11], $0x8, s18, s11, $0xb8;
	[tilespmem:$0x18C00] =	vst v63  }
.LBB2_12:
0x22c: {  	s8 =	sadd.s32 $0x1, s9  }
0x22d: {  	_ =	swait.ge [sflag:s8], $0x400  }
0x22e: {  	[sflag:s8] =	ssyncset.done $0x0  }
0x22f: {  	[sflag:s8] =	ssyncadd.s32 $0xFFFFFC00  }
0x230: {  	_ =	swait.ge [sflag:s8], $0x400  }
0x231: {  	[sflag:s8] =	ssyncset.done $0x0  }
0x232: {  	[sflag:s8] =	ssyncadd.s32 $0xFFFFFC00  }
0x233: {  	_ =	swait.ge [sflag:s8], $0x400  }
0x234: {  	[sflag:s8] =	ssyncset.done $0x0  }
0x235: {  	[sflag:s8] =	ssyncadd.s32 $0xFFFFFC00  }
0x236: {  	_ =	swait.ge [sflag:s8], $0x400  }
0x237: {  	[sflag:s8] =	ssyncset.done $0x0  }
0x238: {  	[sflag:s8] =	ssyncadd.s32 $0xFFFFFC00  }
0x239: {  	_ =	swait.ge [sflag:s8], $0x400  }
0x23a: {  	[sflag:s8] =	ssyncset.done $0x0  }
0x23b: {  	[sflag:s8] =	ssyncadd.s32 $0xFFFFFC00  }
0x23c: {  	_ =	swait.ge [sflag:s8], $0x400  }
0x23d: {  	[sflag:s8] =	ssyncset.done $0x0  }
0x23e: {  	[sflag:s8] =	ssyncadd.s32 $0xFFFFFC00  }
0x23f: {  	_ =	swait.ge [sflag:s8], $0x400  }
0x240: {  	[sflag:s8] =	ssyncset.done $0x0  }
0x241: {  	[sflag:s8] =	ssyncadd.s32 $0xFFFFFC00  }
0x242: {  	_ =	swait.ge [sflag:s8], $0x400  }
0x243: {  	[sflag:s8] =	ssyncset.done $0x0  }
0x244: {  	[sflag:s8] =	ssyncadd.s32 $0xFFFFFC00  }
0x245: {  	_ =	swait.ge [sflag:s8], $0x400  }
0x246: {  	[sflag:s8] =	ssyncset.done $0x0  }
0x247: {  	[sflag:s8] =	ssyncadd.s32 $0xFFFFFC00  }
0x248: {  	_ =	swait.ge [sflag:s8], $0x400  }
0x249: {  	[sflag:s8] =	ssyncset.done $0x0  }
0x24a: {  	[sflag:s8] =	ssyncadd.s32 $0xFFFFFC00  }
0x24b: {  	_ =	swait.ge [sflag:s8], $0x400  }
0x24c: {  	[sflag:s8] =	ssyncset.done $0x0  }
0x24d: {  	[sflag:s8] =	ssyncadd.s32 $0xFFFFFC00  }
0x24e: {  	_ =	swait.ge [sflag:s8], $0x400  }
0x24f: {  	[sflag:s8] =	ssyncset.done $0x0  }
0x250: {  	[sflag:s8] =	ssyncadd.s32 $0xFFFFFC00  }
0x251: {  	_ =	swait.ge [sflag:s8], $0x400  }
0x252: {  	[sflag:s8] =	ssyncset.done $0x0  }
0x253: {  	[sflag:s8] =	ssyncadd.s32 $0xFFFFFC00  }
0x254: {  	_ =	swait.ge [sflag:s8], $0x400  }
0x255: {  	[sflag:s8] =	ssyncset.done $0x0  }
0x256: {  	[sflag:s8] =	ssyncadd.s32 $0xFFFFFC00  }
0x257: {  	_ =	swait.ge [sflag:s8], $0x400  }
0x258: {  	[sflag:s8] =	ssyncset.done $0x0  }
0x259: {  	[sflag:s8] =	ssyncadd.s32 $0xFFFFFC00  }
0x25a: {  	_ =	swait.ge [sflag:s8], $0x400  }
0x25b: {  	[sflag:s8] =	ssyncset.done $0x0  }
0x25c: {  	[sflag:s8] =	ssyncadd.s32 $0xFFFFFC00  }
0x25d: {  	_ =	swait.ge [sflag:s8], $0x400  }
0x25e: {  	[sflag:s8] =	ssyncset.done $0x0  }
0x25f: {  	[sflag:s8] =	ssyncadd.s32 $0xFFFFFC00  }
0x260: {  	_ =	swait.ge [sflag:s8], $0x400  }
0x261: {  	[sflag:s8] =	ssyncset.done $0x0  }
0x262: {  	[sflag:s8] =	ssyncadd.s32 $0xFFFFFC00  }
0x263: {  	_ =	swait.ge [sflag:s8], $0x400  }
0x264: {  	[sflag:s8] =	ssyncset.done $0x0  }
0x265: {  	[sflag:s8] =	ssyncadd.s32 $0xFFFFFC00  }
0x266: {  	_ =	swait.ge [sflag:s8], $0x400  }
0x267: {  	[sflag:s8] =	ssyncset.done $0x0  }
0x268: {  	[sflag:s8] =	ssyncadd.s32 $0xFFFFFC00  }
0x269: {  	_ =	swait.ge [sflag:s8], $0x400  }
0x26a: {  	[sflag:s8] =	ssyncset.done $0x0  }
0x26b: {  	[sflag:s8] =	ssyncadd.s32 $0xFFFFFC00  }
0x26c: {  	_ =	swait.ge [sflag:s8], $0x400  }
0x26d: {  	[sflag:s8] =	ssyncset.done $0x0  }
0x26e: {  	[sflag:s8] =	ssyncadd.s32 $0xFFFFFC00  }
0x26f: {  	_ =	swait.ge [sflag:s8], $0x400  }
0x270: {  	[sflag:s8] =	ssyncset.done $0x0  }
0x271: {  	[sflag:s8] =	ssyncadd.s32 $0xFFFFFC00  }
0x272: {  	_ =	swait.ge [sflag:s8], $0x400  }
0x273: {  	[sflag:s8] =	ssyncset.done $0x0  }
0x274: {  	[sflag:s8] =	ssyncadd.s32 $0xFFFFFC00  }
0x275: {  	_ =	swait.ge [sflag:s8], $0x400  }
0x276: {  	[sflag:s8] =	ssyncset.done $0x0  }
0x277: {  	[sflag:s8] =	ssyncadd.s32 $0xFFFFFC00  }
0x278: {  	_ =	swait.ge [sflag:s8], $0x400  }
0x279: {  	[sflag:s8] =	ssyncset.done $0x0  }
0x27a: {  	[sflag:s8] =	ssyncadd.s32 $0xFFFFFC00  }
0x27b: {  	_ =	swait.ge [sflag:s8], $0x400  }
0x27c: {  	[sflag:s8] =	ssyncset.done $0x0  }
0x27d: {  	[sflag:s8] =	ssyncadd.s32 $0xFFFFFC00  }
0x27e: {  	_ =	swait.ge [sflag:s8], $0x400  }
0x27f: {  	[sflag:s8] =	ssyncset.done $0x0  }
0x280: {  	[sflag:s8] =	ssyncadd.s32 $0xFFFFFC00  }
0x281: {  	_ =	swait.ge [sflag:s8], $0x400  }
0x282: {  	[sflag:s8] =	ssyncset.done $0x0  }
0x283: {  	[sflag:s8] =	ssyncadd.s32 $0xFFFFFC00  }
0x284: {  	_ =	swait.ge [sflag:s8], $0x400  }
0x285: {  	[sflag:s8] =	ssyncset.done $0x0  }
0x286: {  	s1 =	sshll.u32 s9, $0xF;
	[sflag:s8] =	ssyncadd.s32 $0xFFFFFC00  }
0x287: {  	v6 =	vmov s1;
	_ =	swait.ge [sflag:s8], $0x400  }
0x288: {  	s1 =	simm.s32 $0x1;
	v7 =	vor.u32 $0x800, v6;
	v8 =	vor.u32 $0x1000, v6;
	v9 =	vor.u32 $0x1800, v6;
	[sflag:s8] =	ssyncset.done $0x0  }
0x289: {  	s1 =	simm.s32 @!p1 $0x0;
	v10 =	vor.u32 $0x2000, v6;
	v11 =	vor.u32 $0x2800, v6;
	v12 =	vor.u32 $0x3000, v6;
	[sflag:s8] =	ssyncadd.s32 $0xFFFFFC00  }
0x28a: {  	s9 =	smov.u32 s0;
	v13 =	vor.u32 $0x3800, v6;
	v14 =	vor.u32 $0x4000, v6;
	v15 =	vor.u32 $0x4800, v6;
	s5 =	sshll.u32 s1, $0xC;
	_ =	swait.ge [sflag:s8], $0x400  }
0x28b: {  	s12 =	simm.s32 $0x0;
	v16 =	vor.u32 $0x5000, v6;
	v17 =	vor.u32 $0x5800, v6;
	v18 =	vor.u32 $0x6000, v6;
	s1 =	sadd.s32 $0x5400, s5;
	[sflag:s8] =	ssyncset.done $0x0  }
0x28c: {  	v19 =	vor.u32 $0x6800, v6;
	v20 =	vor.u32 $0x7000, v6;
	v21 =	vor.u32 $0x7800, v6;
	s5 =	sadd.s32 $0x3400, s5;
	[sflag:s8] =	ssyncadd.s32 $0xFFFFFC00;
	s8 =	simm.s32 $0x0  }
.LBB2_13:
0x28d: {  	v24 =	vld [tilespmem:s5+$0xFFFFF800];
	s14 =	sshrl.u32 s12, $0x3  }
0x28e: {  	v27 =	vld [tilespmem:s5+$0xFFFFF900];
	v22 =	vmov s14  }
0x28f: {  	s18 =	sand.u32 $0x70, s8;
	v22 =	vshll.u32 v22, $0xA  }
0x290: {  	v25 =	vmul.u32 $0x8, v0;
	v63 =	vld [tilespmem:s5+$0xFFFFFA00];
	v23 =	vmov s18;
	v22 =	vbroadcast v22, $0x0  }
0x291: {  	v42 =	vld [tilespmem:s5+$0xFFFFFB00];
	v23 =	vshll.u32 v23, $0x3  }
0x292: {  	v23 =	vor.u32 v25, v23;
	v26 =	vand.u32 $0xFFFFFFF8, v24;
	v28 =	vor.u32 v6, v22  }
0x293: {  	v62 =	vadd.s32 $0x1, v24;
	v24 =	vand.u32 $0x7, v24;
	v35 =	vand.u32 $0xFFFFFFF8, v27  }
0x294: {  	v36 =	vor.u32 v7, v22;
	v30 =	vadd.s32 $0x1, v27;
	v27 =	vand.u32 $0x7, v27  }
0x295: {  	v39 =	vor.u32 v8, v22;
	v40 =	vand.u32 $0xFFFFFFF8, v63;
	v32 =	vadd.s32 $0x1, v63  }
0x296: {  	v34 =	vor.u32 v9, v22;
	v45 =	vand.u32 $0x7, v42;
	v47 =	vadd.s32 $0x1, v42  }
0x297: {  	v28 =	vor.u32 v23, v28;
	v29 =	vand.u32 $0xFFFFFFF8, v62;
	v25 =	vand.u32 $0x7, v62  }
0x298: {  	v37 =	vld [tilespmem:s1+$0xFFFFF800];
	v31 =	vand.u32 $0xFFFFFFF8, v30;
	v30 =	vand.u32 $0x7, v30;
	v26 =	vadd.s32 v28, v26  }
0x299: {  	v46 =	vld [tilespmem:s5+$0xFFFFFC00];
	v28 =	vadd.s32 v28, v29;
	v29 =	vor.u32 v23, v36;
	v24 =	vor.u32 v24, v26  }
0x29a: {  	v52 =	vld [tilespmem:s5+$0xFFFFFD00];
	v25 =	vor.u32 v25, v28;
	v28 =	vadd.s32 v29, v35;
	v29 =	vadd.s32 v29, v31  }
0x29b: {  	v43 =	vld [tilespmem:s1+$0xFFFFF900];
	v27 =	vor.u32 v27, v28;
	v38 =	vor.u32 v30, v29;
	v29 =	vor.u32 v23, v39  }
0x29c: {  	v44 =	vld [tilespmem:s1+$0xFFFFFA00];
	v33 =	vand.u32 $0xFFFFFFF8, v32;
	v26 =	vand.u32 $0x7, v63;
	v30 =	vadd.s32 v29, v40  }
0x29d: {  	v57 =	vld [tilespmem:s5+$0xFFFFFE00];
	v41 =	vand.u32 $0x7, v32;
	v29 =	vadd.s32 v29, v33;
	v26 =	vor.u32 v26, v30  }
0x29e: {  	v53 =	vand.u32 $0xFFFFFFF8, v46;
	v54 =	vor.u32 v10, v22;
	v29 =	vor.u32 v41, v29;
	v24 =	vld.idx.msk [tilespmem:v24+s13+$0x0], $0xffff  }
0x29f: {  	v55 =	vadd.s32 $0x1, v46;
	v58 =	vand.u32 $0xFFFFFFF8, v52;
	v59 =	vor.u32 v11, v22;
	v25 =	vld.idx.msk [tilespmem:v25+s13+$0x0], $0xffff  }
0x2a0: {  	v60 =	vadd.s32 $0x1, v52;
	v34 =	vor.u32 v23, v34;
	v35 =	vand.u32 $0xFFFFFFF8, v42;
	v27 =	vld.idx.msk [tilespmem:v27+s13+$0x0], $0xffff  }
0x2a1: {  	v50 =	vand.u32 $0xFFFFFFF8, v47;
	v56 =	vand.u32 $0xFFFFFFF8, v55;
	v35 =	vadd.s32 v34, v35;
	v28 =	vld.idx.msk [tilespmem:v38+s13+$0x0], $0xffff  }
0x2a2: {  	v32 =	vand.u32 $0x7, v55;
	v36 =	vand.u32 $0xFFFFFFF8, v60;
	v31 =	vor.u32 v45, v35;
	v26 =	vld.idx.msk [tilespmem:v26+s13+$0x0], $0xffff  }
0x2a3: {  	v33 =	vand.u32 $0x7, v46;
	v35 =	vand.u32 $0x7, v60;
	v45 =	vand.u32 $0xFFFFFFF8, v57;
	v29 =	vld.idx.msk [tilespmem:v29+s13+$0x0], $0xffff  }
0x2a4: {  	v46 =	vor.u32 v12, v22;
	v30 =	vadd.s32 v34, v50;
	v24 =	vmul.f32 v24, v37  }
0x2a5: {  	v34 =	vor.u32 v23, v59;
	v25 =	vmul.f32 v25, v37;
	v37 =	vadd.s32 $0x1, v57  }
0x2a6: {  	v27 =	vmul.f32 v27, v43;
	v28 =	vmul.f32 v28, v43;
	v24 =	vadd.f32 $0.0e+00, v24  }
0x2a7: {  	v38 =	vand.u32 $0xFFFFFFF8, v37;
	v25 =	vadd.f32 $0.0e+00, v25;
	v26 =	vmul.f32 v26, v44  }
0x2a8: {  	v49 =	vld [tilespmem:s1+$0xFFFFFB00];
	v48 =	vmul.f32 v29, v44;
	v24 =	vadd.f32 v27, v24;
	v27 =	vand.u32 $0x7, v47  }
0x2a9: {  	v62 =	vld [tilespmem:s5+$0xFFFFFF00];
	v25 =	vadd.f32 v28, v25;
	v51 =	vor.u32 v27, v30;
	v30 =	vor.u32 v23, v54  }
0x2aa: {  	v55 =	vld [tilespmem:s5+$0x100];
	v27 =	vand.u32 $0x7, v52;
	v28 =	vadd.s32 v30, v53;
	v30 =	vadd.s32 v30, v56  }
0x2ab: {  	v63 =	vld [tilespmem:s1+$0xFFFFFC00];
	v28 =	vor.u32 v33, v28;
	v30 =	vor.u32 v32, v30;
	v33 =	vadd.s32 v34, v58  }
0x2ac: {  	v50 =	vld [tilespmem:s1+$0xFFFFFD00];
	v34 =	vadd.s32 v34, v36;
	v32 =	vand.u32 $0x7, v57;
	v36 =	vor.u32 v23, v46  }
0x2ad: {  	v31 =	vld.idx.msk [tilespmem:v31+s13+$0x0], $0xffff;
	v27 =	vor.u32 v27, v33;
	v61 =	vor.u32 v35, v34;
	v35 =	vadd.s32 v36, v45  }
0x2ae: {  	v37 =	vand.u32 $0x7, v37;
	v56 =	vld [tilespmem:s1+$0xFFFFFE00];
	v36 =	vadd.s32 v36, v38;
	v47 =	vor.u32 v32, v35  }
0x2af: {  	v24 =	vadd.f32 v26, v24;
	v25 =	vadd.f32 v48, v25;
	v48 =	vor.u32 v37, v36;
	v26 =	vld.idx.msk [tilespmem:v51+s13+$0x0], $0xffff  }
0x2b0: {  	v39 =	vadd.s32 $0x1, v62;
	v59 =	vor.u32 v15, v22;
	v52 =	vor.u32 v13, v22;
	v28 =	vld.idx.msk [tilespmem:v28+s13+$0x0], $0xffff  }
0x2b1: {  	v40 =	vand.u32 $0xFFFFFFF8, v39;
	v38 =	vor.u32 v23, v52;
	v51 =	vand.u32 $0xFFFFFFF8, v62;
	v30 =	vld.idx.msk [tilespmem:v30+s13+$0x0], $0xffff  }
0x2b2: {  	v39 =	vand.u32 $0x7, v39;
	v37 =	vadd.s32 v38, v51;
	v38 =	vadd.s32 v38, v40;
	v27 =	vld.idx.msk [tilespmem:v27+s13+$0x0], $0xffff  }
0x2b3: {  	v31 =	vmul.f32 v31, v49;
	v33 =	vand.u32 $0x7, v62;
	v53 =	vor.u32 v39, v38;
	v29 =	vld.idx.msk [tilespmem:v47+s13+$0x0], $0xffff  }
0x2b4: {  	v60 =	vand.u32 $0xFFFFFFF8, v55;
	v54 =	vor.u32 v14, v22;
	v33 =	vor.u32 v33, v37;
	v32 =	vld.idx.msk [tilespmem:v48+s13+$0x0], $0xffff  }
0x2b5: {  	v24 =	vadd.f32 v31, v24;
	v51 =	vadd.s32 $0x1, v55;
	v26 =	vmul.f32 v26, v49;
	v49 =	vld [tilespmem:s5+$0x0]  }
0x2b6: {  	v58 =	vld [tilespmem:s1+$0xFFFFFF00];
	v62 =	vand.u32 $0x7, v55;
	v38 =	vor.u32 v23, v54;
	v52 =	vand.u32 $0xFFFFFFF8, v51  }
0x2b7: {  	v31 =	vld.idx.msk [tilespmem:v61+s13+$0x0], $0xffff;
	v25 =	vadd.f32 v26, v25;
	v28 =	vmul.f32 v28, v63;
	v30 =	vmul.f32 v30, v63  }
0x2b8: {  	v54 =	vor.u32 v16, v22;
	v61 =	vld.idx.msk [tilespmem:v53+s13+$0x0], $0xffff;
	v53 =	vand.u32 $0x7, v51;
	v27 =	vmul.f32 v27, v50  }
0x2b9: {  	v33 =	vld.idx.msk [tilespmem:v33+s13+$0x0], $0xffff;
	v24 =	vadd.f32 v28, v24;
	v25 =	vadd.f32 v30, v25;
	v44 =	vmul.f32 v29, v56  }
0x2ba: {  	v55 =	vld [tilespmem:s5+$0x300];
	v46 =	vmul.f32 v32, v56;
	v29 =	vor.u32 v23, v54;
	v41 =	vand.u32 $0xFFFFFFF8, v49  }
0x2bb: {  	v51 =	vld [tilespmem:s5+$0x600];
	v42 =	vadd.s32 $0x1, v49;
	v35 =	vand.u32 $0x7, v49;
	v41 =	vadd.s32 v38, v41  }
0x2bc: {  	v49 =	vld [tilespmem:s5+$0x200];
	v43 =	vand.u32 $0xFFFFFFF8, v42;
	v57 =	vand.u32 $0x7, v42;
	v24 =	vadd.f32 v27, v24  }
0x2bd: {  	v35 =	vor.u32 v35, v41;
	v38 =	vadd.s32 v38, v43;
	v41 =	vor.u32 v23, v59  }
0x2be: {  	v47 =	vmul.f32 v33, v58;
	v26 =	vmul.f32 v61, v58;
	v59 =	vor.u32 v17, v22  }
0x2bf: {  	v63 =	vld [tilespmem:s1+$0x0];
	v61 =	vand.u32 $0xFFFFFFF8, v55;
	v38 =	vor.u32 v57, v38;
	v42 =	vadd.s32 v41, v60  }
0x2c0: {  	v32 =	vld [tilespmem:s1+$0x100];
	v39 =	vadd.s32 $0x1, v51;
	v24 =	vadd.f32 v44, v24;
	v37 =	vor.u32 v62, v42  }
0x2c1: {  	v60 =	vld [tilespmem:s5+$0x400];
	v42 =	vmul.f32 v31, v50;
	v62 =	vand.u32 $0x7, v55;
	v27 =	vadd.s32 $0x1, v49  }
0x2c2: {  	v31 =	vadd.s32 $0x1, v55;
	v56 =	vand.u32 $0xFFFFFFF8, v49;
	v58 =	vand.u32 $0xFFFFFFF8, v27;
	v43 =	vld.idx.msk [tilespmem:v35+s13+$0x0], $0xffff  }
0x2c3: {  	v25 =	vadd.f32 v42, v25;
	v33 =	vadd.s32 v29, v56;
	v29 =	vadd.s32 v29, v58;
	v58 =	vld [tilespmem:s5+$0x700]  }
0x2c4: {  	v24 =	vadd.f32 v47, v24;
	v57 =	vand.u32 $0x7, v49;
	v44 =	vand.u32 $0xFFFFFFF8, v31;
	v45 =	vld.idx.msk [tilespmem:v38+s13+$0x0], $0xffff  }
0x2c5: {  	v31 =	vand.u32 $0x7, v31;
	v27 =	vand.u32 $0x7, v27;
	v25 =	vadd.f32 v46, v25;
	v48 =	vld.idx.msk [tilespmem:v37+s13+$0x0], $0xffff  }
0x2c6: {  	v27 =	vor.u32 v27, v29;
	v46 =	vor.u32 v18, v22;
	v34 =	vadd.s32 $0x1, v60  }
0x2c7: {  	v47 =	vand.u32 $0xFFFFFFF8, v60;
	v49 =	vand.u32 $0xFFFFFFF8, v34;
	v34 =	vand.u32 $0x7, v34  }
0x2c8: {  	v25 =	vadd.f32 v26, v25;
	v26 =	vadd.s32 v41, v52;
	v50 =	vmul.f32 v43, v63  }
0x2c9: {  	v26 =	vor.u32 v53, v26;
	v42 =	vadd.s32 $0x1, v58;
	v28 =	vmul.f32 v45, v63  }
0x2ca: {  	v24 =	vadd.f32 v50, v24;
	v30 =	vmul.f32 v48, v32;
	v48 =	vand.u32 $0x7, v60  }
0x2cb: {  	v50 =	vor.u32 v19, v22;
	v60 =	vand.u32 $0x7, v51;
	v25 =	vadd.f32 v28, v25  }
0x2cc: {  	v45 =	vld [tilespmem:s5+$0x500];
	v28 =	vor.u32 v57, v33;
	v33 =	vor.u32 v23, v59;
	v38 =	vor.u32 v23, v50  }
0x2cd: {  	v36 =	vld [tilespmem:s1+$0x200];
	v57 =	vor.u32 v20, v22;
	v59 =	vand.u32 $0xFFFFFFF8, v51;
	v22 =	vor.u32 v21, v22  }
0x2ce: {  	v54 =	vld [tilespmem:s1+$0x300];
	v24 =	vadd.f32 v30, v24;
	v30 =	vadd.s32 v33, v61;
	v22 =	vor.u32 v23, v22  }
0x2cf: {  	v27 =	vld.idx.msk [tilespmem:v27+s13+$0x0], $0xffff;
	v63 =	vor.u32 v62, v30;
	v30 =	vadd.s32 v33, v44;
	v33 =	vor.u32 v23, v46  }
0x2d0: {  	v51 =	vld [tilespmem:s1+$0x600];
	v62 =	vand.u32 $0xFFFFFFF8, v39;
	v39 =	vand.u32 $0x7, v39;
	v30 =	vor.u32 v31, v30  }
0x2d1: {  	v26 =	vld.idx.msk [tilespmem:v26+s13+$0x0], $0xffff;
	v31 =	vadd.s32 v33, v47;
	v52 =	vand.u32 $0xFFFFFFF8, v45;
	v33 =	vadd.s32 v33, v49  }
0x2d2: {  	v61 =	vld [tilespmem:s1+$0x400];
	v53 =	vand.u32 $0x7, v45;
	v35 =	vadd.s32 $0x1, v45;
	v45 =	vand.u32 $0x7, v58  }
0x2d3: {  	v31 =	vor.u32 v48, v31;
	v40 =	vadd.s32 v38, v52;
	v33 =	vor.u32 v34, v33;
	v28 =	vld.idx.msk [tilespmem:v28+s13+$0x0], $0xffff  }
0x2d4: {  	v56 =	vand.u32 $0xFFFFFFF8, v35;
	v55 =	vor.u32 v53, v40;
	v40 =	vor.u32 v23, v57;
	v23 =	vld [tilespmem:s1+$0x500]  }
0x2d5: {  	v49 =	vand.u32 $0x7, v42;
	v35 =	vand.u32 $0x7, v35;
	v37 =	vadd.s32 v38, v56;
	v57 =	vld [tilespmem:s1+$0x700]  }
0x2d6: {  	v48 =	vand.u32 $0xFFFFFFF8, v42;
	v38 =	vadd.s32 v40, v59;
	v35 =	vor.u32 v35, v37;
	v29 =	vld.idx.msk [tilespmem:v63+s13+$0x0], $0xffff  }
0x2d7: {  	v40 =	vadd.s32 v40, v62;
	v38 =	vor.u32 v60, v38;
	v63 =	vand.u32 $0xFFFFFFF8, v58;
	v30 =	vld.idx.msk [tilespmem:v30+s13+$0x0], $0xffff  }
0x2d8: {  	v26 =	vmul.f32 v26, v32;
	v39 =	vor.u32 v39, v40;
	v40 =	vadd.s32 v22, v63;
	v31 =	vld.idx.msk [tilespmem:v31+s13+$0x0], $0xffff  }
0x2d9: {  	v22 =	vadd.s32 v22, v48;
	v33 =	vld.idx.msk [tilespmem:v33+s13+$0x0], $0xffff;
	v47 =	vor.u32 v45, v40;
	v28 =	vmul.f32 v28, v36  }
0x2da: {  	v50 =	vmul.f32 v27, v36;
	v25 =	vadd.f32 v26, v25;
	v22 =	vor.u32 v49, v22;
	v46 =	vld.idx.msk [tilespmem:v55+s13+$0x0], $0xffff  }
0x2db: {  	v35 =	vld.idx.msk [tilespmem:v35+s13+$0x0], $0xffff;
	v24 =	vadd.f32 v28, v24;
	v52 =	vmul.f32 v29, v54  }
0x2dc: {  	v25 =	vadd.f32 v50, v25;
	v53 =	vld.idx.msk [tilespmem:v38+s13+$0x0], $0xffff;
	v54 =	vmul.f32 v30, v54  }
0x2dd: {  	v55 =	vld.idx.msk [tilespmem:v39+s13+$0x0], $0xffff;
	v24 =	vadd.f32 v52, v24;
	v56 =	vmul.f32 v31, v61  }
0x2de: {  	v58 =	vmul.f32 v33, v61;
	v59 =	vld.idx.msk [tilespmem:v47+s13+$0x0], $0xffff;
	v25 =	vadd.f32 v54, v25  }
0x2df: {  	v22 =	vld.idx.msk [tilespmem:v22+s13+$0x0], $0xffff;
	v60 =	vmul.f32 v46, v23;
	v24 =	vadd.f32 v56, v24  }
0x2e0: {  	v23 =	vmul.f32 v35, v23;
	v25 =	vadd.f32 v58, v25  }
0x2e1: {  	v61 =	vmul.f32 v53, v51;
	v24 =	vadd.f32 v60, v24  }
0x2e2: {  	v62 =	vmul.f32 v55, v51;
	v23 =	vadd.f32 v23, v25  }
0x2e3: {  	p2 =	seq.s32 s12, $0xF;
	v63 =	vmul.f32 v59, v57;
	v24 =	vadd.f32 v61, v24  }
.Ltmp4:
0x2e4: {  	v22 =	vmul.f32 v22, v57;
	v23 =	vadd.f32 v62, v23;
	(pc) =	sbr.rel @!p2 .LBB2_13-.Ltmp4, $4  }
0x2e5: {  	v24 =	vadd.f32 v63, v24  }
0x2e6: {  	v22 =	vadd.f32 v22, v23  }
0x2e7: {  	s8 =	sadd.s32 $0x10, s8;
	s12 =	sadd.s32 $0x1, s12;
	[tilespmem:s9+$0xFFFFFF00] =	vst v24  }
0x2e8: {  	s5 =	sadd.s32 $0x10, s5;
	s1 =	sadd.s32 $0x10, s1;
	[tilespmem:s9+$0x0] =	vst v22;
	s9 =	sadd.s32 $0x10, s9  }
0x2e9: {  	p2 =	seq.s32 s3, $0x10  }
.Ltmp5:
0x2ea: {  	_ = 	snop;
	(pc) =	sbr.rel @!p2 .LBB2_8-.Ltmp5, $2  }
0x2eb: {  	_ =	sdelay $0x2  }
0x2ec: {  	p0 =	por !p0, !p0;
	s0 =	sadd.s32 $0x200, s0;
	p1 =	por !p1, !p1  }
0x2ed: {  	s30 =	sadd.s32 $0x1, s30  }
0x2ee: {  	s0 =	sshll.u32 s31, $0xA;
	p0 =	sne.s32 s30, $0x10  }
.Ltmp6:
0x2ef: {  	s0 =	sadd.s32 s6, s0;
	(pc) =	sbr.rel @p0 .LBB2_2-.Ltmp6, $4  }
0x2f0: {  	[hbm4b:s0+s2] =	stream.linear.scatter [tilespmem:s29], [sflag:$0x3], $0x2000, $0x38;
	[tilespmem:$0x18C00] =	vst v63  }
0x2f1: {  	_ =	swait.ge [sflag:s10], $0x2000  }
0x2f2: {  	[sflag:s10] =	ssyncset.done $0x0  }
0x2f3: {  	[sflag:s10] =	ssyncadd.s32 $0xFFFFE000  }
0x2f4: {  	s1 =	rddreg [dreg:$0x5]  }
0x2f5: {  	s0 =	rddreg [dreg:$0x4];
	s1 =	sadd.s32 $0x1, s1  }
0x2f6: {  	p0 =	sne.s32 s1, s0  }
.Ltmp7:
0x2f7: {  	_ = 	snop;
	(pc) =	sbr.rel @p0 .LBB2_1-.Ltmp7, $1  }
0x2f8: {  	_ =	sdelay $0x3  }
0x2f9: {  	_ =	sfence.sel $0x180000  }
0x2fa: {  	[bflag:$0x0] =	sbarrier.arrive $0xFFFF  }
0x2fb: {  	_ =	strace $0x90000047  }
0x2fc: {  	s0 =	stileid.u32;
	[bflag:$0x2] =	sbarrier.arrive $0xFFFF  }
0x2fd: {  	p0 =	sne.s32 s0, $0x0;
	s0 =	rddreg [dreg:$0x2]  }
0x2fe: {  	s0 =	sadd.s32 @!p0 $0x100000, s0  }
0x2ff: {  	[sflag:s0] =	ssyncadd.tile.s32 @!p0 $0x1;
	_ =	shalt  }
.Lfunc_end2:
_tile_overlayer_lowered:
.L_overlay_start_2:
0x300: {  	(tag) =	ssettag $0x2  }
0x301: {  	s0 =	rddreg [dreg:$0x0];
	s2 =	stileid.u32  }
0x302: {  	s1 =	rddreg [dreg:$0x1];
	p0 =	sne.s32 s2, $0x0  }
0x303: {  	s3 =	rddreg [dreg:$0x2];
	[bflag:$0x3] =	sbarrier.arrive $0xFFFF;
	s2 =	simm.s32 @!p0 $0x1C03  }
0x304: {  	[timem:s3], [sflag:s2] =	dma.local @!p0 [hbm:s0], s1  }
0x305: {  	s0 =	simm.s32 @!p0 $0x3  }
0x306: {  	_ =	swait.ge @!p0 [sflag:s0], s1  }
0x307: {  	s1 =	ssub.s32 @!p0 $0x0, s1;
	[sflag:s0] =	ssyncset.done @!p0 $0x0  }
0x308: {  	[sflag:s0] =	ssyncadd.s32 @!p0 s1  }
0x309: {  	[bflag:$0x3] =	sbarrier.arrive $0xFFFF  }
0x30a: {  	_ =	shalt  }

</sc_bundles>
